<compile_context>
chip_gen: v7x
topology: tpu7x:2x2x1
jax: 0.10.2.dev20260603
libtpu: 0.0.44.dev20260713+nightly
codegen_flags: <defaults>
</compile_context>

<pallas_src>
import functools

import jax
import jax.numpy as jnp
from jax import lax
from jax.experimental import pallas as pl
from jax.experimental.pallas import tpu as pltpu
from jax.experimental.pallas import tpu_sc as plsc

_NC = 2
_NS = 16
_NW = _NC * _NS
_CH = 128
_ZR = 64


def _sc_mean_agg(D, n_acc, cpw, with_counts, nb):
    mesh = plsc.VectorSubcoreMesh(core_axis_name="c", subcore_axis_name="s",
                                  num_cores=_NC, num_subcores=_NS)
    out_type = [jax.ShapeDtypeStruct((_NC, n_acc, D), jnp.float32)]
    scratch = [
        pltpu.VMEM((cpw, _CH), jnp.int32),
        pltpu.VMEM((cpw, _CH), jnp.int32),
        pltpu.VMEM((2, nb, _CH, D), jnp.float32),
        pltpu.VMEM((_ZR, D), jnp.float32),
        pltpu.SemaphoreType.DMA,
        pltpu.SemaphoreType.DMA,
        pltpu.SemaphoreType.DMA,
        pltpu.VMEM_SHARED((n_acc, D), jnp.float32),
    ]
    if with_counts:
        out_type.append(jax.ShapeDtypeStruct((_NC, n_acc, 16), jnp.float32))
        scratch += [
            pltpu.VMEM((_CH, 16), jnp.float32),
            pltpu.VMEM((_ZR, 16), jnp.float32),
            pltpu.SemaphoreType.DMA,
            pltpu.VMEM_SHARED((n_acc, 16), jnp.float32),
        ]

    def body(h_hbm, src_hbm, dst_hbm, *refs):
        if with_counts:
            (sum_hbm, cnt_hbm, src_v, dst_v, rows_v, zero_v, gsem, ssem,
             psem, acc_sh, ones_v, zero16_v, osem, cnt_sh) = refs
        else:
            (sum_hbm, src_v, dst_v, rows_v, zero_v, gsem, ssem, psem,
             acc_sh) = refs
        cid = lax.axis_index("c")
        sid = lax.axis_index("s")
        wid = sid * _NC + cid

        cp_src = pltpu.async_copy(src_hbm.at[pl.ds(wid * cpw, cpw)], src_v,
                                  psem)
        cp_dst = pltpu.async_copy(dst_hbm.at[pl.ds(wid * cpw, cpw)], dst_v,
                                  psem)

        zv = jnp.zeros((16,), jnp.float32)

        def zfill(i, _):
            for k in range(D // 16):
                zero_v[i, pl.ds(k * 16, 16)] = zv
            if with_counts:
                zero16_v[i, :] = zv
            return 0

        lax.fori_loop(0, _ZR, zfill, 0)
        if with_counts:
            ov = jnp.ones((16,), jnp.float32)

            def ofill(i, _):
                ones_v[i, :] = ov
                return 0

            lax.fori_loop(0, _CH, ofill, 0)

        rps = n_acc // _NS
        nz = rps // _ZR
        for t in range(nz):
            base = sid * rps + t * _ZR
            pltpu.async_copy(zero_v, acc_sh.at[pl.ds(base, _ZR)], ssem)
            if with_counts:
                pltpu.async_copy(zero16_v, cnt_sh.at[pl.ds(base, _ZR)],
                                 osem)
        for t in range(nz):
            pltpu.make_async_copy(
                zero_v, acc_sh.at[pl.ds(sid * rps, _ZR)], ssem).wait()
            if with_counts:
                pltpu.make_async_copy(
                    zero16_v, cnt_sh.at[pl.ds(sid * rps, _ZR)], osem).wait()
        cp_src.wait()
        cp_dst.wait()
        plsc.subcore_barrier()

        ngrp = cpw // nb

        def fire_gathers(g, h):
            for k in range(nb):
                pltpu.async_copy(h_hbm.at[src_v.at[g * nb + k]],
                                 rows_v.at[h, k], gsem)

        fire_gathers(0, 0)

        def one_group(g, h):
            for k in range(nb):
                pltpu.make_async_copy(
                    h_hbm.at[src_v.at[0]], rows_v.at[0, k], gsem).wait()

            @pl.when(g > 0)
            def _drain():
                for k in range(nb):
                    pltpu.make_async_copy(
                        rows_v.at[0, k], acc_sh.at[dst_v.at[0]],
                        ssem).wait()
                    if with_counts:
                        pltpu.make_async_copy(
                            ones_v, cnt_sh.at[dst_v.at[0]], osem).wait()

            @pl.when(g + 1 < ngrp)
            def _next():
                for k in range(nb):
                    pltpu.async_copy(
                        h_hbm.at[src_v.at[(g + 1) * nb + k]],
                        rows_v.at[1 - h, k], gsem)

            for k in range(nb):
                pltpu.async_copy(rows_v.at[h, k],
                                 acc_sh.at[dst_v.at[g * nb + k]], ssem,
                                 add=True)
                if with_counts:
                    pltpu.async_copy(ones_v,
                                     cnt_sh.at[dst_v.at[g * nb + k]], osem,
                                     add=True)

        def group_pair(p, _):
            one_group(p * 2, 0)
            one_group(p * 2 + 1, 1)
            return 0

        lax.fori_loop(0, ngrp // 2, group_pair, 0)
        for k in range(nb):
            pltpu.make_async_copy(
                rows_v.at[0, k], acc_sh.at[dst_v.at[0]], ssem).wait()
            if with_counts:
                pltpu.make_async_copy(
                    ones_v, cnt_sh.at[dst_v.at[0]], osem).wait()
        plsc.subcore_barrier()

        out_base = sid * rps
        pltpu.sync_copy(acc_sh.at[pl.ds(out_base, rps)],
                        sum_hbm.at[cid, pl.ds(out_base, rps)])
        if with_counts:
            pltpu.sync_copy(cnt_sh.at[pl.ds(out_base, rps)],
                            cnt_hbm.at[cid, pl.ds(out_base, rps)])

    return pl.kernel(body, out_type=out_type, mesh=mesh,
                     scratch_types=scratch,
                     compiler_params=pltpu.CompilerParams(
                         use_tc_tiling_on_sc=False))


def kernel(x, edge_index, c1_W1, c1_b1, c1_W2, c1_b2,
           c2_W1, c2_b1, c2_W2, c2_b2, l1_W, l1_b, l2_W, l2_b):
    N, D = x.shape
    E = edge_index.shape[1]
    H1 = c1_W1.shape[1]
    H2 = c2_W1.shape[1]

    cpw = (-(-E // (_CH * _NW)) + 7) // 8 * 8
    n_chunks = cpw * _NW
    e_pad = n_chunks * _CH
    n_acc = (N // (_NS * _ZR) + 1) * (_NS * _ZR)
    scrap = n_acc - N

    src = edge_index[0]
    dst = edge_index[1]
    pad = e_pad - E
    src_p = jnp.concatenate([src, jnp.zeros((pad,), jnp.int32)])
    dst_p = jnp.concatenate(
        [dst, N + (jnp.arange(pad, dtype=jnp.int32) % scrap)])
    src2 = src_p.reshape(n_chunks, _CH)
    dst2 = dst_p.reshape(n_chunks, _CH)

    f32 = jnp.float32

    def tc1(x_ref, w_ref, b_ref, o_ref):
        o_ref[...] = jnp.maximum(
            jnp.dot(x_ref[...], w_ref[...], preferred_element_type=f32)
            + b_ref[...], 0.0)

    h1 = pl.pallas_call(
        tc1, out_shape=jax.ShapeDtypeStruct((N, H1), f32),
    )(x, c1_W1, c1_b1.reshape(1, H1))

    sum1, cnt1 = _sc_mean_agg(H1, n_acc, cpw, True, 2)(h1, src2, dst2)

    def tc2(x_ref, s_ref, c_ref, w2_ref, b2_ref, w3_ref, b3_ref,
            x2_ref, h2_ref):
        s = s_ref[0][:N] + s_ref[1][:N]
        cnt = jnp.max(c_ref[0][:N] + c_ref[1][:N], axis=1, keepdims=True)
        m = s / jnp.maximum(cnt, 1.0)
        a = (jnp.dot(x_ref[...], w2_ref[:D], preferred_element_type=f32)
             + jnp.dot(m, w2_ref[D:], preferred_element_type=f32)
             + b2_ref[...])
        x2 = jnp.maximum(a, 0.0)
        x2_ref[...] = x2
        h2_ref[...] = jnp.maximum(
            jnp.dot(x2, w3_ref[...], preferred_element_type=f32)
            + b3_ref[...], 0.0)

    x2, h2 = pl.pallas_call(
        tc2, out_shape=[jax.ShapeDtypeStruct((N, D), f32),
                        jax.ShapeDtypeStruct((N, H2), f32)],
    )(x, sum1, cnt1, c1_W2, c1_b2.reshape(1, -1), c2_W1,
      c2_b1.reshape(1, H2))

    (sum2,) = _sc_mean_agg(H2, n_acc, cpw, False, 5)(h2, src2, dst2)

    def tc3(x2_ref, s_ref, c_ref, w2_ref, b2_ref, wl1_ref, bl1_ref,
            wl2_ref, bl2_ref, y_ref):
        s = s_ref[0][:N] + s_ref[1][:N]
        cnt = jnp.max(c_ref[0][:N] + c_ref[1][:N], axis=1, keepdims=True)
        m = s / jnp.maximum(cnt, 1.0)
        a = (jnp.dot(x2_ref[...], w2_ref[:D], preferred_element_type=f32)
             + jnp.dot(m, w2_ref[D:], preferred_element_type=f32)
             + b2_ref[...])
        o2 = jnp.maximum(a, 0.0)
        h3 = jnp.maximum(
            jnp.dot(o2, wl1_ref[...], preferred_element_type=f32)
            + bl1_ref[...], 0.0)
        y_ref[...] = (jnp.dot(h3, wl2_ref[...], preferred_element_type=f32)
                      + bl2_ref[...])

    y = pl.pallas_call(
        tc3, out_shape=jax.ShapeDtypeStruct((N, 1), f32),
    )(x2, sum2, cnt1, c2_W2, c2_b2.reshape(1, -1), l1_W,
      l1_b.reshape(1, -1), l2_W, l2_b.reshape(1, -1))
    return y

# --- scband reference (transcript-rebuilt; emitter-appended) ---
"""Pipeline reference for scband-predictor-exp-graph-conv-61529701482519 (READ-ONLY COPY).

The authoritative reference and input builder live on the scoring server;
editing this copy changes nothing except your own understanding.
"""

import jax, jax.numpy as jnp
import numpy as np

N = 10000
E = 320000
D = 128


def setup_inputs(seed: int = 0) -> dict:
    key = jax.random.key(seed)
    ks = jax.random.split(key, 16)
    inp = {}
    inp["x"] = jax.random.normal(ks[0], (N, D), dtype=jnp.float32)
    inp["edge_index"] = jax.random.randint(ks[1], (2, E), 0, N, dtype=jnp.int32)
    # ExpGraphConv 1: in=128, hidden=64, out=128
    inp["c1_W1"] = jax.random.normal(ks[2], (128, 64), dtype=jnp.float32) / np.sqrt(128.0)
    inp["c1_b1"] = jnp.zeros((64,), dtype=jnp.float32)
    inp["c1_W2"] = jax.random.normal(ks[3], (128 + 64, 128), dtype=jnp.float32) / np.sqrt(192.0)
    inp["c1_b2"] = jnp.zeros((128,), dtype=jnp.float32)
    # ExpGraphConv 2: in=128, hidden=32, out=64
    inp["c2_W1"] = jax.random.normal(ks[4], (128, 32), dtype=jnp.float32) / np.sqrt(128.0)
    inp["c2_b1"] = jnp.zeros((32,), dtype=jnp.float32)
    inp["c2_W2"] = jax.random.normal(ks[5], (128 + 32, 64), dtype=jnp.float32) / np.sqrt(160.0)
    inp["c2_b2"] = jnp.zeros((64,), dtype=jnp.float32)
    # lin1: 64 -> 32, lin2: 32 -> 1
    inp["l1_W"] = jax.random.normal(ks[6], (64, 32), dtype=jnp.float32) / np.sqrt(64.0)
    inp["l1_b"] = jnp.zeros((32,), dtype=jnp.float32)
    inp["l2_W"] = jax.random.normal(ks[7], (32, 1), dtype=jnp.float32) / np.sqrt(32.0)
    inp["l2_b"] = jnp.zeros((1,), dtype=jnp.float32)
    return inp


def _mean_aggr(msg, dst, n_nodes):
    s = jax.ops.segment_sum(msg, dst, num_segments=n_nodes)
    cnt = jax.ops.segment_sum(jnp.ones((msg.shape[0], 1), msg.dtype), dst, num_segments=n_nodes)
    return s / jnp.maximum(cnt, 1.0)


def _exp_graph_conv(x, edge_index, W1, b1, W2, b2):
    # message MLP on neighbor features, mean aggregation, combine with root via concat+linear
    h = jax.nn.relu(x @ W1 + b1)
    src = edge_index[0]
    dst = edge_index[1]
    m = _mean_aggr(h[src], dst, x.shape[0])
    return jnp.concatenate([x, m], axis=-1) @ W2 + b2


def reference(x, edge_index, c1_W1, c1_b1, c1_W2, c1_b2, c2_W1, c2_b1, c2_W2, c2_b2, l1_W, l1_b, l2_W, l2_b):
    h = jax.nn.relu(_exp_graph_conv(x, edge_index, c1_W1, c1_b1, c1_W2, c1_b2))
    h = jax.nn.relu(_exp_graph_conv(h, edge_index, c2_W1, c2_b1, c2_W2, c2_b2))
    h = jax.nn.relu(h @ l1_W + l1_b)
    return h @ l2_W + l2_b

if __name__ == "__main__":
    import jax
    _d = setup_inputs()
    print(jax.jit(kernel)(*tuple(_d.values())))

</pallas_src>

<mosaic_0001>
#map = affine_map<(d0, d1) -> (0, 0)>
#map1 = affine_map<(d0, d1) -> (0, 0, 0)>
module attributes {stable_mosaic.version = 14 : i64} {
  func.func @body(%arg0: i32, %arg1: i32, %arg2: memref<10000x64xf32, #tpu.memory_space<hbm>>, %arg3: memref<2560x128xi32, #tpu.memory_space<hbm>>, %arg4: memref<2560x128xi32, #tpu.memory_space<hbm>>, %arg5: memref<2x10240x64xf32, #tpu.memory_space<hbm>>, %arg6: memref<2x10240x16xf32, #tpu.memory_space<hbm>>, %arg7: memref<80x128xi32, #tpu.memory_space<vmem>>, %arg8: memref<80x128xi32, #tpu.memory_space<vmem>>, %arg9: memref<2x2x128x64xf32, #tpu.memory_space<vmem>>, %arg10: memref<64x64xf32, #tpu.memory_space<vmem>>, %arg11: memref<!tpu.dma_semaphore, #tpu.memory_space<semaphore_mem>>, %arg12: memref<!tpu.dma_semaphore, #tpu.memory_space<semaphore_mem>>, %arg13: memref<!tpu.dma_semaphore, #tpu.memory_space<semaphore_mem>>, %arg14: memref<10240x64xf32, #tpu.memory_space<vmem_shared>>, %arg15: memref<128x16xf32, #tpu.memory_space<vmem>>, %arg16: memref<64x16xf32, #tpu.memory_space<vmem>>, %arg17: memref<!tpu.dma_semaphore, #tpu.memory_space<semaphore_mem>>, %arg18: memref<10240x16xf32, #tpu.memory_space<vmem_shared>>) attributes {dimension_semantics = [#tpu.dimension_semantics<core_parallel>, #tpu.dimension_semantics<subcore_parallel>], iteration_bounds = array<i64: 2, 16>, scalar_prefetch = 0 : i64, scratch_operands = 12 : i64, tpu.core_type = #tpu.core_type<sc_vector_subcore>, window_params = [{transform_indices = #map}, {transform_indices = #map}, {transform_indices = #map}, {transform_indices = #map1}, {transform_indices = #map1}]} {
    %mul3A = arith.constant 2 : i32
    %mul3A_0 = arith.muli %arg1, %mul3A : i32
    %add3A = arith.addi %mul3A_0, %arg0 : i32
    %mul3A_1 = arith.constant 80 : i32
    %mul3A_2 = arith.muli %add3A, %mul3A_1 : i32
    %dma_start3A = arith.constant 0 : i32
    %dma_start3A_3 = tpu.memref_slice %arg3[%mul3A_2, %dma_start3A] : memref<2560x128xi32, #tpu.memory_space<hbm>> -> memref<80x128xi32, #tpu.memory_space<hbm>>
    %dma_start3A_4 = arith.constant 0 : i32
    %dma_start3A_5 = tpu.memref_slice %arg3[%mul3A_2, %dma_start3A_4] : memref<2560x128xi32, #tpu.memory_space<hbm>> -> memref<80x128xi32, #tpu.memory_space<hbm>>
    tpu.enqueue_dma source(%dma_start3A_5 : memref<80x128xi32, #tpu.memory_space<hbm>>) target(%arg7 : memref<80x128xi32, #tpu.memory_space<vmem>>) target_semaphore(%arg13 : memref<!tpu.dma_semaphore, #tpu.memory_space<semaphore_mem>>)
    %mul3A_6 = arith.constant 80 : i32
    %mul3A_7 = arith.muli %add3A, %mul3A_6 : i32
    %dma_start3A_8 = arith.constant 0 : i32
    %dma_start3A_9 = tpu.memref_slice %arg4[%mul3A_7, %dma_start3A_8] : memref<2560x128xi32, #tpu.memory_space<hbm>> -> memref<80x128xi32, #tpu.memory_space<hbm>>
    %dma_start3A_10 = arith.constant 0 : i32
    %dma_start3A_11 = tpu.memref_slice %arg4[%mul3A_7, %dma_start3A_10] : memref<2560x128xi32, #tpu.memory_space<hbm>> -> memref<80x128xi32, #tpu.memory_space<hbm>>
    tpu.enqueue_dma source(%dma_start3A_11 : memref<80x128xi32, #tpu.memory_space<hbm>>) target(%arg8 : memref<80x128xi32, #tpu.memory_space<vmem>>) target_semaphore(%arg13 : memref<!tpu.dma_semaphore, #tpu.memory_space<semaphore_mem>>)
    %broadcast_in_dim3A = arith.constant 0.000000e+00 : f32
    %broadcast_in_dim3A_12 = vector.broadcast %broadcast_in_dim3A : f32 to vector<16xf32>
    %scan3A = arith.constant 0 : i32
    %scan3A_13 = arith.constant 0 : i32
    %scan3A_14 = arith.constant 64 : i32
    %scan3A_15 = arith.addi %scan3A_13, %scan3A_14 : i32
    %scan3A_16 = arith.constant 1 : i32
    %scan3A_17 = scf.for %scan3A_351 = %scan3A_13 to %scan3A_15 step %scan3A_16 iter_args(%scan3A_352 = %scan3A) -> (i32)  : i32 {
      %swap3A = arith.index_cast %scan3A_351 : i32 to index
      %swap3A_353 = arith.constant 0 : index
      %swap3A_354 = tpu.vector_load %arg10[%swap3A, %swap3A_353] {strides = array<i32>} : memref<64x64xf32, #tpu.memory_space<vmem>>, vector<1x16xf32>,
      %swap3A_355 = vector.shape_cast %swap3A_354 : vector<1x16xf32> to vector<16xf32>
      %swap3A_356 = vector.shape_cast %broadcast_in_dim3A_12 : vector<16xf32> to vector<1x16xf32>
      tpu.vector_store %arg10[%swap3A, %swap3A_353], %swap3A_356 {strides = array<i32>} : memref<64x64xf32, #tpu.memory_space<vmem>>, vector<1x16xf32>,
      %swap3A_357 = arith.index_cast %scan3A_351 : i32 to index
      %swap3A_358 = arith.constant 16 : index
      %swap3A_359 = tpu.vector_load %arg10[%swap3A_357, %swap3A_358] {strides = array<i32>} : memref<64x64xf32, #tpu.memory_space<vmem>>, vector<1x16xf32>,
      %swap3A_360 = vector.shape_cast %swap3A_359 : vector<1x16xf32> to vector<16xf32>
      %swap3A_361 = vector.shape_cast %broadcast_in_dim3A_12 : vector<16xf32> to vector<1x16xf32>
      tpu.vector_store %arg10[%swap3A_357, %swap3A_358], %swap3A_361 {strides = array<i32>} : memref<64x64xf32, #tpu.memory_space<vmem>>, vector<1x16xf32>,
      %swap3A_362 = arith.index_cast %scan3A_351 : i32 to index
      %swap3A_363 = arith.constant 32 : index
      %swap3A_364 = tpu.vector_load %arg10[%swap3A_362, %swap3A_363] {strides = array<i32>} : memref<64x64xf32, #tpu.memory_space<vmem>>, vector<1x16xf32>,
      %swap3A_365 = vector.shape_cast %swap3A_364 : vector<1x16xf32> to vector<16xf32>
      %swap3A_366 = vector.shape_cast %broadcast_in_dim3A_12 : vector<16xf32> to vector<1x16xf32>
      tpu.vector_store %arg10[%swap3A_362, %swap3A_363], %swap3A_366 {strides = array<i32>} : memref<64x64xf32, #tpu.memory_space<vmem>>, vector<1x16xf32>,
      %swap3A_367 = arith.index_cast %scan3A_351 : i32 to index
      %swap3A_368 = arith.constant 48 : index
      %swap3A_369 = tpu.vector_load %arg10[%swap3A_367, %swap3A_368] {strides = array<i32>} : memref<64x64xf32, #tpu.memory_space<vmem>>, vector<1x16xf32>,
      %swap3A_370 = vector.shape_cast %swap3A_369 : vector<1x16xf32> to vector<16xf32>
      %swap3A_371 = vector.shape_cast %broadcast_in_dim3A_12 : vector<16xf32> to vector<1x16xf32>
      tpu.vector_store %arg10[%swap3A_367, %swap3A_368], %swap3A_371 {strides = array<i32>} : memref<64x64xf32, #tpu.memory_space<vmem>>, vector<1x16xf32>,
      %swap3A_372 = arith.index_cast %scan3A_351 : i32 to index
      %swap3A_373 = arith.constant 0 : index
      %swap3A_374 = tpu.vector_load %arg16[%swap3A_372, %swap3A_373] {strides = array<i32>} : memref<64x16xf32, #tpu.memory_space<vmem>>, vector<1x16xf32>,
      %swap3A_375 = vector.shape_cast %swap3A_374 : vector<1x16xf32> to vector<16xf32>
      %swap3A_376 = vector.shape_cast %broadcast_in_dim3A_12 : vector<16xf32> to vector<1x16xf32>
      tpu.vector_store %arg16[%swap3A_372, %swap3A_373], %swap3A_376 {strides = array<i32>} : memref<64x16xf32, #tpu.memory_space<vmem>>, vector<1x16xf32>,
      %scan3A_377 = arith.constant 0 : i32
      scf.yield %scan3A_377 : i32
    }
    %scan3A_18 = arith.constant 64 : i32
    %broadcast_in_dim3A_19 = arith.constant 1.000000e+00 : f32
    %broadcast_in_dim3A_20 = vector.broadcast %broadcast_in_dim3A_19 : f32 to vector<16xf32>
    %scan3A_21 = arith.constant 0 : i32
    %scan3A_22 = arith.constant 0 : i32
    %scan3A_23 = arith.constant 128 : i32
    %scan3A_24 = arith.addi %scan3A_22, %scan3A_23 : i32
    %scan3A_25 = arith.constant 1 : i32
    %scan3A_26 = scf.for %scan3A_351 = %scan3A_22 to %scan3A_24 step %scan3A_25 iter_args(%scan3A_352 = %scan3A_21) -> (i32)  : i32 {
      %swap3A = arith.index_cast %scan3A_351 : i32 to index
      %swap3A_353 = arith.constant 0 : index
      %swap3A_354 = tpu.vector_load %arg15[%swap3A, %swap3A_353] {strides = array<i32>} : memref<128x16xf32, #tpu.memory_space<vmem>>, vector<1x16xf32>,
      %swap3A_355 = vector.shape_cast %swap3A_354 : vector<1x16xf32> to vector<16xf32>
      %swap3A_356 = vector.shape_cast %broadcast_in_dim3A_20 : vector<16xf32> to vector<1x16xf32>
      tpu.vector_store %arg15[%swap3A, %swap3A_353], %swap3A_356 {strides = array<i32>} : memref<128x16xf32, #tpu.memory_space<vmem>>, vector<1x16xf32>,
      %scan3A_357 = arith.constant 0 : i32
      scf.yield %scan3A_357 : i32
    }
    %scan3A_27 = arith.constant 128 : i32
    %mul3A_28 = arith.constant 640 : i32
    %mul3A_29 = arith.muli %arg1, %mul3A_28 : i32
    %add3A_30 = arith.constant 0 : i32
    %add3A_31 = arith.addi %mul3A_29, %add3A_30 : i32
    %dma_start3A_32 = arith.constant 0 : i32
    %dma_start3A_33 = tpu.memref_slice %arg14[%add3A_31, %dma_start3A_32] : memref<10240x64xf32, #tpu.memory_space<vmem_shared>> -> memref<64x64xf32, #tpu.memory_space<vmem_shared>>
    %dma_start3A_34 = arith.constant 0 : i32
    %dma_start3A_35 = tpu.memref_slice %arg14[%add3A_31, %dma_start3A_34] : memref<10240x64xf32, #tpu.memory_space<vmem_shared>> -> memref<64x64xf32, #tpu.memory_space<vmem_shared>>
    tpu.enqueue_dma source(%arg10 : memref<64x64xf32, #tpu.memory_space<vmem>>) target(%dma_start3A_35 : memref<64x64xf32, #tpu.memory_space<vmem_shared>>) target_semaphore(%arg12 : memref<!tpu.dma_semaphore, #tpu.memory_space<semaphore_mem>>)
    %dma_start3A_36 = arith.constant 0 : i32
    %dma_start3A_37 = tpu.memref_slice %arg18[%add3A_31, %dma_start3A_36] : memref<10240x16xf32, #tpu.memory_space<vmem_shared>> -> memref<64x16xf32, #tpu.memory_space<vmem_shared>>
    %dma_start3A_38 = arith.constant 0 : i32
    %dma_start3A_39 = tpu.memref_slice %arg18[%add3A_31, %dma_start3A_38] : memref<10240x16xf32, #tpu.memory_space<vmem_shared>> -> memref<64x16xf32, #tpu.memory_space<vmem_shared>>
    tpu.enqueue_dma source(%arg16 : memref<64x16xf32, #tpu.memory_space<vmem>>) target(%dma_start3A_39 : memref<64x16xf32, #tpu.memory_space<vmem_shared>>) target_semaphore(%arg17 : memref<!tpu.dma_semaphore, #tpu.memory_space<semaphore_mem>>)
    %mul3A_40 = arith.constant 640 : i32
    %mul3A_41 = arith.muli %arg1, %mul3A_40 : i32
    %add3A_42 = arith.constant 64 : i32
    %add3A_43 = arith.addi %mul3A_41, %add3A_42 : i32
    %dma_start3A_44 = arith.constant 0 : i32
    %dma_start3A_45 = tpu.memref_slice %arg14[%add3A_43, %dma_start3A_44] : memref<10240x64xf32, #tpu.memory_space<vmem_shared>> -> memref<64x64xf32, #tpu.memory_space<vmem_shared>>
    %dma_start3A_46 = arith.constant 0 : i32
    %dma_start3A_47 = tpu.memref_slice %arg14[%add3A_43, %dma_start3A_46] : memref<10240x64xf32, #tpu.memory_space<vmem_shared>> -> memref<64x64xf32, #tpu.memory_space<vmem_shared>>
    tpu.enqueue_dma source(%arg10 : memref<64x64xf32, #tpu.memory_space<vmem>>) target(%dma_start3A_47 : memref<64x64xf32, #tpu.memory_space<vmem_shared>>) target_semaphore(%arg12 : memref<!tpu.dma_semaphore, #tpu.memory_space<semaphore_mem>>)
    %dma_start3A_48 = arith.constant 0 : i32
    %dma_start3A_49 = tpu.memref_slice %arg18[%add3A_43, %dma_start3A_48] : memref<10240x16xf32, #tpu.memory_space<vmem_shared>> -> memref<64x16xf32, #tpu.memory_space<vmem_shared>>
    %dma_start3A_50 = arith.constant 0 : i32
    %dma_start3A_51 = tpu.memref_slice %arg18[%add3A_43, %dma_start3A_50] : memref<10240x16xf32, #tpu.memory_space<vmem_shared>> -> memref<64x16xf32, #tpu.memory_space<vmem_shared>>
    tpu.enqueue_dma source(%arg16 : memref<64x16xf32, #tpu.memory_space<vmem>>) target(%dma_start3A_51 : memref<64x16xf32, #tpu.memory_space<vmem_shared>>) target_semaphore(%arg17 : memref<!tpu.dma_semaphore, #tpu.memory_space<semaphore_mem>>)
    %mul3A_52 = arith.constant 640 : i32
    %mul3A_53 = arith.muli %arg1, %mul3A_52 : i32
    %add3A_54 = arith.constant 128 : i32
    %add3A_55 = arith.addi %mul3A_53, %add3A_54 : i32
    %dma_start3A_56 = arith.constant 0 : i32
    %dma_start3A_57 = tpu.memref_slice %arg14[%add3A_55, %dma_start3A_56] : memref<10240x64xf32, #tpu.memory_space<vmem_shared>> -> memref<64x64xf32, #tpu.memory_space<vmem_shared>>
    %dma_start3A_58 = arith.constant 0 : i32
    %dma_start3A_59 = tpu.memref_slice %arg14[%add3A_55, %dma_start3A_58] : memref<10240x64xf32, #tpu.memory_space<vmem_shared>> -> memref<64x64xf32, #tpu.memory_space<vmem_shared>>
    tpu.enqueue_dma source(%arg10 : memref<64x64xf32, #tpu.memory_space<vmem>>) target(%dma_start3A_59 : memref<64x64xf32, #tpu.memory_space<vmem_shared>>) target_semaphore(%arg12 : memref<!tpu.dma_semaphore, #tpu.memory_space<semaphore_mem>>)
    %dma_start3A_60 = arith.constant 0 : i32
    %dma_start3A_61 = tpu.memref_slice %arg18[%add3A_55, %dma_start3A_60] : memref<10240x16xf32, #tpu.memory_space<vmem_shared>> -> memref<64x16xf32, #tpu.memory_space<vmem_shared>>
    %dma_start3A_62 = arith.constant 0 : i32
    %dma_start3A_63 = tpu.memref_slice %arg18[%add3A_55, %dma_start3A_62] : memref<10240x16xf32, #tpu.memory_space<vmem_shared>> -> memref<64x16xf32, #tpu.memory_space<vmem_shared>>
    tpu.enqueue_dma source(%arg16 : memref<64x16xf32, #tpu.memory_space<vmem>>) target(%dma_start3A_63 : memref<64x16xf32, #tpu.memory_space<vmem_shared>>) target_semaphore(%arg17 : memref<!tpu.dma_semaphore, #tpu.memory_space<semaphore_mem>>)
    %mul3A_64 = arith.constant 640 : i32
    %mul3A_65 = arith.muli %arg1, %mul3A_64 : i32
    %add3A_66 = arith.constant 192 : i32
    %add3A_67 = arith.addi %mul3A_65, %add3A_66 : i32
    %dma_start3A_68 = arith.constant 0 : i32
    %dma_start3A_69 = tpu.memref_slice %arg14[%add3A_67, %dma_start3A_68] : memref<10240x64xf32, #tpu.memory_space<vmem_shared>> -> memref<64x64xf32, #tpu.memory_space<vmem_shared>>
    %dma_start3A_70 = arith.constant 0 : i32
    %dma_start3A_71 = tpu.memref_slice %arg14[%add3A_67, %dma_start3A_70] : memref<10240x64xf32, #tpu.memory_space<vmem_shared>> -> memref<64x64xf32, #tpu.memory_space<vmem_shared>>
    tpu.enqueue_dma source(%arg10 : memref<64x64xf32, #tpu.memory_space<vmem>>) target(%dma_start3A_71 : memref<64x64xf32, #tpu.memory_space<vmem_shared>>) target_semaphore(%arg12 : memref<!tpu.dma_semaphore, #tpu.memory_space<semaphore_mem>>)
    %dma_start3A_72 = arith.constant 0 : i32
    %dma_start3A_73 = tpu.memref_slice %arg18[%add3A_67, %dma_start3A_72] : memref<10240x16xf32, #tpu.memory_space<vmem_shared>> -> memref<64x16xf32, #tpu.memory_space<vmem_shared>>
    %dma_start3A_74 = arith.constant 0 : i32
    %dma_start3A_75 = tpu.memref_slice %arg18[%add3A_67, %dma_start3A_74] : memref<10240x16xf32, #tpu.memory_space<vmem_shared>> -> memref<64x16xf32, #tpu.memory_space<vmem_shared>>
    tpu.enqueue_dma source(%arg16 : memref<64x16xf32, #tpu.memory_space<vmem>>) target(%dma_start3A_75 : memref<64x16xf32, #tpu.memory_space<vmem_shared>>) target_semaphore(%arg17 : memref<!tpu.dma_semaphore, #tpu.memory_space<semaphore_mem>>)
    %mul3A_76 = arith.constant 640 : i32
    %mul3A_77 = arith.muli %arg1, %mul3A_76 : i32
    %add3A_78 = arith.constant 256 : i32
    %add3A_79 = arith.addi %mul3A_77, %add3A_78 : i32
    %dma_start3A_80 = arith.constant 0 : i32
    %dma_start3A_81 = tpu.memref_slice %arg14[%add3A_79, %dma_start3A_80] : memref<10240x64xf32, #tpu.memory_space<vmem_shared>> -> memref<64x64xf32, #tpu.memory_space<vmem_shared>>
    %dma_start3A_82 = arith.constant 0 : i32
    %dma_start3A_83 = tpu.memref_slice %arg14[%add3A_79, %dma_start3A_82] : memref<10240x64xf32, #tpu.memory_space<vmem_shared>> -> memref<64x64xf32, #tpu.memory_space<vmem_shared>>
    tpu.enqueue_dma source(%arg10 : memref<64x64xf32, #tpu.memory_space<vmem>>) target(%dma_start3A_83 : memref<64x64xf32, #tpu.memory_space<vmem_shared>>) target_semaphore(%arg12 : memref<!tpu.dma_semaphore, #tpu.memory_space<semaphore_mem>>)
    %dma_start3A_84 = arith.constant 0 : i32
    %dma_start3A_85 = tpu.memref_slice %arg18[%add3A_79, %dma_start3A_84] : memref<10240x16xf32, #tpu.memory_space<vmem_shared>> -> memref<64x16xf32, #tpu.memory_space<vmem_shared>>
    %dma_start3A_86 = arith.constant 0 : i32
    %dma_start3A_87 = tpu.memref_slice %arg18[%add3A_79, %dma_start3A_86] : memref<10240x16xf32, #tpu.memory_space<vmem_shared>> -> memref<64x16xf32, #tpu.memory_space<vmem_shared>>
    tpu.enqueue_dma source(%arg16 : memref<64x16xf32, #tpu.memory_space<vmem>>) target(%dma_start3A_87 : memref<64x16xf32, #tpu.memory_space<vmem_shared>>) target_semaphore(%arg17 : memref<!tpu.dma_semaphore, #tpu.memory_space<semaphore_mem>>)
    %mul3A_88 = arith.constant 640 : i32
    %mul3A_89 = arith.muli %arg1, %mul3A_88 : i32
    %add3A_90 = arith.constant 320 : i32
    %add3A_91 = arith.addi %mul3A_89, %add3A_90 : i32
    %dma_start3A_92 = arith.constant 0 : i32
    %dma_start3A_93 = tpu.memref_slice %arg14[%add3A_91, %dma_start3A_92] : memref<10240x64xf32, #tpu.memory_space<vmem_shared>> -> memref<64x64xf32, #tpu.memory_space<vmem_shared>>
    %dma_start3A_94 = arith.constant 0 : i32
    %dma_start3A_95 = tpu.memref_slice %arg14[%add3A_91, %dma_start3A_94] : memref<10240x64xf32, #tpu.memory_space<vmem_shared>> -> memref<64x64xf32, #tpu.memory_space<vmem_shared>>
    tpu.enqueue_dma source(%arg10 : memref<64x64xf32, #tpu.memory_space<vmem>>) target(%dma_start3A_95 : memref<64x64xf32, #tpu.memory_space<vmem_shared>>) target_semaphore(%arg12 : memref<!tpu.dma_semaphore, #tpu.memory_space<semaphore_mem>>)
    %dma_start3A_96 = arith.constant 0 : i32
    %dma_start3A_97 = tpu.memref_slice %arg18[%add3A_91, %dma_start3A_96] : memref<10240x16xf32, #tpu.memory_space<vmem_shared>> -> memref<64x16xf32, #tpu.memory_space<vmem_shared>>
    %dma_start3A_98 = arith.constant 0 : i32
    %dma_start3A_99 = tpu.memref_slice %arg18[%add3A_91, %dma_start3A_98] : memref<10240x16xf32, #tpu.memory_space<vmem_shared>> -> memref<64x16xf32, #tpu.memory_space<vmem_shared>>
    tpu.enqueue_dma source(%arg16 : memref<64x16xf32, #tpu.memory_space<vmem>>) target(%dma_start3A_99 : memref<64x16xf32, #tpu.memory_space<vmem_shared>>) target_semaphore(%arg17 : memref<!tpu.dma_semaphore, #tpu.memory_space<semaphore_mem>>)
    %mul3A_100 = arith.constant 640 : i32
    %mul3A_101 = arith.muli %arg1, %mul3A_100 : i32
    %add3A_102 = arith.constant 384 : i32
    %add3A_103 = arith.addi %mul3A_101, %add3A_102 : i32
    %dma_start3A_104 = arith.constant 0 : i32
    %dma_start3A_105 = tpu.memref_slice %arg14[%add3A_103, %dma_start3A_104] : memref<10240x64xf32, #tpu.memory_space<vmem_shared>> -> memref<64x64xf32, #tpu.memory_space<vmem_shared>>
    %dma_start3A_106 = arith.constant 0 : i32
    %dma_start3A_107 = tpu.memref_slice %arg14[%add3A_103, %dma_start3A_106] : memref<10240x64xf32, #tpu.memory_space<vmem_shared>> -> memref<64x64xf32, #tpu.memory_space<vmem_shared>>
    tpu.enqueue_dma source(%arg10 : memref<64x64xf32, #tpu.memory_space<vmem>>) target(%dma_start3A_107 : memref<64x64xf32, #tpu.memory_space<vmem_shared>>) target_semaphore(%arg12 : memref<!tpu.dma_semaphore, #tpu.memory_space<semaphore_mem>>)
    %dma_start3A_108 = arith.constant 0 : i32
    %dma_start3A_109 = tpu.memref_slice %arg18[%add3A_103, %dma_start3A_108] : memref<10240x16xf32, #tpu.memory_space<vmem_shared>> -> memref<64x16xf32, #tpu.memory_space<vmem_shared>>
    %dma_start3A_110 = arith.constant 0 : i32
    %dma_start3A_111 = tpu.memref_slice %arg18[%add3A_103, %dma_start3A_110] : memref<10240x16xf32, #tpu.memory_space<vmem_shared>> -> memref<64x16xf32, #tpu.memory_space<vmem_shared>>
    tpu.enqueue_dma source(%arg16 : memref<64x16xf32, #tpu.memory_space<vmem>>) target(%dma_start3A_111 : memref<64x16xf32, #tpu.memory_space<vmem_shared>>) target_semaphore(%arg17 : memref<!tpu.dma_semaphore, #tpu.memory_space<semaphore_mem>>)
    %mul3A_112 = arith.constant 640 : i32
    %mul3A_113 = arith.muli %arg1, %mul3A_112 : i32
    %add3A_114 = arith.constant 448 : i32
    %add3A_115 = arith.addi %mul3A_113, %add3A_114 : i32
    %dma_start3A_116 = arith.constant 0 : i32
    %dma_start3A_117 = tpu.memref_slice %arg14[%add3A_115, %dma_start3A_116] : memref<10240x64xf32, #tpu.memory_space<vmem_shared>> -> memref<64x64xf32, #tpu.memory_space<vmem_shared>>
    %dma_start3A_118 = arith.constant 0 : i32
    %dma_start3A_119 = tpu.memref_slice %arg14[%add3A_115, %dma_start3A_118] : memref<10240x64xf32, #tpu.memory_space<vmem_shared>> -> memref<64x64xf32, #tpu.memory_space<vmem_shared>>
    tpu.enqueue_dma source(%arg10 : memref<64x64xf32, #tpu.memory_space<vmem>>) target(%dma_start3A_119 : memref<64x64xf32, #tpu.memory_space<vmem_shared>>) target_semaphore(%arg12 : memref<!tpu.dma_semaphore, #tpu.memory_space<semaphore_mem>>)
    %dma_start3A_120 = arith.constant 0 : i32
    %dma_start3A_121 = tpu.memref_slice %arg18[%add3A_115, %dma_start3A_120] : memref<10240x16xf32, #tpu.memory_space<vmem_shared>> -> memref<64x16xf32, #tpu.memory_space<vmem_shared>>
    %dma_start3A_122 = arith.constant 0 : i32
    %dma_start3A_123 = tpu.memref_slice %arg18[%add3A_115, %dma_start3A_122] : memref<10240x16xf32, #tpu.memory_space<vmem_shared>> -> memref<64x16xf32, #tpu.memory_space<vmem_shared>>
    tpu.enqueue_dma source(%arg16 : memref<64x16xf32, #tpu.memory_space<vmem>>) target(%dma_start3A_123 : memref<64x16xf32, #tpu.memory_space<vmem_shared>>) target_semaphore(%arg17 : memref<!tpu.dma_semaphore, #tpu.memory_space<semaphore_mem>>)
    %mul3A_124 = arith.constant 640 : i32
    %mul3A_125 = arith.muli %arg1, %mul3A_124 : i32
    %add3A_126 = arith.constant 512 : i32
    %add3A_127 = arith.addi %mul3A_125, %add3A_126 : i32
    %dma_start3A_128 = arith.constant 0 : i32
    %dma_start3A_129 = tpu.memref_slice %arg14[%add3A_127, %dma_start3A_128] : memref<10240x64xf32, #tpu.memory_space<vmem_shared>> -> memref<64x64xf32, #tpu.memory_space<vmem_shared>>
    %dma_start3A_130 = arith.constant 0 : i32
    %dma_start3A_131 = tpu.memref_slice %arg14[%add3A_127, %dma_start3A_130] : memref<10240x64xf32, #tpu.memory_space<vmem_shared>> -> memref<64x64xf32, #tpu.memory_space<vmem_shared>>
    tpu.enqueue_dma source(%arg10 : memref<64x64xf32, #tpu.memory_space<vmem>>) target(%dma_start3A_131 : memref<64x64xf32, #tpu.memory_space<vmem_shared>>) target_semaphore(%arg12 : memref<!tpu.dma_semaphore, #tpu.memory_space<semaphore_mem>>)
    %dma_start3A_132 = arith.constant 0 : i32
    %dma_start3A_133 = tpu.memref_slice %arg18[%add3A_127, %dma_start3A_132] : memref<10240x16xf32, #tpu.memory_space<vmem_shared>> -> memref<64x16xf32, #tpu.memory_space<vmem_shared>>
    %dma_start3A_134 = arith.constant 0 : i32
    %dma_start3A_135 = tpu.memref_slice %arg18[%add3A_127, %dma_start3A_134] : memref<10240x16xf32, #tpu.memory_space<vmem_shared>> -> memref<64x16xf32, #tpu.memory_space<vmem_shared>>
    tpu.enqueue_dma source(%arg16 : memref<64x16xf32, #tpu.memory_space<vmem>>) target(%dma_start3A_135 : memref<64x16xf32, #tpu.memory_space<vmem_shared>>) target_semaphore(%arg17 : memref<!tpu.dma_semaphore, #tpu.memory_space<semaphore_mem>>)
    %mul3A_136 = arith.constant 640 : i32
    %mul3A_137 = arith.muli %arg1, %mul3A_136 : i32
    %add3A_138 = arith.constant 576 : i32
    %add3A_139 = arith.addi %mul3A_137, %add3A_138 : i32
    %dma_start3A_140 = arith.constant 0 : i32
    %dma_start3A_141 = tpu.memref_slice %arg14[%add3A_139, %dma_start3A_140] : memref<10240x64xf32, #tpu.memory_space<vmem_shared>> -> memref<64x64xf32, #tpu.memory_space<vmem_shared>>
    %dma_start3A_142 = arith.constant 0 : i32
    %dma_start3A_143 = tpu.memref_slice %arg14[%add3A_139, %dma_start3A_142] : memref<10240x64xf32, #tpu.memory_space<vmem_shared>> -> memref<64x64xf32, #tpu.memory_space<vmem_shared>>
    tpu.enqueue_dma source(%arg10 : memref<64x64xf32, #tpu.memory_space<vmem>>) target(%dma_start3A_143 : memref<64x64xf32, #tpu.memory_space<vmem_shared>>) target_semaphore(%arg12 : memref<!tpu.dma_semaphore, #tpu.memory_space<semaphore_mem>>)
    %dma_start3A_144 = arith.constant 0 : i32
    %dma_start3A_145 = tpu.memref_slice %arg18[%add3A_139, %dma_start3A_144] : memref<10240x16xf32, #tpu.memory_space<vmem_shared>> -> memref<64x16xf32, #tpu.memory_space<vmem_shared>>
    %dma_start3A_146 = arith.constant 0 : i32
    %dma_start3A_147 = tpu.memref_slice %arg18[%add3A_139, %dma_start3A_146] : memref<10240x16xf32, #tpu.memory_space<vmem_shared>> -> memref<64x16xf32, #tpu.memory_space<vmem_shared>>
    tpu.enqueue_dma source(%arg16 : memref<64x16xf32, #tpu.memory_space<vmem>>) target(%dma_start3A_147 : memref<64x16xf32, #tpu.memory_space<vmem_shared>>) target_semaphore(%arg17 : memref<!tpu.dma_semaphore, #tpu.memory_space<semaphore_mem>>)
    %mul3A_148 = arith.constant 640 : i32
    %mul3A_149 = arith.muli %arg1, %mul3A_148 : i32
    %dma_wait3A = arith.constant 0 : i32
    %dma_wait3A_150 = tpu.memref_slice %arg14[%mul3A_149, %dma_wait3A] : memref<10240x64xf32, #tpu.memory_space<vmem_shared>> -> memref<64x64xf32, #tpu.memory_space<vmem_shared>>
    %dma_wait3A_151 = arith.constant 0 : i32
    %dma_wait3A_152 = tpu.memref_slice %arg14[%mul3A_149, %dma_wait3A_151] : memref<10240x64xf32, #tpu.memory_space<vmem_shared>> -> memref<64x64xf32, #tpu.memory_space<vmem_shared>>
    tpu.wait_dma2 semaphore(%arg12 : memref<!tpu.dma_semaphore, #tpu.memory_space<semaphore_mem>>) src(%arg10 : memref<64x64xf32, #tpu.memory_space<vmem>>) dst(%dma_wait3A_152 : memref<64x64xf32, #tpu.memory_space<vmem_shared>>)
    %mul3A_153 = arith.constant 640 : i32
    %mul3A_154 = arith.muli %arg1, %mul3A_153 : i32
    %dma_wait3A_155 = arith.constant 0 : i32
    %dma_wait3A_156 = tpu.memref_slice %arg18[%mul3A_154, %dma_wait3A_155] : memref<10240x16xf32, #tpu.memory_space<vmem_shared>> -> memref<64x16xf32, #tpu.memory_space<vmem_shared>>
    %dma_wait3A_157 = arith.constant 0 : i32
    %dma_wait3A_158 = tpu.memref_slice %arg18[%mul3A_154, %dma_wait3A_157] : memref<10240x16xf32, #tpu.memory_space<vmem_shared>> -> memref<64x16xf32, #tpu.memory_space<vmem_shared>>
    tpu.wait_dma2 semaphore(%arg17 : memref<!tpu.dma_semaphore, #tpu.memory_space<semaphore_mem>>) src(%arg16 : memref<64x16xf32, #tpu.memory_space<vmem>>) dst(%dma_wait3A_158 : memref<64x16xf32, #tpu.memory_space<vmem_shared>>)
    %mul3A_159 = arith.constant 640 : i32
    %mul3A_160 = arith.muli %arg1, %mul3A_159 : i32
    %dma_wait3A_161 = arith.constant 0 : i32
    %dma_wait3A_162 = tpu.memref_slice %arg14[%mul3A_160, %dma_wait3A_161] : memref<10240x64xf32, #tpu.memory_space<vmem_shared>> -> memref<64x64xf32, #tpu.memory_space<vmem_shared>>
    %dma_wait3A_163 = arith.constant 0 : i32
    %dma_wait3A_164 = tpu.memref_slice %arg14[%mul3A_160, %dma_wait3A_163] : memref<10240x64xf32, #tpu.memory_space<vmem_shared>> -> memref<64x64xf32, #tpu.memory_space<vmem_shared>>
    tpu.wait_dma2 semaphore(%arg12 : memref<!tpu.dma_semaphore, #tpu.memory_space<semaphore_mem>>) src(%arg10 : memref<64x64xf32, #tpu.memory_space<vmem>>) dst(%dma_wait3A_164 : memref<64x64xf32, #tpu.memory_space<vmem_shared>>)
    %mul3A_165 = arith.constant 640 : i32
    %mul3A_166 = arith.muli %arg1, %mul3A_165 : i32
    %dma_wait3A_167 = arith.constant 0 : i32
    %dma_wait3A_168 = tpu.memref_slice %arg18[%mul3A_166, %dma_wait3A_167] : memref<10240x16xf32, #tpu.memory_space<vmem_shared>> -> memref<64x16xf32, #tpu.memory_space<vmem_shared>>
    %dma_wait3A_169 = arith.constant 0 : i32
    %dma_wait3A_170 = tpu.memref_slice %arg18[%mul3A_166, %dma_wait3A_169] : memref<10240x16xf32, #tpu.memory_space<vmem_shared>> -> memref<64x16xf32, #tpu.memory_space<vmem_shared>>
    tpu.wait_dma2 semaphore(%arg17 : memref<!tpu.dma_semaphore, #tpu.memory_space<semaphore_mem>>) src(%arg16 : memref<64x16xf32, #tpu.memory_space<vmem>>) dst(%dma_wait3A_170 : memref<64x16xf32, #tpu.memory_space<vmem_shared>>)
    %mul3A_171 = arith.constant 640 : i32
    %mul3A_172 = arith.muli %arg1, %mul3A_171 : i32
    %dma_wait3A_173 = arith.constant 0 : i32
    %dma_wait3A_174 = tpu.memref_slice %arg14[%mul3A_172, %dma_wait3A_173] : memref<10240x64xf32, #tpu.memory_space<vmem_shared>> -> memref<64x64xf32, #tpu.memory_space<vmem_shared>>
    %dma_wait3A_175 = arith.constant 0 : i32
    %dma_wait3A_176 = tpu.memref_slice %arg14[%mul3A_172, %dma_wait3A_175] : memref<10240x64xf32, #tpu.memory_space<vmem_shared>> -> memref<64x64xf32, #tpu.memory_space<vmem_shared>>
    tpu.wait_dma2 semaphore(%arg12 : memref<!tpu.dma_semaphore, #tpu.memory_space<semaphore_mem>>) src(%arg10 : memref<64x64xf32, #tpu.memory_space<vmem>>) dst(%dma_wait3A_176 : memref<64x64xf32, #tpu.memory_space<vmem_shared>>)
    %mul3A_177 = arith.constant 640 : i32
    %mul3A_178 = arith.muli %arg1, %mul3A_177 : i32
    %dma_wait3A_179 = arith.constant 0 : i32
    %dma_wait3A_180 = tpu.memref_slice %arg18[%mul3A_178, %dma_wait3A_179] : memref<10240x16xf32, #tpu.memory_space<vmem_shared>> -> memref<64x16xf32, #tpu.memory_space<vmem_shared>>
    %dma_wait3A_181 = arith.constant 0 : i32
    %dma_wait3A_182 = tpu.memref_slice %arg18[%mul3A_178, %dma_wait3A_181] : memref<10240x16xf32, #tpu.memory_space<vmem_shared>> -> memref<64x16xf32, #tpu.memory_space<vmem_shared>>
    tpu.wait_dma2 semaphore(%arg17 : memref<!tpu.dma_semaphore, #tpu.memory_space<semaphore_mem>>) src(%arg16 : memref<64x16xf32, #tpu.memory_space<vmem>>) dst(%dma_wait3A_182 : memref<64x16xf32, #tpu.memory_space<vmem_shared>>)
    %mul3A_183 = arith.constant 640 : i32
    %mul3A_184 = arith.muli %arg1, %mul3A_183 : i32
    %dma_wait3A_185 = arith.constant 0 : i32
    %dma_wait3A_186 = tpu.memref_slice %arg14[%mul3A_184, %dma_wait3A_185] : memref<10240x64xf32, #tpu.memory_space<vmem_shared>> -> memref<64x64xf32, #tpu.memory_space<vmem_shared>>
    %dma_wait3A_187 = arith.constant 0 : i32
    %dma_wait3A_188 = tpu.memref_slice %arg14[%mul3A_184, %dma_wait3A_187] : memref<10240x64xf32, #tpu.memory_space<vmem_shared>> -> memref<64x64xf32, #tpu.memory_space<vmem_shared>>
    tpu.wait_dma2 semaphore(%arg12 : memref<!tpu.dma_semaphore, #tpu.memory_space<semaphore_mem>>) src(%arg10 : memref<64x64xf32, #tpu.memory_space<vmem>>) dst(%dma_wait3A_188 : memref<64x64xf32, #tpu.memory_space<vmem_shared>>)
    %mul3A_189 = arith.constant 640 : i32
    %mul3A_190 = arith.muli %arg1, %mul3A_189 : i32
    %dma_wait3A_191 = arith.constant 0 : i32
    %dma_wait3A_192 = tpu.memref_slice %arg18[%mul3A_190, %dma_wait3A_191] : memref<10240x16xf32, #tpu.memory_space<vmem_shared>> -> memref<64x16xf32, #tpu.memory_space<vmem_shared>>
    %dma_wait3A_193 = arith.constant 0 : i32
    %dma_wait3A_194 = tpu.memref_slice %arg18[%mul3A_190, %dma_wait3A_193] : memref<10240x16xf32, #tpu.memory_space<vmem_shared>> -> memref<64x16xf32, #tpu.memory_space<vmem_shared>>
    tpu.wait_dma2 semaphore(%arg17 : memref<!tpu.dma_semaphore, #tpu.memory_space<semaphore_mem>>) src(%arg16 : memref<64x16xf32, #tpu.memory_space<vmem>>) dst(%dma_wait3A_194 : memref<64x16xf32, #tpu.memory_space<vmem_shared>>)
    %mul3A_195 = arith.constant 640 : i32
    %mul3A_196 = arith.muli %arg1, %mul3A_195 : i32
    %dma_wait3A_197 = arith.constant 0 : i32
    %dma_wait3A_198 = tpu.memref_slice %arg14[%mul3A_196, %dma_wait3A_197] : memref<10240x64xf32, #tpu.memory_space<vmem_shared>> -> memref<64x64xf32, #tpu.memory_space<vmem_shared>>
    %dma_wait3A_199 = arith.constant 0 : i32
    %dma_wait3A_200 = tpu.memref_slice %arg14[%mul3A_196, %dma_wait3A_199] : memref<10240x64xf32, #tpu.memory_space<vmem_shared>> -> memref<64x64xf32, #tpu.memory_space<vmem_shared>>
    tpu.wait_dma2 semaphore(%arg12 : memref<!tpu.dma_semaphore, #tpu.memory_space<semaphore_mem>>) src(%arg10 : memref<64x64xf32, #tpu.memory_space<vmem>>) dst(%dma_wait3A_200 : memref<64x64xf32, #tpu.memory_space<vmem_shared>>)
    %mul3A_201 = arith.constant 640 : i32
    %mul3A_202 = arith.muli %arg1, %mul3A_201 : i32
    %dma_wait3A_203 = arith.constant 0 : i32
    %dma_wait3A_204 = tpu.memref_slice %arg18[%mul3A_202, %dma_wait3A_203] : memref<10240x16xf32, #tpu.memory_space<vmem_shared>> -> memref<64x16xf32, #tpu.memory_space<vmem_shared>>
    %dma_wait3A_205 = arith.constant 0 : i32
    %dma_wait3A_206 = tpu.memref_slice %arg18[%mul3A_202, %dma_wait3A_205] : memref<10240x16xf32, #tpu.memory_space<vmem_shared>> -> memref<64x16xf32, #tpu.memory_space<vmem_shared>>
    tpu.wait_dma2 semaphore(%arg17 : memref<!tpu.dma_semaphore, #tpu.memory_space<semaphore_mem>>) src(%arg16 : memref<64x16xf32, #tpu.memory_space<vmem>>) dst(%dma_wait3A_206 : memref<64x16xf32, #tpu.memory_space<vmem_shared>>)
    %mul3A_207 = arith.constant 640 : i32
    %mul3A_208 = arith.muli %arg1, %mul3A_207 : i32
    %dma_wait3A_209 = arith.constant 0 : i32
    %dma_wait3A_210 = tpu.memref_slice %arg14[%mul3A_208, %dma_wait3A_209] : memref<10240x64xf32, #tpu.memory_space<vmem_shared>> -> memref<64x64xf32, #tpu.memory_space<vmem_shared>>
    %dma_wait3A_211 = arith.constant 0 : i32
    %dma_wait3A_212 = tpu.memref_slice %arg14[%mul3A_208, %dma_wait3A_211] : memref<10240x64xf32, #tpu.memory_space<vmem_shared>> -> memref<64x64xf32, #tpu.memory_space<vmem_shared>>
    tpu.wait_dma2 semaphore(%arg12 : memref<!tpu.dma_semaphore, #tpu.memory_space<semaphore_mem>>) src(%arg10 : memref<64x64xf32, #tpu.memory_space<vmem>>) dst(%dma_wait3A_212 : memref<64x64xf32, #tpu.memory_space<vmem_shared>>)
    %mul3A_213 = arith.constant 640 : i32
    %mul3A_214 = arith.muli %arg1, %mul3A_213 : i32
    %dma_wait3A_215 = arith.constant 0 : i32
    %dma_wait3A_216 = tpu.memref_slice %arg18[%mul3A_214, %dma_wait3A_215] : memref<10240x16xf32, #tpu.memory_space<vmem_shared>> -> memref<64x16xf32, #tpu.memory_space<vmem_shared>>
    %dma_wait3A_217 = arith.constant 0 : i32
    %dma_wait3A_218 = tpu.memref_slice %arg18[%mul3A_214, %dma_wait3A_217] : memref<10240x16xf32, #tpu.memory_space<vmem_shared>> -> memref<64x16xf32, #tpu.memory_space<vmem_shared>>
    tpu.wait_dma2 semaphore(%arg17 : memref<!tpu.dma_semaphore, #tpu.memory_space<semaphore_mem>>) src(%arg16 : memref<64x16xf32, #tpu.memory_space<vmem>>) dst(%dma_wait3A_218 : memref<64x16xf32, #tpu.memory_space<vmem_shared>>)
    %mul3A_219 = arith.constant 640 : i32
    %mul3A_220 = arith.muli %arg1, %mul3A_219 : i32
    %dma_wait3A_221 = arith.constant 0 : i32
    %dma_wait3A_222 = tpu.memref_slice %arg14[%mul3A_220, %dma_wait3A_221] : memref<10240x64xf32, #tpu.memory_space<vmem_shared>> -> memref<64x64xf32, #tpu.memory_space<vmem_shared>>
    %dma_wait3A_223 = arith.constant 0 : i32
    %dma_wait3A_224 = tpu.memref_slice %arg14[%mul3A_220, %dma_wait3A_223] : memref<10240x64xf32, #tpu.memory_space<vmem_shared>> -> memref<64x64xf32, #tpu.memory_space<vmem_shared>>
    tpu.wait_dma2 semaphore(%arg12 : memref<!tpu.dma_semaphore, #tpu.memory_space<semaphore_mem>>) src(%arg10 : memref<64x64xf32, #tpu.memory_space<vmem>>) dst(%dma_wait3A_224 : memref<64x64xf32, #tpu.memory_space<vmem_shared>>)
    %mul3A_225 = arith.constant 640 : i32
    %mul3A_226 = arith.muli %arg1, %mul3A_225 : i32
    %dma_wait3A_227 = arith.constant 0 : i32
    %dma_wait3A_228 = tpu.memref_slice %arg18[%mul3A_226, %dma_wait3A_227] : memref<10240x16xf32, #tpu.memory_space<vmem_shared>> -> memref<64x16xf32, #tpu.memory_space<vmem_shared>>
    %dma_wait3A_229 = arith.constant 0 : i32
    %dma_wait3A_230 = tpu.memref_slice %arg18[%mul3A_226, %dma_wait3A_229] : memref<10240x16xf32, #tpu.memory_space<vmem_shared>> -> memref<64x16xf32, #tpu.memory_space<vmem_shared>>
    tpu.wait_dma2 semaphore(%arg17 : memref<!tpu.dma_semaphore, #tpu.memory_space<semaphore_mem>>) src(%arg16 : memref<64x16xf32, #tpu.memory_space<vmem>>) dst(%dma_wait3A_230 : memref<64x16xf32, #tpu.memory_space<vmem_shared>>)
    %mul3A_231 = arith.constant 640 : i32
    %mul3A_232 = arith.muli %arg1, %mul3A_231 : i32
    %dma_wait3A_233 = arith.constant 0 : i32
    %dma_wait3A_234 = tpu.memref_slice %arg14[%mul3A_232, %dma_wait3A_233] : memref<10240x64xf32, #tpu.memory_space<vmem_shared>> -> memref<64x64xf32, #tpu.memory_space<vmem_shared>>
    %dma_wait3A_235 = arith.constant 0 : i32
    %dma_wait3A_236 = tpu.memref_slice %arg14[%mul3A_232, %dma_wait3A_235] : memref<10240x64xf32, #tpu.memory_space<vmem_shared>> -> memref<64x64xf32, #tpu.memory_space<vmem_shared>>
    tpu.wait_dma2 semaphore(%arg12 : memref<!tpu.dma_semaphore, #tpu.memory_space<semaphore_mem>>) src(%arg10 : memref<64x64xf32, #tpu.memory_space<vmem>>) dst(%dma_wait3A_236 : memref<64x64xf32, #tpu.memory_space<vmem_shared>>)
    %mul3A_237 = arith.constant 640 : i32
    %mul3A_238 = arith.muli %arg1, %mul3A_237 : i32
    %dma_wait3A_239 = arith.constant 0 : i32
    %dma_wait3A_240 = tpu.memref_slice %arg18[%mul3A_238, %dma_wait3A_239] : memref<10240x16xf32, #tpu.memory_space<vmem_shared>> -> memref<64x16xf32, #tpu.memory_space<vmem_shared>>
    %dma_wait3A_241 = arith.constant 0 : i32
    %dma_wait3A_242 = tpu.memref_slice %arg18[%mul3A_238, %dma_wait3A_241] : memref<10240x16xf32, #tpu.memory_space<vmem_shared>> -> memref<64x16xf32, #tpu.memory_space<vmem_shared>>
    tpu.wait_dma2 semaphore(%arg17 : memref<!tpu.dma_semaphore, #tpu.memory_space<semaphore_mem>>) src(%arg16 : memref<64x16xf32, #tpu.memory_space<vmem>>) dst(%dma_wait3A_242 : memref<64x16xf32, #tpu.memory_space<vmem_shared>>)
    %mul3A_243 = arith.constant 640 : i32
    %mul3A_244 = arith.muli %arg1, %mul3A_243 : i32
    %dma_wait3A_245 = arith.constant 0 : i32
    %dma_wait3A_246 = tpu.memref_slice %arg14[%mul3A_244, %dma_wait3A_245] : memref<10240x64xf32, #tpu.memory_space<vmem_shared>> -> memref<64x64xf32, #tpu.memory_space<vmem_shared>>
    %dma_wait3A_247 = arith.constant 0 : i32
    %dma_wait3A_248 = tpu.memref_slice %arg14[%mul3A_244, %dma_wait3A_247] : memref<10240x64xf32, #tpu.memory_space<vmem_shared>> -> memref<64x64xf32, #tpu.memory_space<vmem_shared>>
    tpu.wait_dma2 semaphore(%arg12 : memref<!tpu.dma_semaphore, #tpu.memory_space<semaphore_mem>>) src(%arg10 : memref<64x64xf32, #tpu.memory_space<vmem>>) dst(%dma_wait3A_248 : memref<64x64xf32, #tpu.memory_space<vmem_shared>>)
    %mul3A_249 = arith.constant 640 : i32
    %mul3A_250 = arith.muli %arg1, %mul3A_249 : i32
    %dma_wait3A_251 = arith.constant 0 : i32
    %dma_wait3A_252 = tpu.memref_slice %arg18[%mul3A_250, %dma_wait3A_251] : memref<10240x16xf32, #tpu.memory_space<vmem_shared>> -> memref<64x16xf32, #tpu.memory_space<vmem_shared>>
    %dma_wait3A_253 = arith.constant 0 : i32
    %dma_wait3A_254 = tpu.memref_slice %arg18[%mul3A_250, %dma_wait3A_253] : memref<10240x16xf32, #tpu.memory_space<vmem_shared>> -> memref<64x16xf32, #tpu.memory_space<vmem_shared>>
    tpu.wait_dma2 semaphore(%arg17 : memref<!tpu.dma_semaphore, #tpu.memory_space<semaphore_mem>>) src(%arg16 : memref<64x16xf32, #tpu.memory_space<vmem>>) dst(%dma_wait3A_254 : memref<64x16xf32, #tpu.memory_space<vmem_shared>>)
    %mul3A_255 = arith.constant 640 : i32
    %mul3A_256 = arith.muli %arg1, %mul3A_255 : i32
    %dma_wait3A_257 = arith.constant 0 : i32
    %dma_wait3A_258 = tpu.memref_slice %arg14[%mul3A_256, %dma_wait3A_257] : memref<10240x64xf32, #tpu.memory_space<vmem_shared>> -> memref<64x64xf32, #tpu.memory_space<vmem_shared>>
    %dma_wait3A_259 = arith.constant 0 : i32
    %dma_wait3A_260 = tpu.memref_slice %arg14[%mul3A_256, %dma_wait3A_259] : memref<10240x64xf32, #tpu.memory_space<vmem_shared>> -> memref<64x64xf32, #tpu.memory_space<vmem_shared>>
    tpu.wait_dma2 semaphore(%arg12 : memref<!tpu.dma_semaphore, #tpu.memory_space<semaphore_mem>>) src(%arg10 : memref<64x64xf32, #tpu.memory_space<vmem>>) dst(%dma_wait3A_260 : memref<64x64xf32, #tpu.memory_space<vmem_shared>>)
    %mul3A_261 = arith.constant 640 : i32
    %mul3A_262 = arith.muli %arg1, %mul3A_261 : i32
    %dma_wait3A_263 = arith.constant 0 : i32
    %dma_wait3A_264 = tpu.memref_slice %arg18[%mul3A_262, %dma_wait3A_263] : memref<10240x16xf32, #tpu.memory_space<vmem_shared>> -> memref<64x16xf32, #tpu.memory_space<vmem_shared>>
    %dma_wait3A_265 = arith.constant 0 : i32
    %dma_wait3A_266 = tpu.memref_slice %arg18[%mul3A_262, %dma_wait3A_265] : memref<10240x16xf32, #tpu.memory_space<vmem_shared>> -> memref<64x16xf32, #tpu.memory_space<vmem_shared>>
    tpu.wait_dma2 semaphore(%arg17 : memref<!tpu.dma_semaphore, #tpu.memory_space<semaphore_mem>>) src(%arg16 : memref<64x16xf32, #tpu.memory_space<vmem>>) dst(%dma_wait3A_266 : memref<64x16xf32, #tpu.memory_space<vmem_shared>>)
    %dma_wait3A_267 = arith.constant 0 : i32
    %dma_wait3A_268 = tpu.memref_slice %arg3[%mul3A_2, %dma_wait3A_267] : memref<2560x128xi32, #tpu.memory_space<hbm>> -> memref<80x128xi32, #tpu.memory_space<hbm>>
    %dma_wait3A_269 = arith.constant 0 : i32
    %dma_wait3A_270 = tpu.memref_slice %arg3[%mul3A_2, %dma_wait3A_269] : memref<2560x128xi32, #tpu.memory_space<hbm>> -> memref<80x128xi32, #tpu.memory_space<hbm>>
    tpu.wait_dma2 semaphore(%arg13 : memref<!tpu.dma_semaphore, #tpu.memory_space<semaphore_mem>>) src(%dma_wait3A_270 : memref<80x128xi32, #tpu.memory_space<hbm>>) dst(%arg7 : memref<80x128xi32, #tpu.memory_space<vmem>>)
    %dma_wait3A_271 = arith.constant 0 : i32
    %dma_wait3A_272 = tpu.memref_slice %arg4[%mul3A_7, %dma_wait3A_271] : memref<2560x128xi32, #tpu.memory_space<hbm>> -> memref<80x128xi32, #tpu.memory_space<hbm>>
    %dma_wait3A_273 = arith.constant 0 : i32
    %dma_wait3A_274 = tpu.memref_slice %arg4[%mul3A_7, %dma_wait3A_273] : memref<2560x128xi32, #tpu.memory_space<hbm>> -> memref<80x128xi32, #tpu.memory_space<hbm>>
    tpu.wait_dma2 semaphore(%arg13 : memref<!tpu.dma_semaphore, #tpu.memory_space<semaphore_mem>>) src(%dma_wait3A_274 : memref<80x128xi32, #tpu.memory_space<hbm>>) dst(%arg8 : memref<80x128xi32, #tpu.memory_space<vmem>>)
    %barrier3A = arith.constant 0 : index
    tpu.barrier barrier_id(%barrier3A)
    %dma_start3A_275 = arith.constant 0 : i32
    %dma_start3A_276 = arith.constant 0 : i32
    %dma_start3A_277 = arith.constant 0 : i32
    %dma_start3A_278 = arith.constant 0 : i32
    %dma_start3A_279 = arith.constant 0 : i32
    %dma_start3A_280 = tpu.memref_slice %arg9[%dma_start3A_276, %dma_start3A_277, %dma_start3A_278, %dma_start3A_279] : memref<2x2x128x64xf32, #tpu.memory_space<vmem>> -> memref<1x1x128x64xf32, #tpu.memory_space<vmem>>
    %dma_start3A_281 = tpu.memref_squeeze %dma_start3A_280 : memref<1x1x128x64xf32, #tpu.memory_space<vmem>> -> memref<128x64xf32, #tpu.memory_space<vmem>>
    %dma_start3A_282 = arith.constant 0 : i32
    %dma_start3A_283 = tpu.memref_slice %arg7[%dma_start3A_275, %dma_start3A_282] : memref<80x128xi32, #tpu.memory_space<vmem>> -> memref<1x128xi32, #tpu.memory_space<vmem>>
    %dma_start3A_284 = tpu.memref_squeeze %dma_start3A_283 : memref<1x128xi32, #tpu.memory_space<vmem>> -> memref<128xi32, #tpu.memory_space<vmem>>
    %dma_start3A_285 = arith.constant 0 : i32
    %dma_start3A_286 = arith.constant 0 : i32
    %dma_start3A_287 = tpu.memref_slice %arg2[%dma_start3A_285, %dma_start3A_286] : memref<10000x64xf32, #tpu.memory_space<hbm>> -> memref<10000x64xf32, #tpu.memory_space<hbm>>
    tpu.enqueue_indirect_dma source(%dma_start3A_287 : memref<10000x64xf32, #tpu.memory_space<hbm>>) target(%dma_start3A_281 : memref<128x64xf32, #tpu.memory_space<vmem>>) offsets(%dma_start3A_284 : memref<128xi32, #tpu.memory_space<vmem>>) semaphore(%arg11 : memref<!tpu.dma_semaphore, #tpu.memory_space<semaphore_mem>>)
    %dma_start3A_288 = arith.constant 1 : i32
    %dma_start3A_289 = arith.constant 0 : i32
    %dma_start3A_290 = arith.constant 1 : i32
    %dma_start3A_291 = arith.constant 0 : i32
    %dma_start3A_292 = arith.constant 0 : i32
    %dma_start3A_293 = tpu.memref_slice %arg9[%dma_start3A_289, %dma_start3A_290, %dma_start3A_291, %dma_start3A_292] : memref<2x2x128x64xf32, #tpu.memory_space<vmem>> -> memref<1x1x128x64xf32, #tpu.memory_space<vmem>>
    %dma_start3A_294 = tpu.memref_squeeze %dma_start3A_293 : memref<1x1x128x64xf32, #tpu.memory_space<vmem>> -> memref<128x64xf32, #tpu.memory_space<vmem>>
    %dma_start3A_295 = arith.constant 0 : i32
    %dma_start3A_296 = tpu.memref_slice %arg7[%dma_start3A_288, %dma_start3A_295] : memref<80x128xi32, #tpu.memory_space<vmem>> -> memref<1x128xi32, #tpu.memory_space<vmem>>
    %dma_start3A_297 = tpu.memref_squeeze %dma_start3A_296 : memref<1x128xi32, #tpu.memory_space<vmem>> -> memref<128xi32, #tpu.memory_space<vmem>>
    %dma_start3A_298 = arith.constant 0 : i32
    %dma_start3A_299 = arith.constant 0 : i32
    %dma_start3A_300 = tpu.memref_slice %arg2[%dma_start3A_298, %dma_start3A_299] : memref<10000x64xf32, #tpu.memory_space<hbm>> -> memref<10000x64xf32, #tpu.memory_space<hbm>>
    tpu.enqueue_indirect_dma source(%dma_start3A_300 : memref<10000x64xf32, #tpu.memory_space<hbm>>) target(%dma_start3A_294 : memref<128x64xf32, #tpu.memory_space<vmem>>) offsets(%dma_start3A_297 : memref<128xi32, #tpu.memory_space<vmem>>) semaphore(%arg11 : memref<!tpu.dma_semaphore, #tpu.memory_space<semaphore_mem>>)
    %scan3A_301 = arith.constant 0 : i32
    %scan3A_302 = arith.constant 0 : i32
    %scan3A_303 = arith.constant 20 : i32
    %scan3A_304 = arith.addi %scan3A_302, %scan3A_303 : i32
    %scan3A_305 = arith.constant 1 : i32
    %scan3A_306 = scf.for %scan3A_351 = %scan3A_302 to %scan3A_304 step %scan3A_305 iter_args(%scan3A_352 = %scan3A_301) -> (i32)  : i32 {
      %mul3A_353 = arith.constant 2 : i32
      %mul3A_354 = arith.muli %scan3A_351, %mul3A_353 : i32
      %dma_wait3A_355 = arith.constant 0 : i32
      %dma_wait3A_356 = arith.constant 0 : i32
      %dma_wait3A_357 = arith.constant 0 : i32
      %dma_wait3A_358 = arith.constant 0 : i32
      %dma_wait3A_359 = arith.constant 0 : i32
      %dma_wait3A_360 = tpu.memref_slice %arg9[%dma_wait3A_356, %dma_wait3A_357, %dma_wait3A_358, %dma_wait3A_359] : memref<2x2x128x64xf32, #tpu.memory_space<vmem>> -> memref<1x1x128x64xf32, #tpu.memory_space<vmem>>
      %dma_wait3A_361 = tpu.memref_squeeze %dma_wait3A_360 : memref<1x1x128x64xf32, #tpu.memory_space<vmem>> -> memref<128x64xf32, #tpu.memory_space<vmem>>
      %dma_wait3A_362 = arith.constant 0 : i32
      %dma_wait3A_363 = tpu.memref_slice %arg7[%dma_wait3A_355, %dma_wait3A_362] : memref<80x128xi32, #tpu.memory_space<vmem>> -> memref<1x128xi32, #tpu.memory_space<vmem>>
      %dma_wait3A_364 = tpu.memref_squeeze %dma_wait3A_363 : memref<1x128xi32, #tpu.memory_space<vmem>> -> memref<128xi32, #tpu.memory_space<vmem>>
      %dma_wait3A_365 = arith.constant 0 : i32
      %dma_wait3A_366 = arith.constant 0 : i32
      %dma_wait3A_367 = tpu.memref_slice %arg2[%dma_wait3A_365, %dma_wait3A_366] : memref<10000x64xf32, #tpu.memory_space<hbm>> -> memref<10000x64xf32, #tpu.memory_space<hbm>>
      tpu.wait_indirect_dma semaphore(%arg11 : memref<!tpu.dma_semaphore, #tpu.memory_space<semaphore_mem>>) src(%dma_wait3A_367 : memref<10000x64xf32, #tpu.memory_space<hbm>>) dst(%dma_wait3A_361 : memref<128x64xf32, #tpu.memory_space<vmem>>)
      %dma_wait3A_368 = arith.constant 0 : i32
      %dma_wait3A_369 = arith.constant 0 : i32
      %dma_wait3A_370 = arith.constant 1 : i32
      %dma_wait3A_371 = arith.constant 0 : i32
      %dma_wait3A_372 = arith.constant 0 : i32
      %dma_wait3A_373 = tpu.memref_slice %arg9[%dma_wait3A_369, %dma_wait3A_370, %dma_wait3A_371, %dma_wait3A_372] : memref<2x2x128x64xf32, #tpu.memory_space<vmem>> -> memref<1x1x128x64xf32, #tpu.memory_space<vmem>>
      %dma_wait3A_374 = tpu.memref_squeeze %dma_wait3A_373 : memref<1x1x128x64xf32, #tpu.memory_space<vmem>> -> memref<128x64xf32, #tpu.memory_space<vmem>>
      %dma_wait3A_375 = arith.constant 0 : i32
      %dma_wait3A_376 = tpu.memref_slice %arg7[%dma_wait3A_368, %dma_wait3A_375] : memref<80x128xi32, #tpu.memory_space<vmem>> -> memref<1x128xi32, #tpu.memory_space<vmem>>
      %dma_wait3A_377 = tpu.memref_squeeze %dma_wait3A_376 : memref<1x128xi32, #tpu.memory_space<vmem>> -> memref<128xi32, #tpu.memory_space<vmem>>
      %dma_wait3A_378 = arith.constant 0 : i32
      %dma_wait3A_379 = arith.constant 0 : i32
      %dma_wait3A_380 = tpu.memref_slice %arg2[%dma_wait3A_378, %dma_wait3A_379] : memref<10000x64xf32, #tpu.memory_space<hbm>> -> memref<10000x64xf32, #tpu.memory_space<hbm>>
      tpu.wait_indirect_dma semaphore(%arg11 : memref<!tpu.dma_semaphore, #tpu.memory_space<semaphore_mem>>) src(%dma_wait3A_380 : memref<10000x64xf32, #tpu.memory_space<hbm>>) dst(%dma_wait3A_374 : memref<128x64xf32, #tpu.memory_space<vmem>>)
      %gt3A = arith.constant 0 : i32
      %gt3A_381 = arith.cmpi sgt, %mul3A_354, %gt3A : i32
      %convert_element_type3A = arith.extui %gt3A_381 : i1 to i32
      %cond3A = arith.constant 0 : i32
      %cond3A_382 = arith.cmpi ne, %convert_element_type3A, %cond3A : i32
      scf.if %cond3A_382 {
        %dma_wait3A_536 = arith.constant 0 : i32
        %dma_wait3A_537 = arith.constant 0 : i32
        %dma_wait3A_538 = arith.constant 0 : i32
        %dma_wait3A_539 = arith.constant 0 : i32
        %dma_wait3A_540 = arith.constant 0 : i32
        %dma_wait3A_541 = tpu.memref_slice %arg9[%dma_wait3A_536, %dma_wait3A_537, %dma_wait3A_539, %dma_wait3A_540] : memref<2x2x128x64xf32, #tpu.memory_space<vmem>> -> memref<1x1x128x64xf32, #tpu.memory_space<vmem>>
        %dma_wait3A_542 = tpu.memref_squeeze %dma_wait3A_541 : memref<1x1x128x64xf32, #tpu.memory_space<vmem>> -> memref<128x64xf32, #tpu.memory_space<vmem>>
        %dma_wait3A_543 = arith.constant 0 : i32
        %dma_wait3A_544 = tpu.memref_slice %arg8[%dma_wait3A_538, %dma_wait3A_543] : memref<80x128xi32, #tpu.memory_space<vmem>> -> memref<1x128xi32, #tpu.memory_space<vmem>>
        %dma_wait3A_545 = tpu.memref_squeeze %dma_wait3A_544 : memref<1x128xi32, #tpu.memory_space<vmem>> -> memref<128xi32, #tpu.memory_space<vmem>>
        %dma_wait3A_546 = arith.constant 0 : i32
        %dma_wait3A_547 = arith.constant 0 : i32
        %dma_wait3A_548 = tpu.memref_slice %arg14[%dma_wait3A_546, %dma_wait3A_547] : memref<10240x64xf32, #tpu.memory_space<vmem_shared>> -> memref<10240x64xf32, #tpu.memory_space<vmem_shared>>
        tpu.wait_indirect_dma semaphore(%arg12 : memref<!tpu.dma_semaphore, #tpu.memory_space<semaphore_mem>>) src(%dma_wait3A_542 : memref<128x64xf32, #tpu.memory_space<vmem>>) dst(%dma_wait3A_548 : memref<10240x64xf32, #tpu.memory_space<vmem_shared>>)
        %dma_wait3A_549 = arith.constant 0 : i32
        %dma_wait3A_550 = arith.constant 0 : i32
        %dma_wait3A_551 = tpu.memref_slice %arg8[%dma_wait3A_549, %dma_wait3A_550] : memref<80x128xi32, #tpu.memory_space<vmem>> -> memref<1x128xi32, #tpu.memory_space<vmem>>
        %dma_wait3A_552 = tpu.memref_squeeze %dma_wait3A_551 : memref<1x128xi32, #tpu.memory_space<vmem>> -> memref<128xi32, #tpu.memory_space<vmem>>
        %dma_wait3A_553 = arith.constant 0 : i32
        %dma_wait3A_554 = arith.constant 0 : i32
        %dma_wait3A_555 = tpu.memref_slice %arg18[%dma_wait3A_553, %dma_wait3A_554] : memref<10240x16xf32, #tpu.memory_space<vmem_shared>> -> memref<10240x16xf32, #tpu.memory_space<vmem_shared>>
        tpu.wait_indirect_dma semaphore(%arg17 : memref<!tpu.dma_semaphore, #tpu.memory_space<semaphore_mem>>) src(%arg15 : memref<128x16xf32, #tpu.memory_space<vmem>>) dst(%dma_wait3A_555 : memref<10240x16xf32, #tpu.memory_space<vmem_shared>>)
        %dma_wait3A_556 = arith.constant 0 : i32
        %dma_wait3A_557 = arith.constant 1 : i32
        %dma_wait3A_558 = arith.constant 0 : i32
        %dma_wait3A_559 = arith.constant 0 : i32
        %dma_wait3A_560 = arith.constant 0 : i32
        %dma_wait3A_561 = tpu.memref_slice %arg9[%dma_wait3A_556, %dma_wait3A_557, %dma_wait3A_559, %dma_wait3A_560] : memref<2x2x128x64xf32, #tpu.memory_space<vmem>> -> memref<1x1x128x64xf32, #tpu.memory_space<vmem>>
        %dma_wait3A_562 = tpu.memref_squeeze %dma_wait3A_561 : memref<1x1x128x64xf32, #tpu.memory_space<vmem>> -> memref<128x64xf32, #tpu.memory_space<vmem>>
        %dma_wait3A_563 = arith.constant 0 : i32
        %dma_wait3A_564 = tpu.memref_slice %arg8[%dma_wait3A_558, %dma_wait3A_563] : memref<80x128xi32, #tpu.memory_space<vmem>> -> memref<1x128xi32, #tpu.memory_space<vmem>>
        %dma_wait3A_565 = tpu.memref_squeeze %dma_wait3A_564 : memref<1x128xi32, #tpu.memory_space<vmem>> -> memref<128xi32, #tpu.memory_space<vmem>>
        %dma_wait3A_566 = arith.constant 0 : i32
        %dma_wait3A_567 = arith.constant 0 : i32
        %dma_wait3A_568 = tpu.memref_slice %arg14[%dma_wait3A_566, %dma_wait3A_567] : memref<10240x64xf32, #tpu.memory_space<vmem_shared>> -> memref<10240x64xf32, #tpu.memory_space<vmem_shared>>
        tpu.wait_indirect_dma semaphore(%arg12 : memref<!tpu.dma_semaphore, #tpu.memory_space<semaphore_mem>>) src(%dma_wait3A_562 : memref<128x64xf32, #tpu.memory_space<vmem>>) dst(%dma_wait3A_568 : memref<10240x64xf32, #tpu.memory_space<vmem_shared>>)
        %dma_wait3A_569 = arith.constant 0 : i32
        %dma_wait3A_570 = arith.constant 0 : i32
        %dma_wait3A_571 = tpu.memref_slice %arg8[%dma_wait3A_569, %dma_wait3A_570] : memref<80x128xi32, #tpu.memory_space<vmem>> -> memref<1x128xi32, #tpu.memory_space<vmem>>
        %dma_wait3A_572 = tpu.memref_squeeze %dma_wait3A_571 : memref<1x128xi32, #tpu.memory_space<vmem>> -> memref<128xi32, #tpu.memory_space<vmem>>
        %dma_wait3A_573 = arith.constant 0 : i32
        %dma_wait3A_574 = arith.constant 0 : i32
        %dma_wait3A_575 = tpu.memref_slice %arg18[%dma_wait3A_573, %dma_wait3A_574] : memref<10240x16xf32, #tpu.memory_space<vmem_shared>> -> memref<10240x16xf32, #tpu.memory_space<vmem_shared>>
        tpu.wait_indirect_dma semaphore(%arg17 : memref<!tpu.dma_semaphore, #tpu.memory_space<semaphore_mem>>) src(%arg15 : memref<128x16xf32, #tpu.memory_space<vmem>>) dst(%dma_wait3A_575 : memref<10240x16xf32, #tpu.memory_space<vmem_shared>>)
      } else {
      }
      %add3A_383 = arith.constant 1 : i32
      %add3A_384 = arith.addi %mul3A_354, %add3A_383 : i32
      %lt3A = arith.constant 40 : i32
      %lt3A_385 = arith.cmpi slt, %add3A_384, %lt3A : i32
      %convert_element_type3A_386 = arith.extui %lt3A_385 : i1 to i32
      %cond3A_387 = arith.constant 0 : i32
      %cond3A_388 = arith.cmpi ne, %convert_element_type3A_386, %cond3A_387 : i32
      scf.if %cond3A_388 {
        %add3A_536 = arith.constant 1 : i32
        %add3A_537 = arith.addi %mul3A_354, %add3A_536 : i32
        %mul3A_538 = arith.constant 2 : i32
        %mul3A_539 = arith.muli %add3A_537, %mul3A_538 : i32
        %add3A_540 = arith.constant 0 : i32
        %add3A_541 = arith.addi %mul3A_539, %add3A_540 : i32
        %dma_start3A_542 = arith.constant 1 : i32
        %dma_start3A_543 = arith.constant 0 : i32
        %dma_start3A_544 = arith.constant 0 : i32
        %dma_start3A_545 = arith.constant 0 : i32
        %dma_start3A_546 = tpu.memref_slice %arg9[%dma_start3A_542, %dma_start3A_543, %dma_start3A_544, %dma_start3A_545] : memref<2x2x128x64xf32, #tpu.memory_space<vmem>> -> memref<1x1x128x64xf32, #tpu.memory_space<vmem>>
        %dma_start3A_547 = tpu.memref_squeeze %dma_start3A_546 : memref<1x1x128x64xf32, #tpu.memory_space<vmem>> -> memref<128x64xf32, #tpu.memory_space<vmem>>
        %dma_start3A_548 = arith.constant 0 : i32
        %dma_start3A_549 = tpu.memref_slice %arg7[%add3A_541, %dma_start3A_548] : memref<80x128xi32, #tpu.memory_space<vmem>> -> memref<1x128xi32, #tpu.memory_space<vmem>>
        %dma_start3A_550 = tpu.memref_squeeze %dma_start3A_549 : memref<1x128xi32, #tpu.memory_space<vmem>> -> memref<128xi32, #tpu.memory_space<vmem>>
        %dma_start3A_551 = arith.constant 0 : i32
        %dma_start3A_552 = arith.constant 0 : i32
        %dma_start3A_553 = tpu.memref_slice %arg2[%dma_start3A_551, %dma_start3A_552] : memref<10000x64xf32, #tpu.memory_space<hbm>> -> memref<10000x64xf32, #tpu.memory_space<hbm>>
        tpu.enqueue_indirect_dma source(%dma_start3A_553 : memref<10000x64xf32, #tpu.memory_space<hbm>>) target(%dma_start3A_547 : memref<128x64xf32, #tpu.memory_space<vmem>>) offsets(%dma_start3A_550 : memref<128xi32, #tpu.memory_space<vmem>>) semaphore(%arg11 : memref<!tpu.dma_semaphore, #tpu.memory_space<semaphore_mem>>)
        %add3A_554 = arith.constant 1 : i32
        %add3A_555 = arith.addi %mul3A_354, %add3A_554 : i32
        %mul3A_556 = arith.constant 2 : i32
        %mul3A_557 = arith.muli %add3A_555, %mul3A_556 : i32
        %add3A_558 = arith.constant 1 : i32
        %add3A_559 = arith.addi %mul3A_557, %add3A_558 : i32
        %dma_start3A_560 = arith.constant 1 : i32
        %dma_start3A_561 = arith.constant 1 : i32
        %dma_start3A_562 = arith.constant 0 : i32
        %dma_start3A_563 = arith.constant 0 : i32
        %dma_start3A_564 = tpu.memref_slice %arg9[%dma_start3A_560, %dma_start3A_561, %dma_start3A_562, %dma_start3A_563] : memref<2x2x128x64xf32, #tpu.memory_space<vmem>> -> memref<1x1x128x64xf32, #tpu.memory_space<vmem>>
        %dma_start3A_565 = tpu.memref_squeeze %dma_start3A_564 : memref<1x1x128x64xf32, #tpu.memory_space<vmem>> -> memref<128x64xf32, #tpu.memory_space<vmem>>
        %dma_start3A_566 = arith.constant 0 : i32
        %dma_start3A_567 = tpu.memref_slice %arg7[%add3A_559, %dma_start3A_566] : memref<80x128xi32, #tpu.memory_space<vmem>> -> memref<1x128xi32, #tpu.memory_space<vmem>>
        %dma_start3A_568 = tpu.memref_squeeze %dma_start3A_567 : memref<1x128xi32, #tpu.memory_space<vmem>> -> memref<128xi32, #tpu.memory_space<vmem>>
        %dma_start3A_569 = arith.constant 0 : i32
        %dma_start3A_570 = arith.constant 0 : i32
        %dma_start3A_571 = tpu.memref_slice %arg2[%dma_start3A_569, %dma_start3A_570] : memref<10000x64xf32, #tpu.memory_space<hbm>> -> memref<10000x64xf32, #tpu.memory_space<hbm>>
        tpu.enqueue_indirect_dma source(%dma_start3A_571 : memref<10000x64xf32, #tpu.memory_space<hbm>>) target(%dma_start3A_565 : memref<128x64xf32, #tpu.memory_space<vmem>>) offsets(%dma_start3A_568 : memref<128xi32, #tpu.memory_space<vmem>>) semaphore(%arg11 : memref<!tpu.dma_semaphore, #tpu.memory_space<semaphore_mem>>)
      } else {
      }
      %mul3A_389 = arith.constant 2 : i32
      %mul3A_390 = arith.muli %mul3A_354, %mul3A_389 : i32
      %add3A_391 = arith.constant 0 : i32
      %add3A_392 = arith.addi %mul3A_390, %add3A_391 : i32
      %dma_start3A_393 = arith.constant 0 : i32
      %dma_start3A_394 = arith.constant 0 : i32
      %dma_start3A_395 = arith.constant 0 : i32
      %dma_start3A_396 = arith.constant 0 : i32
      %dma_start3A_397 = tpu.memref_slice %arg9[%dma_start3A_393, %dma_start3A_394, %dma_start3A_395, %dma_start3A_396] : memref<2x2x128x64xf32, #tpu.memory_space<vmem>> -> memref<1x1x128x64xf32, #tpu.memory_space<vmem>>
      %dma_start3A_398 = tpu.memref_squeeze %dma_start3A_397 : memref<1x1x128x64xf32, #tpu.memory_space<vmem>> -> memref<128x64xf32, #tpu.memory_space<vmem>>
      %dma_start3A_399 = arith.constant 0 : i32
      %dma_start3A_400 = tpu.memref_slice %arg8[%add3A_392, %dma_start3A_399] : memref<80x128xi32, #tpu.memory_space<vmem>> -> memref<1x128xi32, #tpu.memory_space<vmem>>
      %dma_start3A_401 = tpu.memref_squeeze %dma_start3A_400 : memref<1x128xi32, #tpu.memory_space<vmem>> -> memref<128xi32, #tpu.memory_space<vmem>>
      %dma_start3A_402 = arith.constant 0 : i32
      %dma_start3A_403 = arith.constant 0 : i32
      %dma_start3A_404 = tpu.memref_slice %arg14[%dma_start3A_402, %dma_start3A_403] : memref<10240x64xf32, #tpu.memory_space<vmem_shared>> -> memref<10240x64xf32, #tpu.memory_space<vmem_shared>>
      tpu.enqueue_indirect_dma source(%dma_start3A_398 : memref<128x64xf32, #tpu.memory_space<vmem>>) target(%dma_start3A_404 : memref<10240x64xf32, #tpu.memory_space<vmem_shared>>) offsets(%dma_start3A_401 : memref<128xi32, #tpu.memory_space<vmem>>) semaphore(%arg12 : memref<!tpu.dma_semaphore, #tpu.memory_space<semaphore_mem>>) {add = true}
      %mul3A_405 = arith.constant 2 : i32
      %mul3A_406 = arith.muli %mul3A_354, %mul3A_405 : i32
      %add3A_407 = arith.constant 0 : i32
      %add3A_408 = arith.addi %mul3A_406, %add3A_407 : i32
      %dma_start3A_409 = arith.constant 0 : i32
      %dma_start3A_410 = tpu.memref_slice %arg8[%add3A_408, %dma_start3A_409] : memref<80x128xi32, #tpu.memory_space<vmem>> -> memref<1x128xi32, #tpu.memory_space<vmem>>
      %dma_start3A_411 = tpu.memref_squeeze %dma_start3A_410 : memref<1x128xi32, #tpu.memory_space<vmem>> -> memref<128xi32, #tpu.memory_space<vmem>>
      %dma_start3A_412 = arith.constant 0 : i32
      %dma_start3A_413 = arith.constant 0 : i32
      %dma_start3A_414 = tpu.memref_slice %arg18[%dma_start3A_412, %dma_start3A_413] : memref<10240x16xf32, #tpu.memory_space<vmem_shared>> -> memref<10240x16xf32, #tpu.memory_space<vmem_shared>>
      tpu.enqueue_indirect_dma source(%arg15 : memref<128x16xf32, #tpu.memory_space<vmem>>) target(%dma_start3A_414 : memref<10240x16xf32, #tpu.memory_space<vmem_shared>>) offsets(%dma_start3A_411 : memref<128xi32, #tpu.memory_space<vmem>>) semaphore(%arg17 : memref<!tpu.dma_semaphore, #tpu.memory_space<semaphore_mem>>) {add = true}
      %mul3A_415 = arith.constant 2 : i32
      %mul3A_416 = arith.muli %mul3A_354, %mul3A_415 : i32
      %add3A_417 = arith.constant 1 : i32
      %add3A_418 = arith.addi %mul3A_416, %add3A_417 : i32
      %dma_start3A_419 = arith.constant 0 : i32
      %dma_start3A_420 = arith.constant 1 : i32
      %dma_start3A_421 = arith.constant 0 : i32
      %dma_start3A_422 = arith.constant 0 : i32
      %dma_start3A_423 = tpu.memref_slice %arg9[%dma_start3A_419, %dma_start3A_420, %dma_start3A_421, %dma_start3A_422] : memref<2x2x128x64xf32, #tpu.memory_space<vmem>> -> memref<1x1x128x64xf32, #tpu.memory_space<vmem>>
      %dma_start3A_424 = tpu.memref_squeeze %dma_start3A_423 : memref<1x1x128x64xf32, #tpu.memory_space<vmem>> -> memref<128x64xf32, #tpu.memory_space<vmem>>
      %dma_start3A_425 = arith.constant 0 : i32
      %dma_start3A_426 = tpu.memref_slice %arg8[%add3A_418, %dma_start3A_425] : memref<80x128xi32, #tpu.memory_space<vmem>> -> memref<1x128xi32, #tpu.memory_space<vmem>>
      %dma_start3A_427 = tpu.memref_squeeze %dma_start3A_426 : memref<1x128xi32, #tpu.memory_space<vmem>> -> memref<128xi32, #tpu.memory_space<vmem>>
      %dma_start3A_428 = arith.constant 0 : i32
      %dma_start3A_429 = arith.constant 0 : i32
      %dma_start3A_430 = tpu.memref_slice %arg14[%dma_start3A_428, %dma_start3A_429] : memref<10240x64xf32, #tpu.memory_space<vmem_shared>> -> memref<10240x64xf32, #tpu.memory_space<vmem_shared>>
      tpu.enqueue_indirect_dma source(%dma_start3A_424 : memref<128x64xf32, #tpu.memory_space<vmem>>) target(%dma_start3A_430 : memref<10240x64xf32, #tpu.memory_space<vmem_shared>>) offsets(%dma_start3A_427 : memref<128xi32, #tpu.memory_space<vmem>>) semaphore(%arg12 : memref<!tpu.dma_semaphore, #tpu.memory_space<semaphore_mem>>) {add = true}
      %mul3A_431 = arith.constant 2 : i32
      %mul3A_432 = arith.muli %mul3A_354, %mul3A_431 : i32
      %add3A_433 = arith.constant 1 : i32
      %add3A_434 = arith.addi %mul3A_432, %add3A_433 : i32
      %dma_start3A_435 = arith.constant 0 : i32
      %dma_start3A_436 = tpu.memref_slice %arg8[%add3A_434, %dma_start3A_435] : memref<80x128xi32, #tpu.memory_space<vmem>> -> memref<1x128xi32, #tpu.memory_space<vmem>>
      %dma_start3A_437 = tpu.memref_squeeze %dma_start3A_436 : memref<1x128xi32, #tpu.memory_space<vmem>> -> memref<128xi32, #tpu.memory_space<vmem>>
      %dma_start3A_438 = arith.constant 0 : i32
      %dma_start3A_439 = arith.constant 0 : i32
      %dma_start3A_440 = tpu.memref_slice %arg18[%dma_start3A_438, %dma_start3A_439] : memref<10240x16xf32, #tpu.memory_space<vmem_shared>> -> memref<10240x16xf32, #tpu.memory_space<vmem_shared>>
      tpu.enqueue_indirect_dma source(%arg15 : memref<128x16xf32, #tpu.memory_space<vmem>>) target(%dma_start3A_440 : memref<10240x16xf32, #tpu.memory_space<vmem_shared>>) offsets(%dma_start3A_437 : memref<128xi32, #tpu.memory_space<vmem>>) semaphore(%arg17 : memref<!tpu.dma_semaphore, #tpu.memory_space<semaphore_mem>>) {add = true}
      %mul3A_441 = arith.constant 2 : i32
      %mul3A_442 = arith.muli %scan3A_351, %mul3A_441 : i32
      %add3A_443 = arith.constant 1 : i32
      %add3A_444 = arith.addi %mul3A_442, %add3A_443 : i32
      %dma_wait3A_445 = arith.constant 0 : i32
      %dma_wait3A_446 = arith.constant 0 : i32
      %dma_wait3A_447 = arith.constant 0 : i32
      %dma_wait3A_448 = arith.constant 0 : i32
      %dma_wait3A_449 = arith.constant 0 : i32
      %dma_wait3A_450 = tpu.memref_slice %arg9[%dma_wait3A_446, %dma_wait3A_447, %dma_wait3A_448, %dma_wait3A_449] : memref<2x2x128x64xf32, #tpu.memory_space<vmem>> -> memref<1x1x128x64xf32, #tpu.memory_space<vmem>>
      %dma_wait3A_451 = tpu.memref_squeeze %dma_wait3A_450 : memref<1x1x128x64xf32, #tpu.memory_space<vmem>> -> memref<128x64xf32, #tpu.memory_space<vmem>>
      %dma_wait3A_452 = arith.constant 0 : i32
      %dma_wait3A_453 = tpu.memref_slice %arg7[%dma_wait3A_445, %dma_wait3A_452] : memref<80x128xi32, #tpu.memory_space<vmem>> -> memref<1x128xi32, #tpu.memory_space<vmem>>
      %dma_wait3A_454 = tpu.memref_squeeze %dma_wait3A_453 : memref<1x128xi32, #tpu.memory_space<vmem>> -> memref<128xi32, #tpu.memory_space<vmem>>
      %dma_wait3A_455 = arith.constant 0 : i32
      %dma_wait3A_456 = arith.constant 0 : i32
      %dma_wait3A_457 = tpu.memref_slice %arg2[%dma_wait3A_455, %dma_wait3A_456] : memref<10000x64xf32, #tpu.memory_space<hbm>> -> memref<10000x64xf32, #tpu.memory_space<hbm>>
      tpu.wait_indirect_dma semaphore(%arg11 : memref<!tpu.dma_semaphore, #tpu.memory_space<semaphore_mem>>) src(%dma_wait3A_457 : memref<10000x64xf32, #tpu.memory_space<hbm>>) dst(%dma_wait3A_451 : memref<128x64xf32, #tpu.memory_space<vmem>>)
      %dma_wait3A_458 = arith.constant 0 : i32
      %dma_wait3A_459 = arith.constant 0 : i32
      %dma_wait3A_460 = arith.constant 1 : i32
      %dma_wait3A_461 = arith.constant 0 : i32
      %dma_wait3A_462 = arith.constant 0 : i32
      %dma_wait3A_463 = tpu.memref_slice %arg9[%dma_wait3A_459, %dma_wait3A_460, %dma_wait3A_461, %dma_wait3A_462] : memref<2x2x128x64xf32, #tpu.memory_space<vmem>> -> memref<1x1x128x64xf32, #tpu.memory_space<vmem>>
      %dma_wait3A_464 = tpu.memref_squeeze %dma_wait3A_463 : memref<1x1x128x64xf32, #tpu.memory_space<vmem>> -> memref<128x64xf32, #tpu.memory_space<vmem>>
      %dma_wait3A_465 = arith.constant 0 : i32
      %dma_wait3A_466 = tpu.memref_slice %arg7[%dma_wait3A_458, %dma_wait3A_465] : memref<80x128xi32, #tpu.memory_space<vmem>> -> memref<1x128xi32, #tpu.memory_space<vmem>>
      %dma_wait3A_467 = tpu.memref_squeeze %dma_wait3A_466 : memref<1x128xi32, #tpu.memory_space<vmem>> -> memref<128xi32, #tpu.memory_space<vmem>>
      %dma_wait3A_468 = arith.constant 0 : i32
      %dma_wait3A_469 = arith.constant 0 : i32
      %dma_wait3A_470 = tpu.memref_slice %arg2[%dma_wait3A_468, %dma_wait3A_469] : memref<10000x64xf32, #tpu.memory_space<hbm>> -> memref<10000x64xf32, #tpu.memory_space<hbm>>
      tpu.wait_indirect_dma semaphore(%arg11 : memref<!tpu.dma_semaphore, #tpu.memory_space<semaphore_mem>>) src(%dma_wait3A_470 : memref<10000x64xf32, #tpu.memory_space<hbm>>) dst(%dma_wait3A_464 : memref<128x64xf32, #tpu.memory_space<vmem>>)
      %gt3A_471 = arith.constant 0 : i32
      %gt3A_472 = arith.cmpi sgt, %add3A_444, %gt3A_471 : i32
      %convert_element_type3A_473 = arith.extui %gt3A_472 : i1 to i32
      %cond3A_474 = arith.constant 0 : i32
      %cond3A_475 = arith.cmpi ne, %convert_element_type3A_473, %cond3A_474 : i32
      scf.if %cond3A_475 {
        %dma_wait3A_536 = arith.constant 0 : i32
        %dma_wait3A_537 = arith.constant 0 : i32
        %dma_wait3A_538 = arith.constant 0 : i32
        %dma_wait3A_539 = arith.constant 0 : i32
        %dma_wait3A_540 = arith.constant 0 : i32
        %dma_wait3A_541 = tpu.memref_slice %arg9[%dma_wait3A_536, %dma_wait3A_537, %dma_wait3A_539, %dma_wait3A_540] : memref<2x2x128x64xf32, #tpu.memory_space<vmem>> -> memref<1x1x128x64xf32, #tpu.memory_space<vmem>>
        %dma_wait3A_542 = tpu.memref_squeeze %dma_wait3A_541 : memref<1x1x128x64xf32, #tpu.memory_space<vmem>> -> memref<128x64xf32, #tpu.memory_space<vmem>>
        %dma_wait3A_543 = arith.constant 0 : i32
        %dma_wait3A_544 = tpu.memref_slice %arg8[%dma_wait3A_538, %dma_wait3A_543] : memref<80x128xi32, #tpu.memory_space<vmem>> -> memref<1x128xi32, #tpu.memory_space<vmem>>
        %dma_wait3A_545 = tpu.memref_squeeze %dma_wait3A_544 : memref<1x128xi32, #tpu.memory_space<vmem>> -> memref<128xi32, #tpu.memory_space<vmem>>
        %dma_wait3A_546 = arith.constant 0 : i32
        %dma_wait3A_547 = arith.constant 0 : i32
        %dma_wait3A_548 = tpu.memref_slice %arg14[%dma_wait3A_546, %dma_wait3A_547] : memref<10240x64xf32, #tpu.memory_space<vmem_shared>> -> memref<10240x64xf32, #tpu.memory_space<vmem_shared>>
        tpu.wait_indirect_dma semaphore(%arg12 : memref<!tpu.dma_semaphore, #tpu.memory_space<semaphore_mem>>) src(%dma_wait3A_542 : memref<128x64xf32, #tpu.memory_space<vmem>>) dst(%dma_wait3A_548 : memref<10240x64xf32, #tpu.memory_space<vmem_shared>>)
        %dma_wait3A_549 = arith.constant 0 : i32
        %dma_wait3A_550 = arith.constant 0 : i32
        %dma_wait3A_551 = tpu.memref_slice %arg8[%dma_wait3A_549, %dma_wait3A_550] : memref<80x128xi32, #tpu.memory_space<vmem>> -> memref<1x128xi32, #tpu.memory_space<vmem>>
        %dma_wait3A_552 = tpu.memref_squeeze %dma_wait3A_551 : memref<1x128xi32, #tpu.memory_space<vmem>> -> memref<128xi32, #tpu.memory_space<vmem>>
        %dma_wait3A_553 = arith.constant 0 : i32
        %dma_wait3A_554 = arith.constant 0 : i32
        %dma_wait3A_555 = tpu.memref_slice %arg18[%dma_wait3A_553, %dma_wait3A_554] : memref<10240x16xf32, #tpu.memory_space<vmem_shared>> -> memref<10240x16xf32, #tpu.memory_space<vmem_shared>>
        tpu.wait_indirect_dma semaphore(%arg17 : memref<!tpu.dma_semaphore, #tpu.memory_space<semaphore_mem>>) src(%arg15 : memref<128x16xf32, #tpu.memory_space<vmem>>) dst(%dma_wait3A_555 : memref<10240x16xf32, #tpu.memory_space<vmem_shared>>)
        %dma_wait3A_556 = arith.constant 0 : i32
        %dma_wait3A_557 = arith.constant 1 : i32
        %dma_wait3A_558 = arith.constant 0 : i32
        %dma_wait3A_559 = arith.constant 0 : i32
        %dma_wait3A_560 = arith.constant 0 : i32
        %dma_wait3A_561 = tpu.memref_slice %arg9[%dma_wait3A_556, %dma_wait3A_557, %dma_wait3A_559, %dma_wait3A_560] : memref<2x2x128x64xf32, #tpu.memory_space<vmem>> -> memref<1x1x128x64xf32, #tpu.memory_space<vmem>>
        %dma_wait3A_562 = tpu.memref_squeeze %dma_wait3A_561 : memref<1x1x128x64xf32, #tpu.memory_space<vmem>> -> memref<128x64xf32, #tpu.memory_space<vmem>>
        %dma_wait3A_563 = arith.constant 0 : i32
        %dma_wait3A_564 = tpu.memref_slice %arg8[%dma_wait3A_558, %dma_wait3A_563] : memref<80x128xi32, #tpu.memory_space<vmem>> -> memref<1x128xi32, #tpu.memory_space<vmem>>
        %dma_wait3A_565 = tpu.memref_squeeze %dma_wait3A_564 : memref<1x128xi32, #tpu.memory_space<vmem>> -> memref<128xi32, #tpu.memory_space<vmem>>
        %dma_wait3A_566 = arith.constant 0 : i32
        %dma_wait3A_567 = arith.constant 0 : i32
        %dma_wait3A_568 = tpu.memref_slice %arg14[%dma_wait3A_566, %dma_wait3A_567] : memref<10240x64xf32, #tpu.memory_space<vmem_shared>> -> memref<10240x64xf32, #tpu.memory_space<vmem_shared>>
        tpu.wait_indirect_dma semaphore(%arg12 : memref<!tpu.dma_semaphore, #tpu.memory_space<semaphore_mem>>) src(%dma_wait3A_562 : memref<128x64xf32, #tpu.memory_space<vmem>>) dst(%dma_wait3A_568 : memref<10240x64xf32, #tpu.memory_space<vmem_shared>>)
        %dma_wait3A_569 = arith.constant 0 : i32
        %dma_wait3A_570 = arith.constant 0 : i32
        %dma_wait3A_571 = tpu.memref_slice %arg8[%dma_wait3A_569, %dma_wait3A_570] : memref<80x128xi32, #tpu.memory_space<vmem>> -> memref<1x128xi32, #tpu.memory_space<vmem>>
        %dma_wait3A_572 = tpu.memref_squeeze %dma_wait3A_571 : memref<1x128xi32, #tpu.memory_space<vmem>> -> memref<128xi32, #tpu.memory_space<vmem>>
        %dma_wait3A_573 = arith.constant 0 : i32
        %dma_wait3A_574 = arith.constant 0 : i32
        %dma_wait3A_575 = tpu.memref_slice %arg18[%dma_wait3A_573, %dma_wait3A_574] : memref<10240x16xf32, #tpu.memory_space<vmem_shared>> -> memref<10240x16xf32, #tpu.memory_space<vmem_shared>>
        tpu.wait_indirect_dma semaphore(%arg17 : memref<!tpu.dma_semaphore, #tpu.memory_space<semaphore_mem>>) src(%arg15 : memref<128x16xf32, #tpu.memory_space<vmem>>) dst(%dma_wait3A_575 : memref<10240x16xf32, #tpu.memory_space<vmem_shared>>)
      } else {
      }
      %add3A_476 = arith.constant 1 : i32
      %add3A_477 = arith.addi %add3A_444, %add3A_476 : i32
      %lt3A_478 = arith.constant 40 : i32
      %lt3A_479 = arith.cmpi slt, %add3A_477, %lt3A_478 : i32
      %convert_element_type3A_480 = arith.extui %lt3A_479 : i1 to i32
      %cond3A_481 = arith.constant 0 : i32
      %cond3A_482 = arith.cmpi ne, %convert_element_type3A_480, %cond3A_481 : i32
      scf.if %cond3A_482 {
        %add3A_536 = arith.constant 1 : i32
        %add3A_537 = arith.addi %add3A_444, %add3A_536 : i32
        %mul3A_538 = arith.constant 2 : i32
        %mul3A_539 = arith.muli %add3A_537, %mul3A_538 : i32
        %add3A_540 = arith.constant 0 : i32
        %add3A_541 = arith.addi %mul3A_539, %add3A_540 : i32
        %dma_start3A_542 = arith.constant 0 : i32
        %dma_start3A_543 = arith.constant 0 : i32
        %dma_start3A_544 = arith.constant 0 : i32
        %dma_start3A_545 = arith.constant 0 : i32
        %dma_start3A_546 = tpu.memref_slice %arg9[%dma_start3A_542, %dma_start3A_543, %dma_start3A_544, %dma_start3A_545] : memref<2x2x128x64xf32, #tpu.memory_space<vmem>> -> memref<1x1x128x64xf32, #tpu.memory_space<vmem>>
        %dma_start3A_547 = tpu.memref_squeeze %dma_start3A_546 : memref<1x1x128x64xf32, #tpu.memory_space<vmem>> -> memref<128x64xf32, #tpu.memory_space<vmem>>
        %dma_start3A_548 = arith.constant 0 : i32
        %dma_start3A_549 = tpu.memref_slice %arg7[%add3A_541, %dma_start3A_548] : memref<80x128xi32, #tpu.memory_space<vmem>> -> memref<1x128xi32, #tpu.memory_space<vmem>>
        %dma_start3A_550 = tpu.memref_squeeze %dma_start3A_549 : memref<1x128xi32, #tpu.memory_space<vmem>> -> memref<128xi32, #tpu.memory_space<vmem>>
        %dma_start3A_551 = arith.constant 0 : i32
        %dma_start3A_552 = arith.constant 0 : i32
        %dma_start3A_553 = tpu.memref_slice %arg2[%dma_start3A_551, %dma_start3A_552] : memref<10000x64xf32, #tpu.memory_space<hbm>> -> memref<10000x64xf32, #tpu.memory_space<hbm>>
        tpu.enqueue_indirect_dma source(%dma_start3A_553 : memref<10000x64xf32, #tpu.memory_space<hbm>>) target(%dma_start3A_547 : memref<128x64xf32, #tpu.memory_space<vmem>>) offsets(%dma_start3A_550 : memref<128xi32, #tpu.memory_space<vmem>>) semaphore(%arg11 : memref<!tpu.dma_semaphore, #tpu.memory_space<semaphore_mem>>)
        %add3A_554 = arith.constant 1 : i32
        %add3A_555 = arith.addi %add3A_444, %add3A_554 : i32
        %mul3A_556 = arith.constant 2 : i32
        %mul3A_557 = arith.muli %add3A_555, %mul3A_556 : i32
        %add3A_558 = arith.constant 1 : i32
        %add3A_559 = arith.addi %mul3A_557, %add3A_558 : i32
        %dma_start3A_560 = arith.constant 0 : i32
        %dma_start3A_561 = arith.constant 1 : i32
        %dma_start3A_562 = arith.constant 0 : i32
        %dma_start3A_563 = arith.constant 0 : i32
        %dma_start3A_564 = tpu.memref_slice %arg9[%dma_start3A_560, %dma_start3A_561, %dma_start3A_562, %dma_start3A_563] : memref<2x2x128x64xf32, #tpu.memory_space<vmem>> -> memref<1x1x128x64xf32, #tpu.memory_space<vmem>>
        %dma_start3A_565 = tpu.memref_squeeze %dma_start3A_564 : memref<1x1x128x64xf32, #tpu.memory_space<vmem>> -> memref<128x64xf32, #tpu.memory_space<vmem>>
        %dma_start3A_566 = arith.constant 0 : i32
        %dma_start3A_567 = tpu.memref_slice %arg7[%add3A_559, %dma_start3A_566] : memref<80x128xi32, #tpu.memory_space<vmem>> -> memref<1x128xi32, #tpu.memory_space<vmem>>
        %dma_start3A_568 = tpu.memref_squeeze %dma_start3A_567 : memref<1x128xi32, #tpu.memory_space<vmem>> -> memref<128xi32, #tpu.memory_space<vmem>>
        %dma_start3A_569 = arith.constant 0 : i32
        %dma_start3A_570 = arith.constant 0 : i32
        %dma_start3A_571 = tpu.memref_slice %arg2[%dma_start3A_569, %dma_start3A_570] : memref<10000x64xf32, #tpu.memory_space<hbm>> -> memref<10000x64xf32, #tpu.memory_space<hbm>>
        tpu.enqueue_indirect_dma source(%dma_start3A_571 : memref<10000x64xf32, #tpu.memory_space<hbm>>) target(%dma_start3A_565 : memref<128x64xf32, #tpu.memory_space<vmem>>) offsets(%dma_start3A_568 : memref<128xi32, #tpu.memory_space<vmem>>) semaphore(%arg11 : memref<!tpu.dma_semaphore, #tpu.memory_space<semaphore_mem>>)
      } else {
      }
      %mul3A_483 = arith.constant 2 : i32
      %mul3A_484 = arith.muli %add3A_444, %mul3A_483 : i32
      %add3A_485 = arith.constant 0 : i32
      %add3A_486 = arith.addi %mul3A_484, %add3A_485 : i32
      %dma_start3A_487 = arith.constant 1 : i32
      %dma_start3A_488 = arith.constant 0 : i32
      %dma_start3A_489 = arith.constant 0 : i32
      %dma_start3A_490 = arith.constant 0 : i32
      %dma_start3A_491 = tpu.memref_slice %arg9[%dma_start3A_487, %dma_start3A_488, %dma_start3A_489, %dma_start3A_490] : memref<2x2x128x64xf32, #tpu.memory_space<vmem>> -> memref<1x1x128x64xf32, #tpu.memory_space<vmem>>
      %dma_start3A_492 = tpu.memref_squeeze %dma_start3A_491 : memref<1x1x128x64xf32, #tpu.memory_space<vmem>> -> memref<128x64xf32, #tpu.memory_space<vmem>>
      %dma_start3A_493 = arith.constant 0 : i32
      %dma_start3A_494 = tpu.memref_slice %arg8[%add3A_486, %dma_start3A_493] : memref<80x128xi32, #tpu.memory_space<vmem>> -> memref<1x128xi32, #tpu.memory_space<vmem>>
      %dma_start3A_495 = tpu.memref_squeeze %dma_start3A_494 : memref<1x128xi32, #tpu.memory_space<vmem>> -> memref<128xi32, #tpu.memory_space<vmem>>
      %dma_start3A_496 = arith.constant 0 : i32
      %dma_start3A_497 = arith.constant 0 : i32
      %dma_start3A_498 = tpu.memref_slice %arg14[%dma_start3A_496, %dma_start3A_497] : memref<10240x64xf32, #tpu.memory_space<vmem_shared>> -> memref<10240x64xf32, #tpu.memory_space<vmem_shared>>
      tpu.enqueue_indirect_dma source(%dma_start3A_492 : memref<128x64xf32, #tpu.memory_space<vmem>>) target(%dma_start3A_498 : memref<10240x64xf32, #tpu.memory_space<vmem_shared>>) offsets(%dma_start3A_495 : memref<128xi32, #tpu.memory_space<vmem>>) semaphore(%arg12 : memref<!tpu.dma_semaphore, #tpu.memory_space<semaphore_mem>>) {add = true}
      %mul3A_499 = arith.constant 2 : i32
      %mul3A_500 = arith.muli %add3A_444, %mul3A_499 : i32
      %add3A_501 = arith.constant 0 : i32
      %add3A_502 = arith.addi %mul3A_500, %add3A_501 : i32
      %dma_start3A_503 = arith.constant 0 : i32
      %dma_start3A_504 = tpu.memref_slice %arg8[%add3A_502, %dma_start3A_503] : memref<80x128xi32, #tpu.memory_space<vmem>> -> memref<1x128xi32, #tpu.memory_space<vmem>>
      %dma_start3A_505 = tpu.memref_squeeze %dma_start3A_504 : memref<1x128xi32, #tpu.memory_space<vmem>> -> memref<128xi32, #tpu.memory_space<vmem>>
      %dma_start3A_506 = arith.constant 0 : i32
      %dma_start3A_507 = arith.constant 0 : i32
      %dma_start3A_508 = tpu.memref_slice %arg18[%dma_start3A_506, %dma_start3A_507] : memref<10240x16xf32, #tpu.memory_space<vmem_shared>> -> memref<10240x16xf32, #tpu.memory_space<vmem_shared>>
      tpu.enqueue_indirect_dma source(%arg15 : memref<128x16xf32, #tpu.memory_space<vmem>>) target(%dma_start3A_508 : memref<10240x16xf32, #tpu.memory_space<vmem_shared>>) offsets(%dma_start3A_505 : memref<128xi32, #tpu.memory_space<vmem>>) semaphore(%arg17 : memref<!tpu.dma_semaphore, #tpu.memory_space<semaphore_mem>>) {add = true}
      %mul3A_509 = arith.constant 2 : i32
      %mul3A_510 = arith.muli %add3A_444, %mul3A_509 : i32
      %add3A_511 = arith.constant 1 : i32
      %add3A_512 = arith.addi %mul3A_510, %add3A_511 : i32
      %dma_start3A_513 = arith.constant 1 : i32
      %dma_start3A_514 = arith.constant 1 : i32
      %dma_start3A_515 = arith.constant 0 : i32
      %dma_start3A_516 = arith.constant 0 : i32
      %dma_start3A_517 = tpu.memref_slice %arg9[%dma_start3A_513, %dma_start3A_514, %dma_start3A_515, %dma_start3A_516] : memref<2x2x128x64xf32, #tpu.memory_space<vmem>> -> memref<1x1x128x64xf32, #tpu.memory_space<vmem>>
      %dma_start3A_518 = tpu.memref_squeeze %dma_start3A_517 : memref<1x1x128x64xf32, #tpu.memory_space<vmem>> -> memref<128x64xf32, #tpu.memory_space<vmem>>
      %dma_start3A_519 = arith.constant 0 : i32
      %dma_start3A_520 = tpu.memref_slice %arg8[%add3A_512, %dma_start3A_519] : memref<80x128xi32, #tpu.memory_space<vmem>> -> memref<1x128xi32, #tpu.memory_space<vmem>>
      %dma_start3A_521 = tpu.memref_squeeze %dma_start3A_520 : memref<1x128xi32, #tpu.memory_space<vmem>> -> memref<128xi32, #tpu.memory_space<vmem>>
      %dma_start3A_522 = arith.constant 0 : i32
      %dma_start3A_523 = arith.constant 0 : i32
      %dma_start3A_524 = tpu.memref_slice %arg14[%dma_start3A_522, %dma_start3A_523] : memref<10240x64xf32, #tpu.memory_space<vmem_shared>> -> memref<10240x64xf32, #tpu.memory_space<vmem_shared>>
      tpu.enqueue_indirect_dma source(%dma_start3A_518 : memref<128x64xf32, #tpu.memory_space<vmem>>) target(%dma_start3A_524 : memref<10240x64xf32, #tpu.memory_space<vmem_shared>>) offsets(%dma_start3A_521 : memref<128xi32, #tpu.memory_space<vmem>>) semaphore(%arg12 : memref<!tpu.dma_semaphore, #tpu.memory_space<semaphore_mem>>) {add = true}
      %mul3A_525 = arith.constant 2 : i32
      %mul3A_526 = arith.muli %add3A_444, %mul3A_525 : i32
      %add3A_527 = arith.constant 1 : i32
      %add3A_528 = arith.addi %mul3A_526, %add3A_527 : i32
      %dma_start3A_529 = arith.constant 0 : i32
      %dma_start3A_530 = tpu.memref_slice %arg8[%add3A_528, %dma_start3A_529] : memref<80x128xi32, #tpu.memory_space<vmem>> -> memref<1x128xi32, #tpu.memory_space<vmem>>
      %dma_start3A_531 = tpu.memref_squeeze %dma_start3A_530 : memref<1x128xi32, #tpu.memory_space<vmem>> -> memref<128xi32, #tpu.memory_space<vmem>>
      %dma_start3A_532 = arith.constant 0 : i32
      %dma_start3A_533 = arith.constant 0 : i32
      %dma_start3A_534 = tpu.memref_slice %arg18[%dma_start3A_532, %dma_start3A_533] : memref<10240x16xf32, #tpu.memory_space<vmem_shared>> -> memref<10240x16xf32, #tpu.memory_space<vmem_shared>>
      tpu.enqueue_indirect_dma source(%arg15 : memref<128x16xf32, #tpu.memory_space<vmem>>) target(%dma_start3A_534 : memref<10240x16xf32, #tpu.memory_space<vmem_shared>>) offsets(%dma_start3A_531 : memref<128xi32, #tpu.memory_space<vmem>>) semaphore(%arg17 : memref<!tpu.dma_semaphore, #tpu.memory_space<semaphore_mem>>) {add = true}
      %scan3A_535 = arith.constant 0 : i32
      scf.yield %scan3A_535 : i32
    }
    %scan3A_307 = arith.constant 20 : i32
    %dma_wait3A_308 = arith.constant 0 : i32
    %dma_wait3A_309 = arith.constant 0 : i32
    %dma_wait3A_310 = arith.constant 0 : i32
    %dma_wait3A_311 = arith.constant 0 : i32
    %dma_wait3A_312 = arith.constant 0 : i32
    %dma_wait3A_313 = tpu.memref_slice %arg9[%dma_wait3A_308, %dma_wait3A_309, %dma_wait3A_311, %dma_wait3A_312] : memref<2x2x128x64xf32, #tpu.memory_space<vmem>> -> memref<1x1x128x64xf32, #tpu.memory_space<vmem>>
    %dma_wait3A_314 = tpu.memref_squeeze %dma_wait3A_313 : memref<1x1x128x64xf32, #tpu.memory_space<vmem>> -> memref<128x64xf32, #tpu.memory_space<vmem>>
    %dma_wait3A_315 = arith.constant 0 : i32
    %dma_wait3A_316 = tpu.memref_slice %arg8[%dma_wait3A_310, %dma_wait3A_315] : memref<80x128xi32, #tpu.memory_space<vmem>> -> memref<1x128xi32, #tpu.memory_space<vmem>>
    %dma_wait3A_317 = tpu.memref_squeeze %dma_wait3A_316 : memref<1x128xi32, #tpu.memory_space<vmem>> -> memref<128xi32, #tpu.memory_space<vmem>>
    %dma_wait3A_318 = arith.constant 0 : i32
    %dma_wait3A_319 = arith.constant 0 : i32
    %dma_wait3A_320 = tpu.memref_slice %arg14[%dma_wait3A_318, %dma_wait3A_319] : memref<10240x64xf32, #tpu.memory_space<vmem_shared>> -> memref<10240x64xf32, #tpu.memory_space<vmem_shared>>
    tpu.wait_indirect_dma semaphore(%arg12 : memref<!tpu.dma_semaphore, #tpu.memory_space<semaphore_mem>>) src(%dma_wait3A_314 : memref<128x64xf32, #tpu.memory_space<vmem>>) dst(%dma_wait3A_320 : memref<10240x64xf32, #tpu.memory_space<vmem_shared>>)
    %dma_wait3A_321 = arith.constant 0 : i32
    %dma_wait3A_322 = arith.constant 0 : i32
    %dma_wait3A_323 = tpu.memref_slice %arg8[%dma_wait3A_321, %dma_wait3A_322] : memref<80x128xi32, #tpu.memory_space<vmem>> -> memref<1x128xi32, #tpu.memory_space<vmem>>
    %dma_wait3A_324 = tpu.memref_squeeze %dma_wait3A_323 : memref<1x128xi32, #tpu.memory_space<vmem>> -> memref<128xi32, #tpu.memory_space<vmem>>
    %dma_wait3A_325 = arith.constant 0 : i32
    %dma_wait3A_326 = arith.constant 0 : i32
    %dma_wait3A_327 = tpu.memref_slice %arg18[%dma_wait3A_325, %dma_wait3A_326] : memref<10240x16xf32, #tpu.memory_space<vmem_shared>> -> memref<10240x16xf32, #tpu.memory_space<vmem_shared>>
    tpu.wait_indirect_dma semaphore(%arg17 : memref<!tpu.dma_semaphore, #tpu.memory_space<semaphore_mem>>) src(%arg15 : memref<128x16xf32, #tpu.memory_space<vmem>>) dst(%dma_wait3A_327 : memref<10240x16xf32, #tpu.memory_space<vmem_shared>>)
    %dma_wait3A_328 = arith.constant 0 : i32
    %dma_wait3A_329 = arith.constant 1 : i32
    %dma_wait3A_330 = arith.constant 0 : i32
    %dma_wait3A_331 = arith.constant 0 : i32
    %dma_wait3A_332 = arith.constant 0 : i32
    %dma_wait3A_333 = tpu.memref_slice %arg9[%dma_wait3A_328, %dma_wait3A_329, %dma_wait3A_331, %dma_wait3A_332] : memref<2x2x128x64xf32, #tpu.memory_space<vmem>> -> memref<1x1x128x64xf32, #tpu.memory_space<vmem>>
    %dma_wait3A_334 = tpu.memref_squeeze %dma_wait3A_333 : memref<1x1x128x64xf32, #tpu.memory_space<vmem>> -> memref<128x64xf32, #tpu.memory_space<vmem>>
    %dma_wait3A_335 = arith.constant 0 : i32
    %dma_wait3A_336 = tpu.memref_slice %arg8[%dma_wait3A_330, %dma_wait3A_335] : memref<80x128xi32, #tpu.memory_space<vmem>> -> memref<1x128xi32, #tpu.memory_space<vmem>>
    %dma_wait3A_337 = tpu.memref_squeeze %dma_wait3A_336 : memref<1x128xi32, #tpu.memory_space<vmem>> -> memref<128xi32, #tpu.memory_space<vmem>>
    %dma_wait3A_338 = arith.constant 0 : i32
    %dma_wait3A_339 = arith.constant 0 : i32
    %dma_wait3A_340 = tpu.memref_slice %arg14[%dma_wait3A_338, %dma_wait3A_339] : memref<10240x64xf32, #tpu.memory_space<vmem_shared>> -> memref<10240x64xf32, #tpu.memory_space<vmem_shared>>
    tpu.wait_indirect_dma semaphore(%arg12 : memref<!tpu.dma_semaphore, #tpu.memory_space<semaphore_mem>>) src(%dma_wait3A_334 : memref<128x64xf32, #tpu.memory_space<vmem>>) dst(%dma_wait3A_340 : memref<10240x64xf32, #tpu.memory_space<vmem_shared>>)
    %dma_wait3A_341 = arith.constant 0 : i32
    %dma_wait3A_342 = arith.constant 0 : i32
    %dma_wait3A_343 = tpu.memref_slice %arg8[%dma_wait3A_341, %dma_wait3A_342] : memref<80x128xi32, #tpu.memory_space<vmem>> -> memref<1x128xi32, #tpu.memory_space<vmem>>
    %dma_wait3A_344 = tpu.memref_squeeze %dma_wait3A_343 : memref<1x128xi32, #tpu.memory_space<vmem>> -> memref<128xi32, #tpu.memory_space<vmem>>
    %dma_wait3A_345 = arith.constant 0 : i32
    %dma_wait3A_346 = arith.constant 0 : i32
    %dma_wait3A_347 = tpu.memref_slice %arg18[%dma_wait3A_345, %dma_wait3A_346] : memref<10240x16xf32, #tpu.memory_space<vmem_shared>> -> memref<10240x16xf32, #tpu.memory_space<vmem_shared>>
    tpu.wait_indirect_dma semaphore(%arg17 : memref<!tpu.dma_semaphore, #tpu.memory_space<semaphore_mem>>) src(%arg15 : memref<128x16xf32, #tpu.memory_space<vmem>>) dst(%dma_wait3A_347 : memref<10240x16xf32, #tpu.memory_space<vmem_shared>>)
    %barrier3A_348 = arith.constant 0 : index
    tpu.barrier barrier_id(%barrier3A_348)
    %mul3A_349 = arith.constant 640 : i32
    %mul3A_350 = arith.muli %arg1, %mul3A_349 : i32
    "tpu.region"() ({
      %run_scoped3A = tpu.sem_alloc : memref<!tpu.dma_semaphore, #tpu.memory_space<semaphore_mem>>
      %dma_start3A_351 = arith.constant 0 : i32
      %dma_start3A_352 = tpu.memref_slice %arg5[%arg0, %mul3A_350, %dma_start3A_351] : memref<2x10240x64xf32, #tpu.memory_space<hbm>> -> memref<1x640x64xf32, #tpu.memory_space<hbm>>
      %dma_start3A_353 = tpu.memref_squeeze %dma_start3A_352 : memref<1x640x64xf32, #tpu.memory_space<hbm>> -> memref<640x64xf32, #tpu.memory_space<hbm>>
      %dma_start3A_354 = arith.constant 0 : i32
      %dma_start3A_355 = tpu.memref_slice %arg14[%mul3A_350, %dma_start3A_354] : memref<10240x64xf32, #tpu.memory_space<vmem_shared>> -> memref<640x64xf32, #tpu.memory_space<vmem_shared>>
      tpu.enqueue_dma source(%dma_start3A_355 : memref<640x64xf32, #tpu.memory_space<vmem_shared>>) target(%dma_start3A_353 : memref<640x64xf32, #tpu.memory_space<hbm>>) target_semaphore(%run_scoped3A : memref<!tpu.dma_semaphore, #tpu.memory_space<semaphore_mem>>)
      %dma_wait3A_356 = arith.constant 0 : i32
      %dma_wait3A_357 = tpu.memref_slice %arg5[%arg0, %mul3A_350, %dma_wait3A_356] : memref<2x10240x64xf32, #tpu.memory_space<hbm>> -> memref<1x640x64xf32, #tpu.memory_space<hbm>>
      %dma_wait3A_358 = tpu.memref_squeeze %dma_wait3A_357 : memref<1x640x64xf32, #tpu.memory_space<hbm>> -> memref<640x64xf32, #tpu.memory_space<hbm>>
      %dma_wait3A_359 = arith.constant 0 : i32
      %dma_wait3A_360 = tpu.memref_slice %arg14[%mul3A_350, %dma_wait3A_359] : memref<10240x64xf32, #tpu.memory_space<vmem_shared>> -> memref<640x64xf32, #tpu.memory_space<vmem_shared>>
      tpu.wait_dma2 semaphore(%run_scoped3A : memref<!tpu.dma_semaphore, #tpu.memory_space<semaphore_mem>>) src(%dma_wait3A_360 : memref<640x64xf32, #tpu.memory_space<vmem_shared>>) dst(%dma_wait3A_358 : memref<640x64xf32, #tpu.memory_space<hbm>>)
      tpu.yield
    }) : () -> ()
    "tpu.region"() ({
      %run_scoped3A = tpu.sem_alloc : memref<!tpu.dma_semaphore, #tpu.memory_space<semaphore_mem>>
      %dma_start3A_351 = arith.constant 0 : i32
      %dma_start3A_352 = tpu.memref_slice %arg6[%arg0, %mul3A_350, %dma_start3A_351] : memref<2x10240x16xf32, #tpu.memory_space<hbm>> -> memref<1x640x16xf32, #tpu.memory_space<hbm>>
      %dma_start3A_353 = tpu.memref_squeeze %dma_start3A_352 : memref<1x640x16xf32, #tpu.memory_space<hbm>> -> memref<640x16xf32, #tpu.memory_space<hbm>>
      %dma_start3A_354 = arith.constant 0 : i32
      %dma_start3A_355 = tpu.memref_slice %arg18[%mul3A_350, %dma_start3A_354] : memref<10240x16xf32, #tpu.memory_space<vmem_shared>> -> memref<640x16xf32, #tpu.memory_space<vmem_shared>>
      tpu.enqueue_dma source(%dma_start3A_355 : memref<640x16xf32, #tpu.memory_space<vmem_shared>>) target(%dma_start3A_353 : memref<640x16xf32, #tpu.memory_space<hbm>>) target_semaphore(%run_scoped3A : memref<!tpu.dma_semaphore, #tpu.memory_space<semaphore_mem>>)
      %dma_wait3A_356 = arith.constant 0 : i32
      %dma_wait3A_357 = tpu.memref_slice %arg6[%arg0, %mul3A_350, %dma_wait3A_356] : memref<2x10240x16xf32, #tpu.memory_space<hbm>> -> memref<1x640x16xf32, #tpu.memory_space<hbm>>
      %dma_wait3A_358 = tpu.memref_squeeze %dma_wait3A_357 : memref<1x640x16xf32, #tpu.memory_space<hbm>> -> memref<640x16xf32, #tpu.memory_space<hbm>>
      %dma_wait3A_359 = arith.constant 0 : i32
      %dma_wait3A_360 = tpu.memref_slice %arg18[%mul3A_350, %dma_wait3A_359] : memref<10240x16xf32, #tpu.memory_space<vmem_shared>> -> memref<640x16xf32, #tpu.memory_space<vmem_shared>>
      tpu.wait_dma2 semaphore(%run_scoped3A : memref<!tpu.dma_semaphore, #tpu.memory_space<semaphore_mem>>) src(%dma_wait3A_360 : memref<640x16xf32, #tpu.memory_space<vmem_shared>>) dst(%dma_wait3A_358 : memref<640x16xf32, #tpu.memory_space<hbm>>)
      tpu.yield
    }) : () -> ()
    return
  }
}

#map = affine_map<(d0, d1) -> (0, 0)>
#map1 = affine_map<(d0, d1) -> (0, 0, 0)>
module attributes {stable_mosaic.version = 14 : i64} {
  func.func @body(%arg0: i32, %arg1: i32, %arg2: memref<10000x32xf32, #tpu.memory_space<hbm>>, %arg3: memref<2560x128xi32, #tpu.memory_space<hbm>>, %arg4: memref<2560x128xi32, #tpu.memory_space<hbm>>, %arg5: memref<2x10240x32xf32, #tpu.memory_space<hbm>>, %arg6: memref<80x128xi32, #tpu.memory_space<vmem>>, %arg7: memref<80x128xi32, #tpu.memory_space<vmem>>, %arg8: memref<2x5x128x32xf32, #tpu.memory_space<vmem>>, %arg9: memref<64x32xf32, #tpu.memory_space<vmem>>, %arg10: memref<!tpu.dma_semaphore, #tpu.memory_space<semaphore_mem>>, %arg11: memref<!tpu.dma_semaphore, #tpu.memory_space<semaphore_mem>>, %arg12: memref<!tpu.dma_semaphore, #tpu.memory_space<semaphore_mem>>, %arg13: memref<10240x32xf32, #tpu.memory_space<vmem_shared>>) attributes {dimension_semantics = [#tpu.dimension_semantics<core_parallel>, #tpu.dimension_semantics<subcore_parallel>], iteration_bounds = array<i64: 2, 16>, scalar_prefetch = 0 : i64, scratch_operands = 8 : i64, tpu.core_type = #tpu.core_type<sc_vector_subcore>, window_params = [{transform_indices = #map}, {transform_indices = #map}, {transform_indices = #map}, {transform_indices = #map1}]} {
    %mul3A = arith.constant 2 : i32
    %mul3A_0 = arith.muli %arg1, %mul3A : i32
    %add3A = arith.addi %mul3A_0, %arg0 : i32
    %mul3A_1 = arith.constant 80 : i32
    %mul3A_2 = arith.muli %add3A, %mul3A_1 : i32
    %dma_start3A = arith.constant 0 : i32
    %dma_start3A_3 = tpu.memref_slice %arg3[%mul3A_2, %dma_start3A] : memref<2560x128xi32, #tpu.memory_space<hbm>> -> memref<80x128xi32, #tpu.memory_space<hbm>>
    %dma_start3A_4 = arith.constant 0 : i32
    %dma_start3A_5 = tpu.memref_slice %arg3[%mul3A_2, %dma_start3A_4] : memref<2560x128xi32, #tpu.memory_space<hbm>> -> memref<80x128xi32, #tpu.memory_space<hbm>>
    tpu.enqueue_dma source(%dma_start3A_5 : memref<80x128xi32, #tpu.memory_space<hbm>>) target(%arg6 : memref<80x128xi32, #tpu.memory_space<vmem>>) target_semaphore(%arg12 : memref<!tpu.dma_semaphore, #tpu.memory_space<semaphore_mem>>)
    %mul3A_6 = arith.constant 80 : i32
    %mul3A_7 = arith.muli %add3A, %mul3A_6 : i32
    %dma_start3A_8 = arith.constant 0 : i32
    %dma_start3A_9 = tpu.memref_slice %arg4[%mul3A_7, %dma_start3A_8] : memref<2560x128xi32, #tpu.memory_space<hbm>> -> memref<80x128xi32, #tpu.memory_space<hbm>>
    %dma_start3A_10 = arith.constant 0 : i32
    %dma_start3A_11 = tpu.memref_slice %arg4[%mul3A_7, %dma_start3A_10] : memref<2560x128xi32, #tpu.memory_space<hbm>> -> memref<80x128xi32, #tpu.memory_space<hbm>>
    tpu.enqueue_dma source(%dma_start3A_11 : memref<80x128xi32, #tpu.memory_space<hbm>>) target(%arg7 : memref<80x128xi32, #tpu.memory_space<vmem>>) target_semaphore(%arg12 : memref<!tpu.dma_semaphore, #tpu.memory_space<semaphore_mem>>)
    %broadcast_in_dim3A = arith.constant 0.000000e+00 : f32
    %broadcast_in_dim3A_12 = vector.broadcast %broadcast_in_dim3A : f32 to vector<16xf32>
    %scan3A = arith.constant 0 : i32
    %scan3A_13 = arith.constant 0 : i32
    %scan3A_14 = arith.constant 64 : i32
    %scan3A_15 = arith.addi %scan3A_13, %scan3A_14 : i32
    %scan3A_16 = arith.constant 1 : i32
    %scan3A_17 = scf.for %scan3A_306 = %scan3A_13 to %scan3A_15 step %scan3A_16 iter_args(%scan3A_307 = %scan3A) -> (i32)  : i32 {
      %swap3A = arith.index_cast %scan3A_306 : i32 to index
      %swap3A_308 = arith.constant 0 : index
      %swap3A_309 = tpu.vector_load %arg9[%swap3A, %swap3A_308] {strides = array<i32>} : memref<64x32xf32, #tpu.memory_space<vmem>>, vector<1x16xf32>,
      %swap3A_310 = vector.shape_cast %swap3A_309 : vector<1x16xf32> to vector<16xf32>
      %swap3A_311 = vector.shape_cast %broadcast_in_dim3A_12 : vector<16xf32> to vector<1x16xf32>
      tpu.vector_store %arg9[%swap3A, %swap3A_308], %swap3A_311 {strides = array<i32>} : memref<64x32xf32, #tpu.memory_space<vmem>>, vector<1x16xf32>,
      %swap3A_312 = arith.index_cast %scan3A_306 : i32 to index
      %swap3A_313 = arith.constant 16 : index
      %swap3A_314 = tpu.vector_load %arg9[%swap3A_312, %swap3A_313] {strides = array<i32>} : memref<64x32xf32, #tpu.memory_space<vmem>>, vector<1x16xf32>,
      %swap3A_315 = vector.shape_cast %swap3A_314 : vector<1x16xf32> to vector<16xf32>
      %swap3A_316 = vector.shape_cast %broadcast_in_dim3A_12 : vector<16xf32> to vector<1x16xf32>
      tpu.vector_store %arg9[%swap3A_312, %swap3A_313], %swap3A_316 {strides = array<i32>} : memref<64x32xf32, #tpu.memory_space<vmem>>, vector<1x16xf32>,
      %scan3A_317 = arith.constant 0 : i32
      scf.yield %scan3A_317 : i32
    }
    %scan3A_18 = arith.constant 64 : i32
    %mul3A_19 = arith.constant 640 : i32
    %mul3A_20 = arith.muli %arg1, %mul3A_19 : i32
    %add3A_21 = arith.constant 0 : i32
    %add3A_22 = arith.addi %mul3A_20, %add3A_21 : i32
    %dma_start3A_23 = arith.constant 0 : i32
    %dma_start3A_24 = tpu.memref_slice %arg13[%add3A_22, %dma_start3A_23] : memref<10240x32xf32, #tpu.memory_space<vmem_shared>> -> memref<64x32xf32, #tpu.memory_space<vmem_shared>>
    %dma_start3A_25 = arith.constant 0 : i32
    %dma_start3A_26 = tpu.memref_slice %arg13[%add3A_22, %dma_start3A_25] : memref<10240x32xf32, #tpu.memory_space<vmem_shared>> -> memref<64x32xf32, #tpu.memory_space<vmem_shared>>
    tpu.enqueue_dma source(%arg9 : memref<64x32xf32, #tpu.memory_space<vmem>>) target(%dma_start3A_26 : memref<64x32xf32, #tpu.memory_space<vmem_shared>>) target_semaphore(%arg11 : memref<!tpu.dma_semaphore, #tpu.memory_space<semaphore_mem>>)
    %mul3A_27 = arith.constant 640 : i32
    %mul3A_28 = arith.muli %arg1, %mul3A_27 : i32
    %add3A_29 = arith.constant 64 : i32
    %add3A_30 = arith.addi %mul3A_28, %add3A_29 : i32
    %dma_start3A_31 = arith.constant 0 : i32
    %dma_start3A_32 = tpu.memref_slice %arg13[%add3A_30, %dma_start3A_31] : memref<10240x32xf32, #tpu.memory_space<vmem_shared>> -> memref<64x32xf32, #tpu.memory_space<vmem_shared>>
    %dma_start3A_33 = arith.constant 0 : i32
    %dma_start3A_34 = tpu.memref_slice %arg13[%add3A_30, %dma_start3A_33] : memref<10240x32xf32, #tpu.memory_space<vmem_shared>> -> memref<64x32xf32, #tpu.memory_space<vmem_shared>>
    tpu.enqueue_dma source(%arg9 : memref<64x32xf32, #tpu.memory_space<vmem>>) target(%dma_start3A_34 : memref<64x32xf32, #tpu.memory_space<vmem_shared>>) target_semaphore(%arg11 : memref<!tpu.dma_semaphore, #tpu.memory_space<semaphore_mem>>)
    %mul3A_35 = arith.constant 640 : i32
    %mul3A_36 = arith.muli %arg1, %mul3A_35 : i32
    %add3A_37 = arith.constant 128 : i32
    %add3A_38 = arith.addi %mul3A_36, %add3A_37 : i32
    %dma_start3A_39 = arith.constant 0 : i32
    %dma_start3A_40 = tpu.memref_slice %arg13[%add3A_38, %dma_start3A_39] : memref<10240x32xf32, #tpu.memory_space<vmem_shared>> -> memref<64x32xf32, #tpu.memory_space<vmem_shared>>
    %dma_start3A_41 = arith.constant 0 : i32
    %dma_start3A_42 = tpu.memref_slice %arg13[%add3A_38, %dma_start3A_41] : memref<10240x32xf32, #tpu.memory_space<vmem_shared>> -> memref<64x32xf32, #tpu.memory_space<vmem_shared>>
    tpu.enqueue_dma source(%arg9 : memref<64x32xf32, #tpu.memory_space<vmem>>) target(%dma_start3A_42 : memref<64x32xf32, #tpu.memory_space<vmem_shared>>) target_semaphore(%arg11 : memref<!tpu.dma_semaphore, #tpu.memory_space<semaphore_mem>>)
    %mul3A_43 = arith.constant 640 : i32
    %mul3A_44 = arith.muli %arg1, %mul3A_43 : i32
    %add3A_45 = arith.constant 192 : i32
    %add3A_46 = arith.addi %mul3A_44, %add3A_45 : i32
    %dma_start3A_47 = arith.constant 0 : i32
    %dma_start3A_48 = tpu.memref_slice %arg13[%add3A_46, %dma_start3A_47] : memref<10240x32xf32, #tpu.memory_space<vmem_shared>> -> memref<64x32xf32, #tpu.memory_space<vmem_shared>>
    %dma_start3A_49 = arith.constant 0 : i32
    %dma_start3A_50 = tpu.memref_slice %arg13[%add3A_46, %dma_start3A_49] : memref<10240x32xf32, #tpu.memory_space<vmem_shared>> -> memref<64x32xf32, #tpu.memory_space<vmem_shared>>
    tpu.enqueue_dma source(%arg9 : memref<64x32xf32, #tpu.memory_space<vmem>>) target(%dma_start3A_50 : memref<64x32xf32, #tpu.memory_space<vmem_shared>>) target_semaphore(%arg11 : memref<!tpu.dma_semaphore, #tpu.memory_space<semaphore_mem>>)
    %mul3A_51 = arith.constant 640 : i32
    %mul3A_52 = arith.muli %arg1, %mul3A_51 : i32
    %add3A_53 = arith.constant 256 : i32
    %add3A_54 = arith.addi %mul3A_52, %add3A_53 : i32
    %dma_start3A_55 = arith.constant 0 : i32
    %dma_start3A_56 = tpu.memref_slice %arg13[%add3A_54, %dma_start3A_55] : memref<10240x32xf32, #tpu.memory_space<vmem_shared>> -> memref<64x32xf32, #tpu.memory_space<vmem_shared>>
    %dma_start3A_57 = arith.constant 0 : i32
    %dma_start3A_58 = tpu.memref_slice %arg13[%add3A_54, %dma_start3A_57] : memref<10240x32xf32, #tpu.memory_space<vmem_shared>> -> memref<64x32xf32, #tpu.memory_space<vmem_shared>>
    tpu.enqueue_dma source(%arg9 : memref<64x32xf32, #tpu.memory_space<vmem>>) target(%dma_start3A_58 : memref<64x32xf32, #tpu.memory_space<vmem_shared>>) target_semaphore(%arg11 : memref<!tpu.dma_semaphore, #tpu.memory_space<semaphore_mem>>)
    %mul3A_59 = arith.constant 640 : i32
    %mul3A_60 = arith.muli %arg1, %mul3A_59 : i32
    %add3A_61 = arith.constant 320 : i32
    %add3A_62 = arith.addi %mul3A_60, %add3A_61 : i32
    %dma_start3A_63 = arith.constant 0 : i32
    %dma_start3A_64 = tpu.memref_slice %arg13[%add3A_62, %dma_start3A_63] : memref<10240x32xf32, #tpu.memory_space<vmem_shared>> -> memref<64x32xf32, #tpu.memory_space<vmem_shared>>
    %dma_start3A_65 = arith.constant 0 : i32
    %dma_start3A_66 = tpu.memref_slice %arg13[%add3A_62, %dma_start3A_65] : memref<10240x32xf32, #tpu.memory_space<vmem_shared>> -> memref<64x32xf32, #tpu.memory_space<vmem_shared>>
    tpu.enqueue_dma source(%arg9 : memref<64x32xf32, #tpu.memory_space<vmem>>) target(%dma_start3A_66 : memref<64x32xf32, #tpu.memory_space<vmem_shared>>) target_semaphore(%arg11 : memref<!tpu.dma_semaphore, #tpu.memory_space<semaphore_mem>>)
    %mul3A_67 = arith.constant 640 : i32
    %mul3A_68 = arith.muli %arg1, %mul3A_67 : i32
    %add3A_69 = arith.constant 384 : i32
    %add3A_70 = arith.addi %mul3A_68, %add3A_69 : i32
    %dma_start3A_71 = arith.constant 0 : i32
    %dma_start3A_72 = tpu.memref_slice %arg13[%add3A_70, %dma_start3A_71] : memref<10240x32xf32, #tpu.memory_space<vmem_shared>> -> memref<64x32xf32, #tpu.memory_space<vmem_shared>>
    %dma_start3A_73 = arith.constant 0 : i32
    %dma_start3A_74 = tpu.memref_slice %arg13[%add3A_70, %dma_start3A_73] : memref<10240x32xf32, #tpu.memory_space<vmem_shared>> -> memref<64x32xf32, #tpu.memory_space<vmem_shared>>
    tpu.enqueue_dma source(%arg9 : memref<64x32xf32, #tpu.memory_space<vmem>>) target(%dma_start3A_74 : memref<64x32xf32, #tpu.memory_space<vmem_shared>>) target_semaphore(%arg11 : memref<!tpu.dma_semaphore, #tpu.memory_space<semaphore_mem>>)
    %mul3A_75 = arith.constant 640 : i32
    %mul3A_76 = arith.muli %arg1, %mul3A_75 : i32
    %add3A_77 = arith.constant 448 : i32
    %add3A_78 = arith.addi %mul3A_76, %add3A_77 : i32
    %dma_start3A_79 = arith.constant 0 : i32
    %dma_start3A_80 = tpu.memref_slice %arg13[%add3A_78, %dma_start3A_79] : memref<10240x32xf32, #tpu.memory_space<vmem_shared>> -> memref<64x32xf32, #tpu.memory_space<vmem_shared>>
    %dma_start3A_81 = arith.constant 0 : i32
    %dma_start3A_82 = tpu.memref_slice %arg13[%add3A_78, %dma_start3A_81] : memref<10240x32xf32, #tpu.memory_space<vmem_shared>> -> memref<64x32xf32, #tpu.memory_space<vmem_shared>>
    tpu.enqueue_dma source(%arg9 : memref<64x32xf32, #tpu.memory_space<vmem>>) target(%dma_start3A_82 : memref<64x32xf32, #tpu.memory_space<vmem_shared>>) target_semaphore(%arg11 : memref<!tpu.dma_semaphore, #tpu.memory_space<semaphore_mem>>)
    %mul3A_83 = arith.constant 640 : i32
    %mul3A_84 = arith.muli %arg1, %mul3A_83 : i32
    %add3A_85 = arith.constant 512 : i32
    %add3A_86 = arith.addi %mul3A_84, %add3A_85 : i32
    %dma_start3A_87 = arith.constant 0 : i32
    %dma_start3A_88 = tpu.memref_slice %arg13[%add3A_86, %dma_start3A_87] : memref<10240x32xf32, #tpu.memory_space<vmem_shared>> -> memref<64x32xf32, #tpu.memory_space<vmem_shared>>
    %dma_start3A_89 = arith.constant 0 : i32
    %dma_start3A_90 = tpu.memref_slice %arg13[%add3A_86, %dma_start3A_89] : memref<10240x32xf32, #tpu.memory_space<vmem_shared>> -> memref<64x32xf32, #tpu.memory_space<vmem_shared>>
    tpu.enqueue_dma source(%arg9 : memref<64x32xf32, #tpu.memory_space<vmem>>) target(%dma_start3A_90 : memref<64x32xf32, #tpu.memory_space<vmem_shared>>) target_semaphore(%arg11 : memref<!tpu.dma_semaphore, #tpu.memory_space<semaphore_mem>>)
    %mul3A_91 = arith.constant 640 : i32
    %mul3A_92 = arith.muli %arg1, %mul3A_91 : i32
    %add3A_93 = arith.constant 576 : i32
    %add3A_94 = arith.addi %mul3A_92, %add3A_93 : i32
    %dma_start3A_95 = arith.constant 0 : i32
    %dma_start3A_96 = tpu.memref_slice %arg13[%add3A_94, %dma_start3A_95] : memref<10240x32xf32, #tpu.memory_space<vmem_shared>> -> memref<64x32xf32, #tpu.memory_space<vmem_shared>>
    %dma_start3A_97 = arith.constant 0 : i32
    %dma_start3A_98 = tpu.memref_slice %arg13[%add3A_94, %dma_start3A_97] : memref<10240x32xf32, #tpu.memory_space<vmem_shared>> -> memref<64x32xf32, #tpu.memory_space<vmem_shared>>
    tpu.enqueue_dma source(%arg9 : memref<64x32xf32, #tpu.memory_space<vmem>>) target(%dma_start3A_98 : memref<64x32xf32, #tpu.memory_space<vmem_shared>>) target_semaphore(%arg11 : memref<!tpu.dma_semaphore, #tpu.memory_space<semaphore_mem>>)
    %mul3A_99 = arith.constant 640 : i32
    %mul3A_100 = arith.muli %arg1, %mul3A_99 : i32
    %dma_wait3A = arith.constant 0 : i32
    %dma_wait3A_101 = tpu.memref_slice %arg13[%mul3A_100, %dma_wait3A] : memref<10240x32xf32, #tpu.memory_space<vmem_shared>> -> memref<64x32xf32, #tpu.memory_space<vmem_shared>>
    %dma_wait3A_102 = arith.constant 0 : i32
    %dma_wait3A_103 = tpu.memref_slice %arg13[%mul3A_100, %dma_wait3A_102] : memref<10240x32xf32, #tpu.memory_space<vmem_shared>> -> memref<64x32xf32, #tpu.memory_space<vmem_shared>>
    tpu.wait_dma2 semaphore(%arg11 : memref<!tpu.dma_semaphore, #tpu.memory_space<semaphore_mem>>) src(%arg9 : memref<64x32xf32, #tpu.memory_space<vmem>>) dst(%dma_wait3A_103 : memref<64x32xf32, #tpu.memory_space<vmem_shared>>)
    %mul3A_104 = arith.constant 640 : i32
    %mul3A_105 = arith.muli %arg1, %mul3A_104 : i32
    %dma_wait3A_106 = arith.constant 0 : i32
    %dma_wait3A_107 = tpu.memref_slice %arg13[%mul3A_105, %dma_wait3A_106] : memref<10240x32xf32, #tpu.memory_space<vmem_shared>> -> memref<64x32xf32, #tpu.memory_space<vmem_shared>>
    %dma_wait3A_108 = arith.constant 0 : i32
    %dma_wait3A_109 = tpu.memref_slice %arg13[%mul3A_105, %dma_wait3A_108] : memref<10240x32xf32, #tpu.memory_space<vmem_shared>> -> memref<64x32xf32, #tpu.memory_space<vmem_shared>>
    tpu.wait_dma2 semaphore(%arg11 : memref<!tpu.dma_semaphore, #tpu.memory_space<semaphore_mem>>) src(%arg9 : memref<64x32xf32, #tpu.memory_space<vmem>>) dst(%dma_wait3A_109 : memref<64x32xf32, #tpu.memory_space<vmem_shared>>)
    %mul3A_110 = arith.constant 640 : i32
    %mul3A_111 = arith.muli %arg1, %mul3A_110 : i32
    %dma_wait3A_112 = arith.constant 0 : i32
    %dma_wait3A_113 = tpu.memref_slice %arg13[%mul3A_111, %dma_wait3A_112] : memref<10240x32xf32, #tpu.memory_space<vmem_shared>> -> memref<64x32xf32, #tpu.memory_space<vmem_shared>>
    %dma_wait3A_114 = arith.constant 0 : i32
    %dma_wait3A_115 = tpu.memref_slice %arg13[%mul3A_111, %dma_wait3A_114] : memref<10240x32xf32, #tpu.memory_space<vmem_shared>> -> memref<64x32xf32, #tpu.memory_space<vmem_shared>>
    tpu.wait_dma2 semaphore(%arg11 : memref<!tpu.dma_semaphore, #tpu.memory_space<semaphore_mem>>) src(%arg9 : memref<64x32xf32, #tpu.memory_space<vmem>>) dst(%dma_wait3A_115 : memref<64x32xf32, #tpu.memory_space<vmem_shared>>)
    %mul3A_116 = arith.constant 640 : i32
    %mul3A_117 = arith.muli %arg1, %mul3A_116 : i32
    %dma_wait3A_118 = arith.constant 0 : i32
    %dma_wait3A_119 = tpu.memref_slice %arg13[%mul3A_117, %dma_wait3A_118] : memref<10240x32xf32, #tpu.memory_space<vmem_shared>> -> memref<64x32xf32, #tpu.memory_space<vmem_shared>>
    %dma_wait3A_120 = arith.constant 0 : i32
    %dma_wait3A_121 = tpu.memref_slice %arg13[%mul3A_117, %dma_wait3A_120] : memref<10240x32xf32, #tpu.memory_space<vmem_shared>> -> memref<64x32xf32, #tpu.memory_space<vmem_shared>>
    tpu.wait_dma2 semaphore(%arg11 : memref<!tpu.dma_semaphore, #tpu.memory_space<semaphore_mem>>) src(%arg9 : memref<64x32xf32, #tpu.memory_space<vmem>>) dst(%dma_wait3A_121 : memref<64x32xf32, #tpu.memory_space<vmem_shared>>)
    %mul3A_122 = arith.constant 640 : i32
    %mul3A_123 = arith.muli %arg1, %mul3A_122 : i32
    %dma_wait3A_124 = arith.constant 0 : i32
    %dma_wait3A_125 = tpu.memref_slice %arg13[%mul3A_123, %dma_wait3A_124] : memref<10240x32xf32, #tpu.memory_space<vmem_shared>> -> memref<64x32xf32, #tpu.memory_space<vmem_shared>>
    %dma_wait3A_126 = arith.constant 0 : i32
    %dma_wait3A_127 = tpu.memref_slice %arg13[%mul3A_123, %dma_wait3A_126] : memref<10240x32xf32, #tpu.memory_space<vmem_shared>> -> memref<64x32xf32, #tpu.memory_space<vmem_shared>>
    tpu.wait_dma2 semaphore(%arg11 : memref<!tpu.dma_semaphore, #tpu.memory_space<semaphore_mem>>) src(%arg9 : memref<64x32xf32, #tpu.memory_space<vmem>>) dst(%dma_wait3A_127 : memref<64x32xf32, #tpu.memory_space<vmem_shared>>)
    %mul3A_128 = arith.constant 640 : i32
    %mul3A_129 = arith.muli %arg1, %mul3A_128 : i32
    %dma_wait3A_130 = arith.constant 0 : i32
    %dma_wait3A_131 = tpu.memref_slice %arg13[%mul3A_129, %dma_wait3A_130] : memref<10240x32xf32, #tpu.memory_space<vmem_shared>> -> memref<64x32xf32, #tpu.memory_space<vmem_shared>>
    %dma_wait3A_132 = arith.constant 0 : i32
    %dma_wait3A_133 = tpu.memref_slice %arg13[%mul3A_129, %dma_wait3A_132] : memref<10240x32xf32, #tpu.memory_space<vmem_shared>> -> memref<64x32xf32, #tpu.memory_space<vmem_shared>>
    tpu.wait_dma2 semaphore(%arg11 : memref<!tpu.dma_semaphore, #tpu.memory_space<semaphore_mem>>) src(%arg9 : memref<64x32xf32, #tpu.memory_space<vmem>>) dst(%dma_wait3A_133 : memref<64x32xf32, #tpu.memory_space<vmem_shared>>)
    %mul3A_134 = arith.constant 640 : i32
    %mul3A_135 = arith.muli %arg1, %mul3A_134 : i32
    %dma_wait3A_136 = arith.constant 0 : i32
    %dma_wait3A_137 = tpu.memref_slice %arg13[%mul3A_135, %dma_wait3A_136] : memref<10240x32xf32, #tpu.memory_space<vmem_shared>> -> memref<64x32xf32, #tpu.memory_space<vmem_shared>>
    %dma_wait3A_138 = arith.constant 0 : i32
    %dma_wait3A_139 = tpu.memref_slice %arg13[%mul3A_135, %dma_wait3A_138] : memref<10240x32xf32, #tpu.memory_space<vmem_shared>> -> memref<64x32xf32, #tpu.memory_space<vmem_shared>>
    tpu.wait_dma2 semaphore(%arg11 : memref<!tpu.dma_semaphore, #tpu.memory_space<semaphore_mem>>) src(%arg9 : memref<64x32xf32, #tpu.memory_space<vmem>>) dst(%dma_wait3A_139 : memref<64x32xf32, #tpu.memory_space<vmem_shared>>)
    %mul3A_140 = arith.constant 640 : i32
    %mul3A_141 = arith.muli %arg1, %mul3A_140 : i32
    %dma_wait3A_142 = arith.constant 0 : i32
    %dma_wait3A_143 = tpu.memref_slice %arg13[%mul3A_141, %dma_wait3A_142] : memref<10240x32xf32, #tpu.memory_space<vmem_shared>> -> memref<64x32xf32, #tpu.memory_space<vmem_shared>>
    %dma_wait3A_144 = arith.constant 0 : i32
    %dma_wait3A_145 = tpu.memref_slice %arg13[%mul3A_141, %dma_wait3A_144] : memref<10240x32xf32, #tpu.memory_space<vmem_shared>> -> memref<64x32xf32, #tpu.memory_space<vmem_shared>>
    tpu.wait_dma2 semaphore(%arg11 : memref<!tpu.dma_semaphore, #tpu.memory_space<semaphore_mem>>) src(%arg9 : memref<64x32xf32, #tpu.memory_space<vmem>>) dst(%dma_wait3A_145 : memref<64x32xf32, #tpu.memory_space<vmem_shared>>)
    %mul3A_146 = arith.constant 640 : i32
    %mul3A_147 = arith.muli %arg1, %mul3A_146 : i32
    %dma_wait3A_148 = arith.constant 0 : i32
    %dma_wait3A_149 = tpu.memref_slice %arg13[%mul3A_147, %dma_wait3A_148] : memref<10240x32xf32, #tpu.memory_space<vmem_shared>> -> memref<64x32xf32, #tpu.memory_space<vmem_shared>>
    %dma_wait3A_150 = arith.constant 0 : i32
    %dma_wait3A_151 = tpu.memref_slice %arg13[%mul3A_147, %dma_wait3A_150] : memref<10240x32xf32, #tpu.memory_space<vmem_shared>> -> memref<64x32xf32, #tpu.memory_space<vmem_shared>>
    tpu.wait_dma2 semaphore(%arg11 : memref<!tpu.dma_semaphore, #tpu.memory_space<semaphore_mem>>) src(%arg9 : memref<64x32xf32, #tpu.memory_space<vmem>>) dst(%dma_wait3A_151 : memref<64x32xf32, #tpu.memory_space<vmem_shared>>)
    %mul3A_152 = arith.constant 640 : i32
    %mul3A_153 = arith.muli %arg1, %mul3A_152 : i32
    %dma_wait3A_154 = arith.constant 0 : i32
    %dma_wait3A_155 = tpu.memref_slice %arg13[%mul3A_153, %dma_wait3A_154] : memref<10240x32xf32, #tpu.memory_space<vmem_shared>> -> memref<64x32xf32, #tpu.memory_space<vmem_shared>>
    %dma_wait3A_156 = arith.constant 0 : i32
    %dma_wait3A_157 = tpu.memref_slice %arg13[%mul3A_153, %dma_wait3A_156] : memref<10240x32xf32, #tpu.memory_space<vmem_shared>> -> memref<64x32xf32, #tpu.memory_space<vmem_shared>>
    tpu.wait_dma2 semaphore(%arg11 : memref<!tpu.dma_semaphore, #tpu.memory_space<semaphore_mem>>) src(%arg9 : memref<64x32xf32, #tpu.memory_space<vmem>>) dst(%dma_wait3A_157 : memref<64x32xf32, #tpu.memory_space<vmem_shared>>)
    %dma_wait3A_158 = arith.constant 0 : i32
    %dma_wait3A_159 = tpu.memref_slice %arg3[%mul3A_2, %dma_wait3A_158] : memref<2560x128xi32, #tpu.memory_space<hbm>> -> memref<80x128xi32, #tpu.memory_space<hbm>>
    %dma_wait3A_160 = arith.constant 0 : i32
    %dma_wait3A_161 = tpu.memref_slice %arg3[%mul3A_2, %dma_wait3A_160] : memref<2560x128xi32, #tpu.memory_space<hbm>> -> memref<80x128xi32, #tpu.memory_space<hbm>>
    tpu.wait_dma2 semaphore(%arg12 : memref<!tpu.dma_semaphore, #tpu.memory_space<semaphore_mem>>) src(%dma_wait3A_161 : memref<80x128xi32, #tpu.memory_space<hbm>>) dst(%arg6 : memref<80x128xi32, #tpu.memory_space<vmem>>)
    %dma_wait3A_162 = arith.constant 0 : i32
    %dma_wait3A_163 = tpu.memref_slice %arg4[%mul3A_7, %dma_wait3A_162] : memref<2560x128xi32, #tpu.memory_space<hbm>> -> memref<80x128xi32, #tpu.memory_space<hbm>>
    %dma_wait3A_164 = arith.constant 0 : i32
    %dma_wait3A_165 = tpu.memref_slice %arg4[%mul3A_7, %dma_wait3A_164] : memref<2560x128xi32, #tpu.memory_space<hbm>> -> memref<80x128xi32, #tpu.memory_space<hbm>>
    tpu.wait_dma2 semaphore(%arg12 : memref<!tpu.dma_semaphore, #tpu.memory_space<semaphore_mem>>) src(%dma_wait3A_165 : memref<80x128xi32, #tpu.memory_space<hbm>>) dst(%arg7 : memref<80x128xi32, #tpu.memory_space<vmem>>)
    %barrier3A = arith.constant 0 : index
    tpu.barrier barrier_id(%barrier3A)
    %dma_start3A_166 = arith.constant 0 : i32
    %dma_start3A_167 = arith.constant 0 : i32
    %dma_start3A_168 = arith.constant 0 : i32
    %dma_start3A_169 = arith.constant 0 : i32
    %dma_start3A_170 = arith.constant 0 : i32
    %dma_start3A_171 = tpu.memref_slice %arg8[%dma_start3A_167, %dma_start3A_168, %dma_start3A_169, %dma_start3A_170] : memref<2x5x128x32xf32, #tpu.memory_space<vmem>> -> memref<1x1x128x32xf32, #tpu.memory_space<vmem>>
    %dma_start3A_172 = tpu.memref_squeeze %dma_start3A_171 : memref<1x1x128x32xf32, #tpu.memory_space<vmem>> -> memref<128x32xf32, #tpu.memory_space<vmem>>
    %dma_start3A_173 = arith.constant 0 : i32
    %dma_start3A_174 = tpu.memref_slice %arg6[%dma_start3A_166, %dma_start3A_173] : memref<80x128xi32, #tpu.memory_space<vmem>> -> memref<1x128xi32, #tpu.memory_space<vmem>>
    %dma_start3A_175 = tpu.memref_squeeze %dma_start3A_174 : memref<1x128xi32, #tpu.memory_space<vmem>> -> memref<128xi32, #tpu.memory_space<vmem>>
    %dma_start3A_176 = arith.constant 0 : i32
    %dma_start3A_177 = arith.constant 0 : i32
    %dma_start3A_178 = tpu.memref_slice %arg2[%dma_start3A_176, %dma_start3A_177] : memref<10000x32xf32, #tpu.memory_space<hbm>> -> memref<10000x32xf32, #tpu.memory_space<hbm>>
    tpu.enqueue_indirect_dma source(%dma_start3A_178 : memref<10000x32xf32, #tpu.memory_space<hbm>>) target(%dma_start3A_172 : memref<128x32xf32, #tpu.memory_space<vmem>>) offsets(%dma_start3A_175 : memref<128xi32, #tpu.memory_space<vmem>>) semaphore(%arg10 : memref<!tpu.dma_semaphore, #tpu.memory_space<semaphore_mem>>)
    %dma_start3A_179 = arith.constant 1 : i32
    %dma_start3A_180 = arith.constant 0 : i32
    %dma_start3A_181 = arith.constant 1 : i32
    %dma_start3A_182 = arith.constant 0 : i32
    %dma_start3A_183 = arith.constant 0 : i32
    %dma_start3A_184 = tpu.memref_slice %arg8[%dma_start3A_180, %dma_start3A_181, %dma_start3A_182, %dma_start3A_183] : memref<2x5x128x32xf32, #tpu.memory_space<vmem>> -> memref<1x1x128x32xf32, #tpu.memory_space<vmem>>
    %dma_start3A_185 = tpu.memref_squeeze %dma_start3A_184 : memref<1x1x128x32xf32, #tpu.memory_space<vmem>> -> memref<128x32xf32, #tpu.memory_space<vmem>>
    %dma_start3A_186 = arith.constant 0 : i32
    %dma_start3A_187 = tpu.memref_slice %arg6[%dma_start3A_179, %dma_start3A_186] : memref<80x128xi32, #tpu.memory_space<vmem>> -> memref<1x128xi32, #tpu.memory_space<vmem>>
    %dma_start3A_188 = tpu.memref_squeeze %dma_start3A_187 : memref<1x128xi32, #tpu.memory_space<vmem>> -> memref<128xi32, #tpu.memory_space<vmem>>
    %dma_start3A_189 = arith.constant 0 : i32
    %dma_start3A_190 = arith.constant 0 : i32
    %dma_start3A_191 = tpu.memref_slice %arg2[%dma_start3A_189, %dma_start3A_190] : memref<10000x32xf32, #tpu.memory_space<hbm>> -> memref<10000x32xf32, #tpu.memory_space<hbm>>
    tpu.enqueue_indirect_dma source(%dma_start3A_191 : memref<10000x32xf32, #tpu.memory_space<hbm>>) target(%dma_start3A_185 : memref<128x32xf32, #tpu.memory_space<vmem>>) offsets(%dma_start3A_188 : memref<128xi32, #tpu.memory_space<vmem>>) semaphore(%arg10 : memref<!tpu.dma_semaphore, #tpu.memory_space<semaphore_mem>>)
    %dma_start3A_192 = arith.constant 2 : i32
    %dma_start3A_193 = arith.constant 0 : i32
    %dma_start3A_194 = arith.constant 2 : i32
    %dma_start3A_195 = arith.constant 0 : i32
    %dma_start3A_196 = arith.constant 0 : i32
    %dma_start3A_197 = tpu.memref_slice %arg8[%dma_start3A_193, %dma_start3A_194, %dma_start3A_195, %dma_start3A_196] : memref<2x5x128x32xf32, #tpu.memory_space<vmem>> -> memref<1x1x128x32xf32, #tpu.memory_space<vmem>>
    %dma_start3A_198 = tpu.memref_squeeze %dma_start3A_197 : memref<1x1x128x32xf32, #tpu.memory_space<vmem>> -> memref<128x32xf32, #tpu.memory_space<vmem>>
    %dma_start3A_199 = arith.constant 0 : i32
    %dma_start3A_200 = tpu.memref_slice %arg6[%dma_start3A_192, %dma_start3A_199] : memref<80x128xi32, #tpu.memory_space<vmem>> -> memref<1x128xi32, #tpu.memory_space<vmem>>
    %dma_start3A_201 = tpu.memref_squeeze %dma_start3A_200 : memref<1x128xi32, #tpu.memory_space<vmem>> -> memref<128xi32, #tpu.memory_space<vmem>>
    %dma_start3A_202 = arith.constant 0 : i32
    %dma_start3A_203 = arith.constant 0 : i32
    %dma_start3A_204 = tpu.memref_slice %arg2[%dma_start3A_202, %dma_start3A_203] : memref<10000x32xf32, #tpu.memory_space<hbm>> -> memref<10000x32xf32, #tpu.memory_space<hbm>>
    tpu.enqueue_indirect_dma source(%dma_start3A_204 : memref<10000x32xf32, #tpu.memory_space<hbm>>) target(%dma_start3A_198 : memref<128x32xf32, #tpu.memory_space<vmem>>) offsets(%dma_start3A_201 : memref<128xi32, #tpu.memory_space<vmem>>) semaphore(%arg10 : memref<!tpu.dma_semaphore, #tpu.memory_space<semaphore_mem>>)
    %dma_start3A_205 = arith.constant 3 : i32
    %dma_start3A_206 = arith.constant 0 : i32
    %dma_start3A_207 = arith.constant 3 : i32
    %dma_start3A_208 = arith.constant 0 : i32
    %dma_start3A_209 = arith.constant 0 : i32
    %dma_start3A_210 = tpu.memref_slice %arg8[%dma_start3A_206, %dma_start3A_207, %dma_start3A_208, %dma_start3A_209] : memref<2x5x128x32xf32, #tpu.memory_space<vmem>> -> memref<1x1x128x32xf32, #tpu.memory_space<vmem>>
    %dma_start3A_211 = tpu.memref_squeeze %dma_start3A_210 : memref<1x1x128x32xf32, #tpu.memory_space<vmem>> -> memref<128x32xf32, #tpu.memory_space<vmem>>
    %dma_start3A_212 = arith.constant 0 : i32
    %dma_start3A_213 = tpu.memref_slice %arg6[%dma_start3A_205, %dma_start3A_212] : memref<80x128xi32, #tpu.memory_space<vmem>> -> memref<1x128xi32, #tpu.memory_space<vmem>>
    %dma_start3A_214 = tpu.memref_squeeze %dma_start3A_213 : memref<1x128xi32, #tpu.memory_space<vmem>> -> memref<128xi32, #tpu.memory_space<vmem>>
    %dma_start3A_215 = arith.constant 0 : i32
    %dma_start3A_216 = arith.constant 0 : i32
    %dma_start3A_217 = tpu.memref_slice %arg2[%dma_start3A_215, %dma_start3A_216] : memref<10000x32xf32, #tpu.memory_space<hbm>> -> memref<10000x32xf32, #tpu.memory_space<hbm>>
    tpu.enqueue_indirect_dma source(%dma_start3A_217 : memref<10000x32xf32, #tpu.memory_space<hbm>>) target(%dma_start3A_211 : memref<128x32xf32, #tpu.memory_space<vmem>>) offsets(%dma_start3A_214 : memref<128xi32, #tpu.memory_space<vmem>>) semaphore(%arg10 : memref<!tpu.dma_semaphore, #tpu.memory_space<semaphore_mem>>)
    %dma_start3A_218 = arith.constant 4 : i32
    %dma_start3A_219 = arith.constant 0 : i32
    %dma_start3A_220 = arith.constant 4 : i32
    %dma_start3A_221 = arith.constant 0 : i32
    %dma_start3A_222 = arith.constant 0 : i32
    %dma_start3A_223 = tpu.memref_slice %arg8[%dma_start3A_219, %dma_start3A_220, %dma_start3A_221, %dma_start3A_222] : memref<2x5x128x32xf32, #tpu.memory_space<vmem>> -> memref<1x1x128x32xf32, #tpu.memory_space<vmem>>
    %dma_start3A_224 = tpu.memref_squeeze %dma_start3A_223 : memref<1x1x128x32xf32, #tpu.memory_space<vmem>> -> memref<128x32xf32, #tpu.memory_space<vmem>>
    %dma_start3A_225 = arith.constant 0 : i32
    %dma_start3A_226 = tpu.memref_slice %arg6[%dma_start3A_218, %dma_start3A_225] : memref<80x128xi32, #tpu.memory_space<vmem>> -> memref<1x128xi32, #tpu.memory_space<vmem>>
    %dma_start3A_227 = tpu.memref_squeeze %dma_start3A_226 : memref<1x128xi32, #tpu.memory_space<vmem>> -> memref<128xi32, #tpu.memory_space<vmem>>
    %dma_start3A_228 = arith.constant 0 : i32
    %dma_start3A_229 = arith.constant 0 : i32
    %dma_start3A_230 = tpu.memref_slice %arg2[%dma_start3A_228, %dma_start3A_229] : memref<10000x32xf32, #tpu.memory_space<hbm>> -> memref<10000x32xf32, #tpu.memory_space<hbm>>
    tpu.enqueue_indirect_dma source(%dma_start3A_230 : memref<10000x32xf32, #tpu.memory_space<hbm>>) target(%dma_start3A_224 : memref<128x32xf32, #tpu.memory_space<vmem>>) offsets(%dma_start3A_227 : memref<128xi32, #tpu.memory_space<vmem>>) semaphore(%arg10 : memref<!tpu.dma_semaphore, #tpu.memory_space<semaphore_mem>>)
    %scan3A_231 = arith.constant 0 : i32
    %scan3A_232 = arith.constant 0 : i32
    %scan3A_233 = arith.constant 8 : i32
    %scan3A_234 = arith.addi %scan3A_232, %scan3A_233 : i32
    %scan3A_235 = arith.constant 1 : i32
    %scan3A_236 = scf.for %scan3A_306 = %scan3A_232 to %scan3A_234 step %scan3A_235 iter_args(%scan3A_307 = %scan3A_231) -> (i32)  : i32 {
      %mul3A_308 = arith.constant 2 : i32
      %mul3A_309 = arith.muli %scan3A_306, %mul3A_308 : i32
      %dma_wait3A_310 = arith.constant 0 : i32
      %dma_wait3A_311 = arith.constant 0 : i32
      %dma_wait3A_312 = arith.constant 0 : i32
      %dma_wait3A_313 = arith.constant 0 : i32
      %dma_wait3A_314 = arith.constant 0 : i32
      %dma_wait3A_315 = tpu.memref_slice %arg8[%dma_wait3A_311, %dma_wait3A_312, %dma_wait3A_313, %dma_wait3A_314] : memref<2x5x128x32xf32, #tpu.memory_space<vmem>> -> memref<1x1x128x32xf32, #tpu.memory_space<vmem>>
      %dma_wait3A_316 = tpu.memref_squeeze %dma_wait3A_315 : memref<1x1x128x32xf32, #tpu.memory_space<vmem>> -> memref<128x32xf32, #tpu.memory_space<vmem>>
      %dma_wait3A_317 = arith.constant 0 : i32
      %dma_wait3A_318 = tpu.memref_slice %arg6[%dma_wait3A_310, %dma_wait3A_317] : memref<80x128xi32, #tpu.memory_space<vmem>> -> memref<1x128xi32, #tpu.memory_space<vmem>>
      %dma_wait3A_319 = tpu.memref_squeeze %dma_wait3A_318 : memref<1x128xi32, #tpu.memory_space<vmem>> -> memref<128xi32, #tpu.memory_space<vmem>>
      %dma_wait3A_320 = arith.constant 0 : i32
      %dma_wait3A_321 = arith.constant 0 : i32
      %dma_wait3A_322 = tpu.memref_slice %arg2[%dma_wait3A_320, %dma_wait3A_321] : memref<10000x32xf32, #tpu.memory_space<hbm>> -> memref<10000x32xf32, #tpu.memory_space<hbm>>
      tpu.wait_indirect_dma semaphore(%arg10 : memref<!tpu.dma_semaphore, #tpu.memory_space<semaphore_mem>>) src(%dma_wait3A_322 : memref<10000x32xf32, #tpu.memory_space<hbm>>) dst(%dma_wait3A_316 : memref<128x32xf32, #tpu.memory_space<vmem>>)
      %dma_wait3A_323 = arith.constant 0 : i32
      %dma_wait3A_324 = arith.constant 0 : i32
      %dma_wait3A_325 = arith.constant 1 : i32
      %dma_wait3A_326 = arith.constant 0 : i32
      %dma_wait3A_327 = arith.constant 0 : i32
      %dma_wait3A_328 = tpu.memref_slice %arg8[%dma_wait3A_324, %dma_wait3A_325, %dma_wait3A_326, %dma_wait3A_327] : memref<2x5x128x32xf32, #tpu.memory_space<vmem>> -> memref<1x1x128x32xf32, #tpu.memory_space<vmem>>
      %dma_wait3A_329 = tpu.memref_squeeze %dma_wait3A_328 : memref<1x1x128x32xf32, #tpu.memory_space<vmem>> -> memref<128x32xf32, #tpu.memory_space<vmem>>
      %dma_wait3A_330 = arith.constant 0 : i32
      %dma_wait3A_331 = tpu.memref_slice %arg6[%dma_wait3A_323, %dma_wait3A_330] : memref<80x128xi32, #tpu.memory_space<vmem>> -> memref<1x128xi32, #tpu.memory_space<vmem>>
      %dma_wait3A_332 = tpu.memref_squeeze %dma_wait3A_331 : memref<1x128xi32, #tpu.memory_space<vmem>> -> memref<128xi32, #tpu.memory_space<vmem>>
      %dma_wait3A_333 = arith.constant 0 : i32
      %dma_wait3A_334 = arith.constant 0 : i32
      %dma_wait3A_335 = tpu.memref_slice %arg2[%dma_wait3A_333, %dma_wait3A_334] : memref<10000x32xf32, #tpu.memory_space<hbm>> -> memref<10000x32xf32, #tpu.memory_space<hbm>>
      tpu.wait_indirect_dma semaphore(%arg10 : memref<!tpu.dma_semaphore, #tpu.memory_space<semaphore_mem>>) src(%dma_wait3A_335 : memref<10000x32xf32, #tpu.memory_space<hbm>>) dst(%dma_wait3A_329 : memref<128x32xf32, #tpu.memory_space<vmem>>)
      %dma_wait3A_336 = arith.constant 0 : i32
      %dma_wait3A_337 = arith.constant 0 : i32
      %dma_wait3A_338 = arith.constant 2 : i32
      %dma_wait3A_339 = arith.constant 0 : i32
      %dma_wait3A_340 = arith.constant 0 : i32
      %dma_wait3A_341 = tpu.memref_slice %arg8[%dma_wait3A_337, %dma_wait3A_338, %dma_wait3A_339, %dma_wait3A_340] : memref<2x5x128x32xf32, #tpu.memory_space<vmem>> -> memref<1x1x128x32xf32, #tpu.memory_space<vmem>>
      %dma_wait3A_342 = tpu.memref_squeeze %dma_wait3A_341 : memref<1x1x128x32xf32, #tpu.memory_space<vmem>> -> memref<128x32xf32, #tpu.memory_space<vmem>>
      %dma_wait3A_343 = arith.constant 0 : i32
      %dma_wait3A_344 = tpu.memref_slice %arg6[%dma_wait3A_336, %dma_wait3A_343] : memref<80x128xi32, #tpu.memory_space<vmem>> -> memref<1x128xi32, #tpu.memory_space<vmem>>
      %dma_wait3A_345 = tpu.memref_squeeze %dma_wait3A_344 : memref<1x128xi32, #tpu.memory_space<vmem>> -> memref<128xi32, #tpu.memory_space<vmem>>
      %dma_wait3A_346 = arith.constant 0 : i32
      %dma_wait3A_347 = arith.constant 0 : i32
      %dma_wait3A_348 = tpu.memref_slice %arg2[%dma_wait3A_346, %dma_wait3A_347] : memref<10000x32xf32, #tpu.memory_space<hbm>> -> memref<10000x32xf32, #tpu.memory_space<hbm>>
      tpu.wait_indirect_dma semaphore(%arg10 : memref<!tpu.dma_semaphore, #tpu.memory_space<semaphore_mem>>) src(%dma_wait3A_348 : memref<10000x32xf32, #tpu.memory_space<hbm>>) dst(%dma_wait3A_342 : memref<128x32xf32, #tpu.memory_space<vmem>>)
      %dma_wait3A_349 = arith.constant 0 : i32
      %dma_wait3A_350 = arith.constant 0 : i32
      %dma_wait3A_351 = arith.constant 3 : i32
      %dma_wait3A_352 = arith.constant 0 : i32
      %dma_wait3A_353 = arith.constant 0 : i32
      %dma_wait3A_354 = tpu.memref_slice %arg8[%dma_wait3A_350, %dma_wait3A_351, %dma_wait3A_352, %dma_wait3A_353] : memref<2x5x128x32xf32, #tpu.memory_space<vmem>> -> memref<1x1x128x32xf32, #tpu.memory_space<vmem>>
      %dma_wait3A_355 = tpu.memref_squeeze %dma_wait3A_354 : memref<1x1x128x32xf32, #tpu.memory_space<vmem>> -> memref<128x32xf32, #tpu.memory_space<vmem>>
      %dma_wait3A_356 = arith.constant 0 : i32
      %dma_wait3A_357 = tpu.memref_slice %arg6[%dma_wait3A_349, %dma_wait3A_356] : memref<80x128xi32, #tpu.memory_space<vmem>> -> memref<1x128xi32, #tpu.memory_space<vmem>>
      %dma_wait3A_358 = tpu.memref_squeeze %dma_wait3A_357 : memref<1x128xi32, #tpu.memory_space<vmem>> -> memref<128xi32, #tpu.memory_space<vmem>>
      %dma_wait3A_359 = arith.constant 0 : i32
      %dma_wait3A_360 = arith.constant 0 : i32
      %dma_wait3A_361 = tpu.memref_slice %arg2[%dma_wait3A_359, %dma_wait3A_360] : memref<10000x32xf32, #tpu.memory_space<hbm>> -> memref<10000x32xf32, #tpu.memory_space<hbm>>
      tpu.wait_indirect_dma semaphore(%arg10 : memref<!tpu.dma_semaphore, #tpu.memory_space<semaphore_mem>>) src(%dma_wait3A_361 : memref<10000x32xf32, #tpu.memory_space<hbm>>) dst(%dma_wait3A_355 : memref<128x32xf32, #tpu.memory_space<vmem>>)
      %dma_wait3A_362 = arith.constant 0 : i32
      %dma_wait3A_363 = arith.constant 0 : i32
      %dma_wait3A_364 = arith.constant 4 : i32
      %dma_wait3A_365 = arith.constant 0 : i32
      %dma_wait3A_366 = arith.constant 0 : i32
      %dma_wait3A_367 = tpu.memref_slice %arg8[%dma_wait3A_363, %dma_wait3A_364, %dma_wait3A_365, %dma_wait3A_366] : memref<2x5x128x32xf32, #tpu.memory_space<vmem>> -> memref<1x1x128x32xf32, #tpu.memory_space<vmem>>
      %dma_wait3A_368 = tpu.memref_squeeze %dma_wait3A_367 : memref<1x1x128x32xf32, #tpu.memory_space<vmem>> -> memref<128x32xf32, #tpu.memory_space<vmem>>
      %dma_wait3A_369 = arith.constant 0 : i32
      %dma_wait3A_370 = tpu.memref_slice %arg6[%dma_wait3A_362, %dma_wait3A_369] : memref<80x128xi32, #tpu.memory_space<vmem>> -> memref<1x128xi32, #tpu.memory_space<vmem>>
      %dma_wait3A_371 = tpu.memref_squeeze %dma_wait3A_370 : memref<1x128xi32, #tpu.memory_space<vmem>> -> memref<128xi32, #tpu.memory_space<vmem>>
      %dma_wait3A_372 = arith.constant 0 : i32
      %dma_wait3A_373 = arith.constant 0 : i32
      %dma_wait3A_374 = tpu.memref_slice %arg2[%dma_wait3A_372, %dma_wait3A_373] : memref<10000x32xf32, #tpu.memory_space<hbm>> -> memref<10000x32xf32, #tpu.memory_space<hbm>>
      tpu.wait_indirect_dma semaphore(%arg10 : memref<!tpu.dma_semaphore, #tpu.memory_space<semaphore_mem>>) src(%dma_wait3A_374 : memref<10000x32xf32, #tpu.memory_space<hbm>>) dst(%dma_wait3A_368 : memref<128x32xf32, #tpu.memory_space<vmem>>)
      %gt3A = arith.constant 0 : i32
      %gt3A_375 = arith.cmpi sgt, %mul3A_309, %gt3A : i32
      %convert_element_type3A = arith.extui %gt3A_375 : i1 to i32
      %cond3A = arith.constant 0 : i32
      %cond3A_376 = arith.cmpi ne, %convert_element_type3A, %cond3A : i32
      scf.if %cond3A_376 {
        %dma_wait3A_625 = arith.constant 0 : i32
        %dma_wait3A_626 = arith.constant 0 : i32
        %dma_wait3A_627 = arith.constant 0 : i32
        %dma_wait3A_628 = arith.constant 0 : i32
        %dma_wait3A_629 = arith.constant 0 : i32
        %dma_wait3A_630 = tpu.memref_slice %arg8[%dma_wait3A_625, %dma_wait3A_626, %dma_wait3A_628, %dma_wait3A_629] : memref<2x5x128x32xf32, #tpu.memory_space<vmem>> -> memref<1x1x128x32xf32, #tpu.memory_space<vmem>>
        %dma_wait3A_631 = tpu.memref_squeeze %dma_wait3A_630 : memref<1x1x128x32xf32, #tpu.memory_space<vmem>> -> memref<128x32xf32, #tpu.memory_space<vmem>>
        %dma_wait3A_632 = arith.constant 0 : i32
        %dma_wait3A_633 = tpu.memref_slice %arg7[%dma_wait3A_627, %dma_wait3A_632] : memref<80x128xi32, #tpu.memory_space<vmem>> -> memref<1x128xi32, #tpu.memory_space<vmem>>
        %dma_wait3A_634 = tpu.memref_squeeze %dma_wait3A_633 : memref<1x128xi32, #tpu.memory_space<vmem>> -> memref<128xi32, #tpu.memory_space<vmem>>
        %dma_wait3A_635 = arith.constant 0 : i32
        %dma_wait3A_636 = arith.constant 0 : i32
        %dma_wait3A_637 = tpu.memref_slice %arg13[%dma_wait3A_635, %dma_wait3A_636] : memref<10240x32xf32, #tpu.memory_space<vmem_shared>> -> memref<10240x32xf32, #tpu.memory_space<vmem_shared>>
        tpu.wait_indirect_dma semaphore(%arg11 : memref<!tpu.dma_semaphore, #tpu.memory_space<semaphore_mem>>) src(%dma_wait3A_631 : memref<128x32xf32, #tpu.memory_space<vmem>>) dst(%dma_wait3A_637 : memref<10240x32xf32, #tpu.memory_space<vmem_shared>>)
        %dma_wait3A_638 = arith.constant 0 : i32
        %dma_wait3A_639 = arith.constant 1 : i32
        %dma_wait3A_640 = arith.constant 0 : i32
        %dma_wait3A_641 = arith.constant 0 : i32
        %dma_wait3A_642 = arith.constant 0 : i32
        %dma_wait3A_643 = tpu.memref_slice %arg8[%dma_wait3A_638, %dma_wait3A_639, %dma_wait3A_641, %dma_wait3A_642] : memref<2x5x128x32xf32, #tpu.memory_space<vmem>> -> memref<1x1x128x32xf32, #tpu.memory_space<vmem>>
        %dma_wait3A_644 = tpu.memref_squeeze %dma_wait3A_643 : memref<1x1x128x32xf32, #tpu.memory_space<vmem>> -> memref<128x32xf32, #tpu.memory_space<vmem>>
        %dma_wait3A_645 = arith.constant 0 : i32
        %dma_wait3A_646 = tpu.memref_slice %arg7[%dma_wait3A_640, %dma_wait3A_645] : memref<80x128xi32, #tpu.memory_space<vmem>> -> memref<1x128xi32, #tpu.memory_space<vmem>>
        %dma_wait3A_647 = tpu.memref_squeeze %dma_wait3A_646 : memref<1x128xi32, #tpu.memory_space<vmem>> -> memref<128xi32, #tpu.memory_space<vmem>>
        %dma_wait3A_648 = arith.constant 0 : i32
        %dma_wait3A_649 = arith.constant 0 : i32
        %dma_wait3A_650 = tpu.memref_slice %arg13[%dma_wait3A_648, %dma_wait3A_649] : memref<10240x32xf32, #tpu.memory_space<vmem_shared>> -> memref<10240x32xf32, #tpu.memory_space<vmem_shared>>
        tpu.wait_indirect_dma semaphore(%arg11 : memref<!tpu.dma_semaphore, #tpu.memory_space<semaphore_mem>>) src(%dma_wait3A_644 : memref<128x32xf32, #tpu.memory_space<vmem>>) dst(%dma_wait3A_650 : memref<10240x32xf32, #tpu.memory_space<vmem_shared>>)
        %dma_wait3A_651 = arith.constant 0 : i32
        %dma_wait3A_652 = arith.constant 2 : i32
        %dma_wait3A_653 = arith.constant 0 : i32
        %dma_wait3A_654 = arith.constant 0 : i32
        %dma_wait3A_655 = arith.constant 0 : i32
        %dma_wait3A_656 = tpu.memref_slice %arg8[%dma_wait3A_651, %dma_wait3A_652, %dma_wait3A_654, %dma_wait3A_655] : memref<2x5x128x32xf32, #tpu.memory_space<vmem>> -> memref<1x1x128x32xf32, #tpu.memory_space<vmem>>
        %dma_wait3A_657 = tpu.memref_squeeze %dma_wait3A_656 : memref<1x1x128x32xf32, #tpu.memory_space<vmem>> -> memref<128x32xf32, #tpu.memory_space<vmem>>
        %dma_wait3A_658 = arith.constant 0 : i32
        %dma_wait3A_659 = tpu.memref_slice %arg7[%dma_wait3A_653, %dma_wait3A_658] : memref<80x128xi32, #tpu.memory_space<vmem>> -> memref<1x128xi32, #tpu.memory_space<vmem>>
        %dma_wait3A_660 = tpu.memref_squeeze %dma_wait3A_659 : memref<1x128xi32, #tpu.memory_space<vmem>> -> memref<128xi32, #tpu.memory_space<vmem>>
        %dma_wait3A_661 = arith.constant 0 : i32
        %dma_wait3A_662 = arith.constant 0 : i32
        %dma_wait3A_663 = tpu.memref_slice %arg13[%dma_wait3A_661, %dma_wait3A_662] : memref<10240x32xf32, #tpu.memory_space<vmem_shared>> -> memref<10240x32xf32, #tpu.memory_space<vmem_shared>>
        tpu.wait_indirect_dma semaphore(%arg11 : memref<!tpu.dma_semaphore, #tpu.memory_space<semaphore_mem>>) src(%dma_wait3A_657 : memref<128x32xf32, #tpu.memory_space<vmem>>) dst(%dma_wait3A_663 : memref<10240x32xf32, #tpu.memory_space<vmem_shared>>)
        %dma_wait3A_664 = arith.constant 0 : i32
        %dma_wait3A_665 = arith.constant 3 : i32
        %dma_wait3A_666 = arith.constant 0 : i32
        %dma_wait3A_667 = arith.constant 0 : i32
        %dma_wait3A_668 = arith.constant 0 : i32
        %dma_wait3A_669 = tpu.memref_slice %arg8[%dma_wait3A_664, %dma_wait3A_665, %dma_wait3A_667, %dma_wait3A_668] : memref<2x5x128x32xf32, #tpu.memory_space<vmem>> -> memref<1x1x128x32xf32, #tpu.memory_space<vmem>>
        %dma_wait3A_670 = tpu.memref_squeeze %dma_wait3A_669 : memref<1x1x128x32xf32, #tpu.memory_space<vmem>> -> memref<128x32xf32, #tpu.memory_space<vmem>>
        %dma_wait3A_671 = arith.constant 0 : i32
        %dma_wait3A_672 = tpu.memref_slice %arg7[%dma_wait3A_666, %dma_wait3A_671] : memref<80x128xi32, #tpu.memory_space<vmem>> -> memref<1x128xi32, #tpu.memory_space<vmem>>
        %dma_wait3A_673 = tpu.memref_squeeze %dma_wait3A_672 : memref<1x128xi32, #tpu.memory_space<vmem>> -> memref<128xi32, #tpu.memory_space<vmem>>
        %dma_wait3A_674 = arith.constant 0 : i32
        %dma_wait3A_675 = arith.constant 0 : i32
        %dma_wait3A_676 = tpu.memref_slice %arg13[%dma_wait3A_674, %dma_wait3A_675] : memref<10240x32xf32, #tpu.memory_space<vmem_shared>> -> memref<10240x32xf32, #tpu.memory_space<vmem_shared>>
        tpu.wait_indirect_dma semaphore(%arg11 : memref<!tpu.dma_semaphore, #tpu.memory_space<semaphore_mem>>) src(%dma_wait3A_670 : memref<128x32xf32, #tpu.memory_space<vmem>>) dst(%dma_wait3A_676 : memref<10240x32xf32, #tpu.memory_space<vmem_shared>>)
        %dma_wait3A_677 = arith.constant 0 : i32
        %dma_wait3A_678 = arith.constant 4 : i32
        %dma_wait3A_679 = arith.constant 0 : i32
        %dma_wait3A_680 = arith.constant 0 : i32
        %dma_wait3A_681 = arith.constant 0 : i32
        %dma_wait3A_682 = tpu.memref_slice %arg8[%dma_wait3A_677, %dma_wait3A_678, %dma_wait3A_680, %dma_wait3A_681] : memref<2x5x128x32xf32, #tpu.memory_space<vmem>> -> memref<1x1x128x32xf32, #tpu.memory_space<vmem>>
        %dma_wait3A_683 = tpu.memref_squeeze %dma_wait3A_682 : memref<1x1x128x32xf32, #tpu.memory_space<vmem>> -> memref<128x32xf32, #tpu.memory_space<vmem>>
        %dma_wait3A_684 = arith.constant 0 : i32
        %dma_wait3A_685 = tpu.memref_slice %arg7[%dma_wait3A_679, %dma_wait3A_684] : memref<80x128xi32, #tpu.memory_space<vmem>> -> memref<1x128xi32, #tpu.memory_space<vmem>>
        %dma_wait3A_686 = tpu.memref_squeeze %dma_wait3A_685 : memref<1x128xi32, #tpu.memory_space<vmem>> -> memref<128xi32, #tpu.memory_space<vmem>>
        %dma_wait3A_687 = arith.constant 0 : i32
        %dma_wait3A_688 = arith.constant 0 : i32
        %dma_wait3A_689 = tpu.memref_slice %arg13[%dma_wait3A_687, %dma_wait3A_688] : memref<10240x32xf32, #tpu.memory_space<vmem_shared>> -> memref<10240x32xf32, #tpu.memory_space<vmem_shared>>
        tpu.wait_indirect_dma semaphore(%arg11 : memref<!tpu.dma_semaphore, #tpu.memory_space<semaphore_mem>>) src(%dma_wait3A_683 : memref<128x32xf32, #tpu.memory_space<vmem>>) dst(%dma_wait3A_689 : memref<10240x32xf32, #tpu.memory_space<vmem_shared>>)
      } else {
      }
      %add3A_377 = arith.constant 1 : i32
      %add3A_378 = arith.addi %mul3A_309, %add3A_377 : i32
      %lt3A = arith.constant 16 : i32
      %lt3A_379 = arith.cmpi slt, %add3A_378, %lt3A : i32
      %convert_element_type3A_380 = arith.extui %lt3A_379 : i1 to i32
      %cond3A_381 = arith.constant 0 : i32
      %cond3A_382 = arith.cmpi ne, %convert_element_type3A_380, %cond3A_381 : i32
      scf.if %cond3A_382 {
        %add3A_625 = arith.constant 1 : i32
        %add3A_626 = arith.addi %mul3A_309, %add3A_625 : i32
        %mul3A_627 = arith.constant 5 : i32
        %mul3A_628 = arith.muli %add3A_626, %mul3A_627 : i32
        %add3A_629 = arith.constant 0 : i32
        %add3A_630 = arith.addi %mul3A_628, %add3A_629 : i32
        %dma_start3A_631 = arith.constant 1 : i32
        %dma_start3A_632 = arith.constant 0 : i32
        %dma_start3A_633 = arith.constant 0 : i32
        %dma_start3A_634 = arith.constant 0 : i32
        %dma_start3A_635 = tpu.memref_slice %arg8[%dma_start3A_631, %dma_start3A_632, %dma_start3A_633, %dma_start3A_634] : memref<2x5x128x32xf32, #tpu.memory_space<vmem>> -> memref<1x1x128x32xf32, #tpu.memory_space<vmem>>
        %dma_start3A_636 = tpu.memref_squeeze %dma_start3A_635 : memref<1x1x128x32xf32, #tpu.memory_space<vmem>> -> memref<128x32xf32, #tpu.memory_space<vmem>>
        %dma_start3A_637 = arith.constant 0 : i32
        %dma_start3A_638 = tpu.memref_slice %arg6[%add3A_630, %dma_start3A_637] : memref<80x128xi32, #tpu.memory_space<vmem>> -> memref<1x128xi32, #tpu.memory_space<vmem>>
        %dma_start3A_639 = tpu.memref_squeeze %dma_start3A_638 : memref<1x128xi32, #tpu.memory_space<vmem>> -> memref<128xi32, #tpu.memory_space<vmem>>
        %dma_start3A_640 = arith.constant 0 : i32
        %dma_start3A_641 = arith.constant 0 : i32
        %dma_start3A_642 = tpu.memref_slice %arg2[%dma_start3A_640, %dma_start3A_641] : memref<10000x32xf32, #tpu.memory_space<hbm>> -> memref<10000x32xf32, #tpu.memory_space<hbm>>
        tpu.enqueue_indirect_dma source(%dma_start3A_642 : memref<10000x32xf32, #tpu.memory_space<hbm>>) target(%dma_start3A_636 : memref<128x32xf32, #tpu.memory_space<vmem>>) offsets(%dma_start3A_639 : memref<128xi32, #tpu.memory_space<vmem>>) semaphore(%arg10 : memref<!tpu.dma_semaphore, #tpu.memory_space<semaphore_mem>>)
        %add3A_643 = arith.constant 1 : i32
        %add3A_644 = arith.addi %mul3A_309, %add3A_643 : i32
        %mul3A_645 = arith.constant 5 : i32
        %mul3A_646 = arith.muli %add3A_644, %mul3A_645 : i32
        %add3A_647 = arith.constant 1 : i32
        %add3A_648 = arith.addi %mul3A_646, %add3A_647 : i32
        %dma_start3A_649 = arith.constant 1 : i32
        %dma_start3A_650 = arith.constant 1 : i32
        %dma_start3A_651 = arith.constant 0 : i32
        %dma_start3A_652 = arith.constant 0 : i32
        %dma_start3A_653 = tpu.memref_slice %arg8[%dma_start3A_649, %dma_start3A_650, %dma_start3A_651, %dma_start3A_652] : memref<2x5x128x32xf32, #tpu.memory_space<vmem>> -> memref<1x1x128x32xf32, #tpu.memory_space<vmem>>
        %dma_start3A_654 = tpu.memref_squeeze %dma_start3A_653 : memref<1x1x128x32xf32, #tpu.memory_space<vmem>> -> memref<128x32xf32, #tpu.memory_space<vmem>>
        %dma_start3A_655 = arith.constant 0 : i32
        %dma_start3A_656 = tpu.memref_slice %arg6[%add3A_648, %dma_start3A_655] : memref<80x128xi32, #tpu.memory_space<vmem>> -> memref<1x128xi32, #tpu.memory_space<vmem>>
        %dma_start3A_657 = tpu.memref_squeeze %dma_start3A_656 : memref<1x128xi32, #tpu.memory_space<vmem>> -> memref<128xi32, #tpu.memory_space<vmem>>
        %dma_start3A_658 = arith.constant 0 : i32
        %dma_start3A_659 = arith.constant 0 : i32
        %dma_start3A_660 = tpu.memref_slice %arg2[%dma_start3A_658, %dma_start3A_659] : memref<10000x32xf32, #tpu.memory_space<hbm>> -> memref<10000x32xf32, #tpu.memory_space<hbm>>
        tpu.enqueue_indirect_dma source(%dma_start3A_660 : memref<10000x32xf32, #tpu.memory_space<hbm>>) target(%dma_start3A_654 : memref<128x32xf32, #tpu.memory_space<vmem>>) offsets(%dma_start3A_657 : memref<128xi32, #tpu.memory_space<vmem>>) semaphore(%arg10 : memref<!tpu.dma_semaphore, #tpu.memory_space<semaphore_mem>>)
        %add3A_661 = arith.constant 1 : i32
        %add3A_662 = arith.addi %mul3A_309, %add3A_661 : i32
        %mul3A_663 = arith.constant 5 : i32
        %mul3A_664 = arith.muli %add3A_662, %mul3A_663 : i32
        %add3A_665 = arith.constant 2 : i32
        %add3A_666 = arith.addi %mul3A_664, %add3A_665 : i32
        %dma_start3A_667 = arith.constant 1 : i32
        %dma_start3A_668 = arith.constant 2 : i32
        %dma_start3A_669 = arith.constant 0 : i32
        %dma_start3A_670 = arith.constant 0 : i32
        %dma_start3A_671 = tpu.memref_slice %arg8[%dma_start3A_667, %dma_start3A_668, %dma_start3A_669, %dma_start3A_670] : memref<2x5x128x32xf32, #tpu.memory_space<vmem>> -> memref<1x1x128x32xf32, #tpu.memory_space<vmem>>
        %dma_start3A_672 = tpu.memref_squeeze %dma_start3A_671 : memref<1x1x128x32xf32, #tpu.memory_space<vmem>> -> memref<128x32xf32, #tpu.memory_space<vmem>>
        %dma_start3A_673 = arith.constant 0 : i32
        %dma_start3A_674 = tpu.memref_slice %arg6[%add3A_666, %dma_start3A_673] : memref<80x128xi32, #tpu.memory_space<vmem>> -> memref<1x128xi32, #tpu.memory_space<vmem>>
        %dma_start3A_675 = tpu.memref_squeeze %dma_start3A_674 : memref<1x128xi32, #tpu.memory_space<vmem>> -> memref<128xi32, #tpu.memory_space<vmem>>
        %dma_start3A_676 = arith.constant 0 : i32
        %dma_start3A_677 = arith.constant 0 : i32
        %dma_start3A_678 = tpu.memref_slice %arg2[%dma_start3A_676, %dma_start3A_677] : memref<10000x32xf32, #tpu.memory_space<hbm>> -> memref<10000x32xf32, #tpu.memory_space<hbm>>
        tpu.enqueue_indirect_dma source(%dma_start3A_678 : memref<10000x32xf32, #tpu.memory_space<hbm>>) target(%dma_start3A_672 : memref<128x32xf32, #tpu.memory_space<vmem>>) offsets(%dma_start3A_675 : memref<128xi32, #tpu.memory_space<vmem>>) semaphore(%arg10 : memref<!tpu.dma_semaphore, #tpu.memory_space<semaphore_mem>>)
        %add3A_679 = arith.constant 1 : i32
        %add3A_680 = arith.addi %mul3A_309, %add3A_679 : i32
        %mul3A_681 = arith.constant 5 : i32
        %mul3A_682 = arith.muli %add3A_680, %mul3A_681 : i32
        %add3A_683 = arith.constant 3 : i32
        %add3A_684 = arith.addi %mul3A_682, %add3A_683 : i32
        %dma_start3A_685 = arith.constant 1 : i32
        %dma_start3A_686 = arith.constant 3 : i32
        %dma_start3A_687 = arith.constant 0 : i32
        %dma_start3A_688 = arith.constant 0 : i32
        %dma_start3A_689 = tpu.memref_slice %arg8[%dma_start3A_685, %dma_start3A_686, %dma_start3A_687, %dma_start3A_688] : memref<2x5x128x32xf32, #tpu.memory_space<vmem>> -> memref<1x1x128x32xf32, #tpu.memory_space<vmem>>
        %dma_start3A_690 = tpu.memref_squeeze %dma_start3A_689 : memref<1x1x128x32xf32, #tpu.memory_space<vmem>> -> memref<128x32xf32, #tpu.memory_space<vmem>>
        %dma_start3A_691 = arith.constant 0 : i32
        %dma_start3A_692 = tpu.memref_slice %arg6[%add3A_684, %dma_start3A_691] : memref<80x128xi32, #tpu.memory_space<vmem>> -> memref<1x128xi32, #tpu.memory_space<vmem>>
        %dma_start3A_693 = tpu.memref_squeeze %dma_start3A_692 : memref<1x128xi32, #tpu.memory_space<vmem>> -> memref<128xi32, #tpu.memory_space<vmem>>
        %dma_start3A_694 = arith.constant 0 : i32
        %dma_start3A_695 = arith.constant 0 : i32
        %dma_start3A_696 = tpu.memref_slice %arg2[%dma_start3A_694, %dma_start3A_695] : memref<10000x32xf32, #tpu.memory_space<hbm>> -> memref<10000x32xf32, #tpu.memory_space<hbm>>
        tpu.enqueue_indirect_dma source(%dma_start3A_696 : memref<10000x32xf32, #tpu.memory_space<hbm>>) target(%dma_start3A_690 : memref<128x32xf32, #tpu.memory_space<vmem>>) offsets(%dma_start3A_693 : memref<128xi32, #tpu.memory_space<vmem>>) semaphore(%arg10 : memref<!tpu.dma_semaphore, #tpu.memory_space<semaphore_mem>>)
        %add3A_697 = arith.constant 1 : i32
        %add3A_698 = arith.addi %mul3A_309, %add3A_697 : i32
        %mul3A_699 = arith.constant 5 : i32
        %mul3A_700 = arith.muli %add3A_698, %mul3A_699 : i32
        %add3A_701 = arith.constant 4 : i32
        %add3A_702 = arith.addi %mul3A_700, %add3A_701 : i32
        %dma_start3A_703 = arith.constant 1 : i32
        %dma_start3A_704 = arith.constant 4 : i32
        %dma_start3A_705 = arith.constant 0 : i32
        %dma_start3A_706 = arith.constant 0 : i32
        %dma_start3A_707 = tpu.memref_slice %arg8[%dma_start3A_703, %dma_start3A_704, %dma_start3A_705, %dma_start3A_706] : memref<2x5x128x32xf32, #tpu.memory_space<vmem>> -> memref<1x1x128x32xf32, #tpu.memory_space<vmem>>
        %dma_start3A_708 = tpu.memref_squeeze %dma_start3A_707 : memref<1x1x128x32xf32, #tpu.memory_space<vmem>> -> memref<128x32xf32, #tpu.memory_space<vmem>>
        %dma_start3A_709 = arith.constant 0 : i32
        %dma_start3A_710 = tpu.memref_slice %arg6[%add3A_702, %dma_start3A_709] : memref<80x128xi32, #tpu.memory_space<vmem>> -> memref<1x128xi32, #tpu.memory_space<vmem>>
        %dma_start3A_711 = tpu.memref_squeeze %dma_start3A_710 : memref<1x128xi32, #tpu.memory_space<vmem>> -> memref<128xi32, #tpu.memory_space<vmem>>
        %dma_start3A_712 = arith.constant 0 : i32
        %dma_start3A_713 = arith.constant 0 : i32
        %dma_start3A_714 = tpu.memref_slice %arg2[%dma_start3A_712, %dma_start3A_713] : memref<10000x32xf32, #tpu.memory_space<hbm>> -> memref<10000x32xf32, #tpu.memory_space<hbm>>
        tpu.enqueue_indirect_dma source(%dma_start3A_714 : memref<10000x32xf32, #tpu.memory_space<hbm>>) target(%dma_start3A_708 : memref<128x32xf32, #tpu.memory_space<vmem>>) offsets(%dma_start3A_711 : memref<128xi32, #tpu.memory_space<vmem>>) semaphore(%arg10 : memref<!tpu.dma_semaphore, #tpu.memory_space<semaphore_mem>>)
      } else {
      }
      %mul3A_383 = arith.constant 5 : i32
      %mul3A_384 = arith.muli %mul3A_309, %mul3A_383 : i32
      %add3A_385 = arith.constant 0 : i32
      %add3A_386 = arith.addi %mul3A_384, %add3A_385 : i32
      %dma_start3A_387 = arith.constant 0 : i32
      %dma_start3A_388 = arith.constant 0 : i32
      %dma_start3A_389 = arith.constant 0 : i32
      %dma_start3A_390 = arith.constant 0 : i32
      %dma_start3A_391 = tpu.memref_slice %arg8[%dma_start3A_387, %dma_start3A_388, %dma_start3A_389, %dma_start3A_390] : memref<2x5x128x32xf32, #tpu.memory_space<vmem>> -> memref<1x1x128x32xf32, #tpu.memory_space<vmem>>
      %dma_start3A_392 = tpu.memref_squeeze %dma_start3A_391 : memref<1x1x128x32xf32, #tpu.memory_space<vmem>> -> memref<128x32xf32, #tpu.memory_space<vmem>>
      %dma_start3A_393 = arith.constant 0 : i32
      %dma_start3A_394 = tpu.memref_slice %arg7[%add3A_386, %dma_start3A_393] : memref<80x128xi32, #tpu.memory_space<vmem>> -> memref<1x128xi32, #tpu.memory_space<vmem>>
      %dma_start3A_395 = tpu.memref_squeeze %dma_start3A_394 : memref<1x128xi32, #tpu.memory_space<vmem>> -> memref<128xi32, #tpu.memory_space<vmem>>
      %dma_start3A_396 = arith.constant 0 : i32
      %dma_start3A_397 = arith.constant 0 : i32
      %dma_start3A_398 = tpu.memref_slice %arg13[%dma_start3A_396, %dma_start3A_397] : memref<10240x32xf32, #tpu.memory_space<vmem_shared>> -> memref<10240x32xf32, #tpu.memory_space<vmem_shared>>
      tpu.enqueue_indirect_dma source(%dma_start3A_392 : memref<128x32xf32, #tpu.memory_space<vmem>>) target(%dma_start3A_398 : memref<10240x32xf32, #tpu.memory_space<vmem_shared>>) offsets(%dma_start3A_395 : memref<128xi32, #tpu.memory_space<vmem>>) semaphore(%arg11 : memref<!tpu.dma_semaphore, #tpu.memory_space<semaphore_mem>>) {add = true}
      %mul3A_399 = arith.constant 5 : i32
      %mul3A_400 = arith.muli %mul3A_309, %mul3A_399 : i32
      %add3A_401 = arith.constant 1 : i32
      %add3A_402 = arith.addi %mul3A_400, %add3A_401 : i32
      %dma_start3A_403 = arith.constant 0 : i32
      %dma_start3A_404 = arith.constant 1 : i32
      %dma_start3A_405 = arith.constant 0 : i32
      %dma_start3A_406 = arith.constant 0 : i32
      %dma_start3A_407 = tpu.memref_slice %arg8[%dma_start3A_403, %dma_start3A_404, %dma_start3A_405, %dma_start3A_406] : memref<2x5x128x32xf32, #tpu.memory_space<vmem>> -> memref<1x1x128x32xf32, #tpu.memory_space<vmem>>
      %dma_start3A_408 = tpu.memref_squeeze %dma_start3A_407 : memref<1x1x128x32xf32, #tpu.memory_space<vmem>> -> memref<128x32xf32, #tpu.memory_space<vmem>>
      %dma_start3A_409 = arith.constant 0 : i32
      %dma_start3A_410 = tpu.memref_slice %arg7[%add3A_402, %dma_start3A_409] : memref<80x128xi32, #tpu.memory_space<vmem>> -> memref<1x128xi32, #tpu.memory_space<vmem>>
      %dma_start3A_411 = tpu.memref_squeeze %dma_start3A_410 : memref<1x128xi32, #tpu.memory_space<vmem>> -> memref<128xi32, #tpu.memory_space<vmem>>
      %dma_start3A_412 = arith.constant 0 : i32
      %dma_start3A_413 = arith.constant 0 : i32
      %dma_start3A_414 = tpu.memref_slice %arg13[%dma_start3A_412, %dma_start3A_413] : memref<10240x32xf32, #tpu.memory_space<vmem_shared>> -> memref<10240x32xf32, #tpu.memory_space<vmem_shared>>
      tpu.enqueue_indirect_dma source(%dma_start3A_408 : memref<128x32xf32, #tpu.memory_space<vmem>>) target(%dma_start3A_414 : memref<10240x32xf32, #tpu.memory_space<vmem_shared>>) offsets(%dma_start3A_411 : memref<128xi32, #tpu.memory_space<vmem>>) semaphore(%arg11 : memref<!tpu.dma_semaphore, #tpu.memory_space<semaphore_mem>>) {add = true}
      %mul3A_415 = arith.constant 5 : i32
      %mul3A_416 = arith.muli %mul3A_309, %mul3A_415 : i32
      %add3A_417 = arith.constant 2 : i32
      %add3A_418 = arith.addi %mul3A_416, %add3A_417 : i32
      %dma_start3A_419 = arith.constant 0 : i32
      %dma_start3A_420 = arith.constant 2 : i32
      %dma_start3A_421 = arith.constant 0 : i32
      %dma_start3A_422 = arith.constant 0 : i32
      %dma_start3A_423 = tpu.memref_slice %arg8[%dma_start3A_419, %dma_start3A_420, %dma_start3A_421, %dma_start3A_422] : memref<2x5x128x32xf32, #tpu.memory_space<vmem>> -> memref<1x1x128x32xf32, #tpu.memory_space<vmem>>
      %dma_start3A_424 = tpu.memref_squeeze %dma_start3A_423 : memref<1x1x128x32xf32, #tpu.memory_space<vmem>> -> memref<128x32xf32, #tpu.memory_space<vmem>>
      %dma_start3A_425 = arith.constant 0 : i32
      %dma_start3A_426 = tpu.memref_slice %arg7[%add3A_418, %dma_start3A_425] : memref<80x128xi32, #tpu.memory_space<vmem>> -> memref<1x128xi32, #tpu.memory_space<vmem>>
      %dma_start3A_427 = tpu.memref_squeeze %dma_start3A_426 : memref<1x128xi32, #tpu.memory_space<vmem>> -> memref<128xi32, #tpu.memory_space<vmem>>
      %dma_start3A_428 = arith.constant 0 : i32
      %dma_start3A_429 = arith.constant 0 : i32
      %dma_start3A_430 = tpu.memref_slice %arg13[%dma_start3A_428, %dma_start3A_429] : memref<10240x32xf32, #tpu.memory_space<vmem_shared>> -> memref<10240x32xf32, #tpu.memory_space<vmem_shared>>
      tpu.enqueue_indirect_dma source(%dma_start3A_424 : memref<128x32xf32, #tpu.memory_space<vmem>>) target(%dma_start3A_430 : memref<10240x32xf32, #tpu.memory_space<vmem_shared>>) offsets(%dma_start3A_427 : memref<128xi32, #tpu.memory_space<vmem>>) semaphore(%arg11 : memref<!tpu.dma_semaphore, #tpu.memory_space<semaphore_mem>>) {add = true}
      %mul3A_431 = arith.constant 5 : i32
      %mul3A_432 = arith.muli %mul3A_309, %mul3A_431 : i32
      %add3A_433 = arith.constant 3 : i32
      %add3A_434 = arith.addi %mul3A_432, %add3A_433 : i32
      %dma_start3A_435 = arith.constant 0 : i32
      %dma_start3A_436 = arith.constant 3 : i32
      %dma_start3A_437 = arith.constant 0 : i32
      %dma_start3A_438 = arith.constant 0 : i32
      %dma_start3A_439 = tpu.memref_slice %arg8[%dma_start3A_435, %dma_start3A_436, %dma_start3A_437, %dma_start3A_438] : memref<2x5x128x32xf32, #tpu.memory_space<vmem>> -> memref<1x1x128x32xf32, #tpu.memory_space<vmem>>
      %dma_start3A_440 = tpu.memref_squeeze %dma_start3A_439 : memref<1x1x128x32xf32, #tpu.memory_space<vmem>> -> memref<128x32xf32, #tpu.memory_space<vmem>>
      %dma_start3A_441 = arith.constant 0 : i32
      %dma_start3A_442 = tpu.memref_slice %arg7[%add3A_434, %dma_start3A_441] : memref<80x128xi32, #tpu.memory_space<vmem>> -> memref<1x128xi32, #tpu.memory_space<vmem>>
      %dma_start3A_443 = tpu.memref_squeeze %dma_start3A_442 : memref<1x128xi32, #tpu.memory_space<vmem>> -> memref<128xi32, #tpu.memory_space<vmem>>
      %dma_start3A_444 = arith.constant 0 : i32
      %dma_start3A_445 = arith.constant 0 : i32
      %dma_start3A_446 = tpu.memref_slice %arg13[%dma_start3A_444, %dma_start3A_445] : memref<10240x32xf32, #tpu.memory_space<vmem_shared>> -> memref<10240x32xf32, #tpu.memory_space<vmem_shared>>
      tpu.enqueue_indirect_dma source(%dma_start3A_440 : memref<128x32xf32, #tpu.memory_space<vmem>>) target(%dma_start3A_446 : memref<10240x32xf32, #tpu.memory_space<vmem_shared>>) offsets(%dma_start3A_443 : memref<128xi32, #tpu.memory_space<vmem>>) semaphore(%arg11 : memref<!tpu.dma_semaphore, #tpu.memory_space<semaphore_mem>>) {add = true}
      %mul3A_447 = arith.constant 5 : i32
      %mul3A_448 = arith.muli %mul3A_309, %mul3A_447 : i32
      %add3A_449 = arith.constant 4 : i32
      %add3A_450 = arith.addi %mul3A_448, %add3A_449 : i32
      %dma_start3A_451 = arith.constant 0 : i32
      %dma_start3A_452 = arith.constant 4 : i32
      %dma_start3A_453 = arith.constant 0 : i32
      %dma_start3A_454 = arith.constant 0 : i32
      %dma_start3A_455 = tpu.memref_slice %arg8[%dma_start3A_451, %dma_start3A_452, %dma_start3A_453, %dma_start3A_454] : memref<2x5x128x32xf32, #tpu.memory_space<vmem>> -> memref<1x1x128x32xf32, #tpu.memory_space<vmem>>
      %dma_start3A_456 = tpu.memref_squeeze %dma_start3A_455 : memref<1x1x128x32xf32, #tpu.memory_space<vmem>> -> memref<128x32xf32, #tpu.memory_space<vmem>>
      %dma_start3A_457 = arith.constant 0 : i32
      %dma_start3A_458 = tpu.memref_slice %arg7[%add3A_450, %dma_start3A_457] : memref<80x128xi32, #tpu.memory_space<vmem>> -> memref<1x128xi32, #tpu.memory_space<vmem>>
      %dma_start3A_459 = tpu.memref_squeeze %dma_start3A_458 : memref<1x128xi32, #tpu.memory_space<vmem>> -> memref<128xi32, #tpu.memory_space<vmem>>
      %dma_start3A_460 = arith.constant 0 : i32
      %dma_start3A_461 = arith.constant 0 : i32
      %dma_start3A_462 = tpu.memref_slice %arg13[%dma_start3A_460, %dma_start3A_461] : memref<10240x32xf32, #tpu.memory_space<vmem_shared>> -> memref<10240x32xf32, #tpu.memory_space<vmem_shared>>
      tpu.enqueue_indirect_dma source(%dma_start3A_456 : memref<128x32xf32, #tpu.memory_space<vmem>>) target(%dma_start3A_462 : memref<10240x32xf32, #tpu.memory_space<vmem_shared>>) offsets(%dma_start3A_459 : memref<128xi32, #tpu.memory_space<vmem>>) semaphore(%arg11 : memref<!tpu.dma_semaphore, #tpu.memory_space<semaphore_mem>>) {add = true}
      %mul3A_463 = arith.constant 2 : i32
      %mul3A_464 = arith.muli %scan3A_306, %mul3A_463 : i32
      %add3A_465 = arith.constant 1 : i32
      %add3A_466 = arith.addi %mul3A_464, %add3A_465 : i32
      %dma_wait3A_467 = arith.constant 0 : i32
      %dma_wait3A_468 = arith.constant 0 : i32
      %dma_wait3A_469 = arith.constant 0 : i32
      %dma_wait3A_470 = arith.constant 0 : i32
      %dma_wait3A_471 = arith.constant 0 : i32
      %dma_wait3A_472 = tpu.memref_slice %arg8[%dma_wait3A_468, %dma_wait3A_469, %dma_wait3A_470, %dma_wait3A_471] : memref<2x5x128x32xf32, #tpu.memory_space<vmem>> -> memref<1x1x128x32xf32, #tpu.memory_space<vmem>>
      %dma_wait3A_473 = tpu.memref_squeeze %dma_wait3A_472 : memref<1x1x128x32xf32, #tpu.memory_space<vmem>> -> memref<128x32xf32, #tpu.memory_space<vmem>>
      %dma_wait3A_474 = arith.constant 0 : i32
      %dma_wait3A_475 = tpu.memref_slice %arg6[%dma_wait3A_467, %dma_wait3A_474] : memref<80x128xi32, #tpu.memory_space<vmem>> -> memref<1x128xi32, #tpu.memory_space<vmem>>
      %dma_wait3A_476 = tpu.memref_squeeze %dma_wait3A_475 : memref<1x128xi32, #tpu.memory_space<vmem>> -> memref<128xi32, #tpu.memory_space<vmem>>
      %dma_wait3A_477 = arith.constant 0 : i32
      %dma_wait3A_478 = arith.constant 0 : i32
      %dma_wait3A_479 = tpu.memref_slice %arg2[%dma_wait3A_477, %dma_wait3A_478] : memref<10000x32xf32, #tpu.memory_space<hbm>> -> memref<10000x32xf32, #tpu.memory_space<hbm>>
      tpu.wait_indirect_dma semaphore(%arg10 : memref<!tpu.dma_semaphore, #tpu.memory_space<semaphore_mem>>) src(%dma_wait3A_479 : memref<10000x32xf32, #tpu.memory_space<hbm>>) dst(%dma_wait3A_473 : memref<128x32xf32, #tpu.memory_space<vmem>>)
      %dma_wait3A_480 = arith.constant 0 : i32
      %dma_wait3A_481 = arith.constant 0 : i32
      %dma_wait3A_482 = arith.constant 1 : i32
      %dma_wait3A_483 = arith.constant 0 : i32
      %dma_wait3A_484 = arith.constant 0 : i32
      %dma_wait3A_485 = tpu.memref_slice %arg8[%dma_wait3A_481, %dma_wait3A_482, %dma_wait3A_483, %dma_wait3A_484] : memref<2x5x128x32xf32, #tpu.memory_space<vmem>> -> memref<1x1x128x32xf32, #tpu.memory_space<vmem>>
      %dma_wait3A_486 = tpu.memref_squeeze %dma_wait3A_485 : memref<1x1x128x32xf32, #tpu.memory_space<vmem>> -> memref<128x32xf32, #tpu.memory_space<vmem>>
      %dma_wait3A_487 = arith.constant 0 : i32
      %dma_wait3A_488 = tpu.memref_slice %arg6[%dma_wait3A_480, %dma_wait3A_487] : memref<80x128xi32, #tpu.memory_space<vmem>> -> memref<1x128xi32, #tpu.memory_space<vmem>>
      %dma_wait3A_489 = tpu.memref_squeeze %dma_wait3A_488 : memref<1x128xi32, #tpu.memory_space<vmem>> -> memref<128xi32, #tpu.memory_space<vmem>>
      %dma_wait3A_490 = arith.constant 0 : i32
      %dma_wait3A_491 = arith.constant 0 : i32
      %dma_wait3A_492 = tpu.memref_slice %arg2[%dma_wait3A_490, %dma_wait3A_491] : memref<10000x32xf32, #tpu.memory_space<hbm>> -> memref<10000x32xf32, #tpu.memory_space<hbm>>
      tpu.wait_indirect_dma semaphore(%arg10 : memref<!tpu.dma_semaphore, #tpu.memory_space<semaphore_mem>>) src(%dma_wait3A_492 : memref<10000x32xf32, #tpu.memory_space<hbm>>) dst(%dma_wait3A_486 : memref<128x32xf32, #tpu.memory_space<vmem>>)
      %dma_wait3A_493 = arith.constant 0 : i32
      %dma_wait3A_494 = arith.constant 0 : i32
      %dma_wait3A_495 = arith.constant 2 : i32
      %dma_wait3A_496 = arith.constant 0 : i32
      %dma_wait3A_497 = arith.constant 0 : i32
      %dma_wait3A_498 = tpu.memref_slice %arg8[%dma_wait3A_494, %dma_wait3A_495, %dma_wait3A_496, %dma_wait3A_497] : memref<2x5x128x32xf32, #tpu.memory_space<vmem>> -> memref<1x1x128x32xf32, #tpu.memory_space<vmem>>
      %dma_wait3A_499 = tpu.memref_squeeze %dma_wait3A_498 : memref<1x1x128x32xf32, #tpu.memory_space<vmem>> -> memref<128x32xf32, #tpu.memory_space<vmem>>
      %dma_wait3A_500 = arith.constant 0 : i32
      %dma_wait3A_501 = tpu.memref_slice %arg6[%dma_wait3A_493, %dma_wait3A_500] : memref<80x128xi32, #tpu.memory_space<vmem>> -> memref<1x128xi32, #tpu.memory_space<vmem>>
      %dma_wait3A_502 = tpu.memref_squeeze %dma_wait3A_501 : memref<1x128xi32, #tpu.memory_space<vmem>> -> memref<128xi32, #tpu.memory_space<vmem>>
      %dma_wait3A_503 = arith.constant 0 : i32
      %dma_wait3A_504 = arith.constant 0 : i32
      %dma_wait3A_505 = tpu.memref_slice %arg2[%dma_wait3A_503, %dma_wait3A_504] : memref<10000x32xf32, #tpu.memory_space<hbm>> -> memref<10000x32xf32, #tpu.memory_space<hbm>>
      tpu.wait_indirect_dma semaphore(%arg10 : memref<!tpu.dma_semaphore, #tpu.memory_space<semaphore_mem>>) src(%dma_wait3A_505 : memref<10000x32xf32, #tpu.memory_space<hbm>>) dst(%dma_wait3A_499 : memref<128x32xf32, #tpu.memory_space<vmem>>)
      %dma_wait3A_506 = arith.constant 0 : i32
      %dma_wait3A_507 = arith.constant 0 : i32
      %dma_wait3A_508 = arith.constant 3 : i32
      %dma_wait3A_509 = arith.constant 0 : i32
      %dma_wait3A_510 = arith.constant 0 : i32
      %dma_wait3A_511 = tpu.memref_slice %arg8[%dma_wait3A_507, %dma_wait3A_508, %dma_wait3A_509, %dma_wait3A_510] : memref<2x5x128x32xf32, #tpu.memory_space<vmem>> -> memref<1x1x128x32xf32, #tpu.memory_space<vmem>>
      %dma_wait3A_512 = tpu.memref_squeeze %dma_wait3A_511 : memref<1x1x128x32xf32, #tpu.memory_space<vmem>> -> memref<128x32xf32, #tpu.memory_space<vmem>>
      %dma_wait3A_513 = arith.constant 0 : i32
      %dma_wait3A_514 = tpu.memref_slice %arg6[%dma_wait3A_506, %dma_wait3A_513] : memref<80x128xi32, #tpu.memory_space<vmem>> -> memref<1x128xi32, #tpu.memory_space<vmem>>
      %dma_wait3A_515 = tpu.memref_squeeze %dma_wait3A_514 : memref<1x128xi32, #tpu.memory_space<vmem>> -> memref<128xi32, #tpu.memory_space<vmem>>
      %dma_wait3A_516 = arith.constant 0 : i32
      %dma_wait3A_517 = arith.constant 0 : i32
      %dma_wait3A_518 = tpu.memref_slice %arg2[%dma_wait3A_516, %dma_wait3A_517] : memref<10000x32xf32, #tpu.memory_space<hbm>> -> memref<10000x32xf32, #tpu.memory_space<hbm>>
      tpu.wait_indirect_dma semaphore(%arg10 : memref<!tpu.dma_semaphore, #tpu.memory_space<semaphore_mem>>) src(%dma_wait3A_518 : memref<10000x32xf32, #tpu.memory_space<hbm>>) dst(%dma_wait3A_512 : memref<128x32xf32, #tpu.memory_space<vmem>>)
      %dma_wait3A_519 = arith.constant 0 : i32
      %dma_wait3A_520 = arith.constant 0 : i32
      %dma_wait3A_521 = arith.constant 4 : i32
      %dma_wait3A_522 = arith.constant 0 : i32
      %dma_wait3A_523 = arith.constant 0 : i32
      %dma_wait3A_524 = tpu.memref_slice %arg8[%dma_wait3A_520, %dma_wait3A_521, %dma_wait3A_522, %dma_wait3A_523] : memref<2x5x128x32xf32, #tpu.memory_space<vmem>> -> memref<1x1x128x32xf32, #tpu.memory_space<vmem>>
      %dma_wait3A_525 = tpu.memref_squeeze %dma_wait3A_524 : memref<1x1x128x32xf32, #tpu.memory_space<vmem>> -> memref<128x32xf32, #tpu.memory_space<vmem>>
      %dma_wait3A_526 = arith.constant 0 : i32
      %dma_wait3A_527 = tpu.memref_slice %arg6[%dma_wait3A_519, %dma_wait3A_526] : memref<80x128xi32, #tpu.memory_space<vmem>> -> memref<1x128xi32, #tpu.memory_space<vmem>>
      %dma_wait3A_528 = tpu.memref_squeeze %dma_wait3A_527 : memref<1x128xi32, #tpu.memory_space<vmem>> -> memref<128xi32, #tpu.memory_space<vmem>>
      %dma_wait3A_529 = arith.constant 0 : i32
      %dma_wait3A_530 = arith.constant 0 : i32
      %dma_wait3A_531 = tpu.memref_slice %arg2[%dma_wait3A_529, %dma_wait3A_530] : memref<10000x32xf32, #tpu.memory_space<hbm>> -> memref<10000x32xf32, #tpu.memory_space<hbm>>
      tpu.wait_indirect_dma semaphore(%arg10 : memref<!tpu.dma_semaphore, #tpu.memory_space<semaphore_mem>>) src(%dma_wait3A_531 : memref<10000x32xf32, #tpu.memory_space<hbm>>) dst(%dma_wait3A_525 : memref<128x32xf32, #tpu.memory_space<vmem>>)
      %gt3A_532 = arith.constant 0 : i32
      %gt3A_533 = arith.cmpi sgt, %add3A_466, %gt3A_532 : i32
      %convert_element_type3A_534 = arith.extui %gt3A_533 : i1 to i32
      %cond3A_535 = arith.constant 0 : i32
      %cond3A_536 = arith.cmpi ne, %convert_element_type3A_534, %cond3A_535 : i32
      scf.if %cond3A_536 {
        %dma_wait3A_625 = arith.constant 0 : i32
        %dma_wait3A_626 = arith.constant 0 : i32
        %dma_wait3A_627 = arith.constant 0 : i32
        %dma_wait3A_628 = arith.constant 0 : i32
        %dma_wait3A_629 = arith.constant 0 : i32
        %dma_wait3A_630 = tpu.memref_slice %arg8[%dma_wait3A_625, %dma_wait3A_626, %dma_wait3A_628, %dma_wait3A_629] : memref<2x5x128x32xf32, #tpu.memory_space<vmem>> -> memref<1x1x128x32xf32, #tpu.memory_space<vmem>>
        %dma_wait3A_631 = tpu.memref_squeeze %dma_wait3A_630 : memref<1x1x128x32xf32, #tpu.memory_space<vmem>> -> memref<128x32xf32, #tpu.memory_space<vmem>>
        %dma_wait3A_632 = arith.constant 0 : i32
        %dma_wait3A_633 = tpu.memref_slice %arg7[%dma_wait3A_627, %dma_wait3A_632] : memref<80x128xi32, #tpu.memory_space<vmem>> -> memref<1x128xi32, #tpu.memory_space<vmem>>
        %dma_wait3A_634 = tpu.memref_squeeze %dma_wait3A_633 : memref<1x128xi32, #tpu.memory_space<vmem>> -> memref<128xi32, #tpu.memory_space<vmem>>
        %dma_wait3A_635 = arith.constant 0 : i32
        %dma_wait3A_636 = arith.constant 0 : i32
        %dma_wait3A_637 = tpu.memref_slice %arg13[%dma_wait3A_635, %dma_wait3A_636] : memref<10240x32xf32, #tpu.memory_space<vmem_shared>> -> memref<10240x32xf32, #tpu.memory_space<vmem_shared>>
        tpu.wait_indirect_dma semaphore(%arg11 : memref<!tpu.dma_semaphore, #tpu.memory_space<semaphore_mem>>) src(%dma_wait3A_631 : memref<128x32xf32, #tpu.memory_space<vmem>>) dst(%dma_wait3A_637 : memref<10240x32xf32, #tpu.memory_space<vmem_shared>>)
        %dma_wait3A_638 = arith.constant 0 : i32
        %dma_wait3A_639 = arith.constant 1 : i32
        %dma_wait3A_640 = arith.constant 0 : i32
        %dma_wait3A_641 = arith.constant 0 : i32
        %dma_wait3A_642 = arith.constant 0 : i32
        %dma_wait3A_643 = tpu.memref_slice %arg8[%dma_wait3A_638, %dma_wait3A_639, %dma_wait3A_641, %dma_wait3A_642] : memref<2x5x128x32xf32, #tpu.memory_space<vmem>> -> memref<1x1x128x32xf32, #tpu.memory_space<vmem>>
        %dma_wait3A_644 = tpu.memref_squeeze %dma_wait3A_643 : memref<1x1x128x32xf32, #tpu.memory_space<vmem>> -> memref<128x32xf32, #tpu.memory_space<vmem>>
        %dma_wait3A_645 = arith.constant 0 : i32
        %dma_wait3A_646 = tpu.memref_slice %arg7[%dma_wait3A_640, %dma_wait3A_645] : memref<80x128xi32, #tpu.memory_space<vmem>> -> memref<1x128xi32, #tpu.memory_space<vmem>>
        %dma_wait3A_647 = tpu.memref_squeeze %dma_wait3A_646 : memref<1x128xi32, #tpu.memory_space<vmem>> -> memref<128xi32, #tpu.memory_space<vmem>>
        %dma_wait3A_648 = arith.constant 0 : i32
        %dma_wait3A_649 = arith.constant 0 : i32
        %dma_wait3A_650 = tpu.memref_slice %arg13[%dma_wait3A_648, %dma_wait3A_649] : memref<10240x32xf32, #tpu.memory_space<vmem_shared>> -> memref<10240x32xf32, #tpu.memory_space<vmem_shared>>
        tpu.wait_indirect_dma semaphore(%arg11 : memref<!tpu.dma_semaphore, #tpu.memory_space<semaphore_mem>>) src(%dma_wait3A_644 : memref<128x32xf32, #tpu.memory_space<vmem>>) dst(%dma_wait3A_650 : memref<10240x32xf32, #tpu.memory_space<vmem_shared>>)
        %dma_wait3A_651 = arith.constant 0 : i32
        %dma_wait3A_652 = arith.constant 2 : i32
        %dma_wait3A_653 = arith.constant 0 : i32
        %dma_wait3A_654 = arith.constant 0 : i32
        %dma_wait3A_655 = arith.constant 0 : i32
        %dma_wait3A_656 = tpu.memref_slice %arg8[%dma_wait3A_651, %dma_wait3A_652, %dma_wait3A_654, %dma_wait3A_655] : memref<2x5x128x32xf32, #tpu.memory_space<vmem>> -> memref<1x1x128x32xf32, #tpu.memory_space<vmem>>
        %dma_wait3A_657 = tpu.memref_squeeze %dma_wait3A_656 : memref<1x1x128x32xf32, #tpu.memory_space<vmem>> -> memref<128x32xf32, #tpu.memory_space<vmem>>
        %dma_wait3A_658 = arith.constant 0 : i32
        %dma_wait3A_659 = tpu.memref_slice %arg7[%dma_wait3A_653, %dma_wait3A_658] : memref<80x128xi32, #tpu.memory_space<vmem>> -> memref<1x128xi32, #tpu.memory_space<vmem>>
        %dma_wait3A_660 = tpu.memref_squeeze %dma_wait3A_659 : memref<1x128xi32, #tpu.memory_space<vmem>> -> memref<128xi32, #tpu.memory_space<vmem>>
        %dma_wait3A_661 = arith.constant 0 : i32
        %dma_wait3A_662 = arith.constant 0 : i32
        %dma_wait3A_663 = tpu.memref_slice %arg13[%dma_wait3A_661, %dma_wait3A_662] : memref<10240x32xf32, #tpu.memory_space<vmem_shared>> -> memref<10240x32xf32, #tpu.memory_space<vmem_shared>>
        tpu.wait_indirect_dma semaphore(%arg11 : memref<!tpu.dma_semaphore, #tpu.memory_space<semaphore_mem>>) src(%dma_wait3A_657 : memref<128x32xf32, #tpu.memory_space<vmem>>) dst(%dma_wait3A_663 : memref<10240x32xf32, #tpu.memory_space<vmem_shared>>)
        %dma_wait3A_664 = arith.constant 0 : i32
        %dma_wait3A_665 = arith.constant 3 : i32
        %dma_wait3A_666 = arith.constant 0 : i32
        %dma_wait3A_667 = arith.constant 0 : i32
        %dma_wait3A_668 = arith.constant 0 : i32
        %dma_wait3A_669 = tpu.memref_slice %arg8[%dma_wait3A_664, %dma_wait3A_665, %dma_wait3A_667, %dma_wait3A_668] : memref<2x5x128x32xf32, #tpu.memory_space<vmem>> -> memref<1x1x128x32xf32, #tpu.memory_space<vmem>>
        %dma_wait3A_670 = tpu.memref_squeeze %dma_wait3A_669 : memref<1x1x128x32xf32, #tpu.memory_space<vmem>> -> memref<128x32xf32, #tpu.memory_space<vmem>>
        %dma_wait3A_671 = arith.constant 0 : i32
        %dma_wait3A_672 = tpu.memref_slice %arg7[%dma_wait3A_666, %dma_wait3A_671] : memref<80x128xi32, #tpu.memory_space<vmem>> -> memref<1x128xi32, #tpu.memory_space<vmem>>
        %dma_wait3A_673 = tpu.memref_squeeze %dma_wait3A_672 : memref<1x128xi32, #tpu.memory_space<vmem>> -> memref<128xi32, #tpu.memory_space<vmem>>
        %dma_wait3A_674 = arith.constant 0 : i32
        %dma_wait3A_675 = arith.constant 0 : i32
        %dma_wait3A_676 = tpu.memref_slice %arg13[%dma_wait3A_674, %dma_wait3A_675] : memref<10240x32xf32, #tpu.memory_space<vmem_shared>> -> memref<10240x32xf32, #tpu.memory_space<vmem_shared>>
        tpu.wait_indirect_dma semaphore(%arg11 : memref<!tpu.dma_semaphore, #tpu.memory_space<semaphore_mem>>) src(%dma_wait3A_670 : memref<128x32xf32, #tpu.memory_space<vmem>>) dst(%dma_wait3A_676 : memref<10240x32xf32, #tpu.memory_space<vmem_shared>>)
        %dma_wait3A_677 = arith.constant 0 : i32
        %dma_wait3A_678 = arith.constant 4 : i32
        %dma_wait3A_679 = arith.constant 0 : i32
        %dma_wait3A_680 = arith.constant 0 : i32
        %dma_wait3A_681 = arith.constant 0 : i32
        %dma_wait3A_682 = tpu.memref_slice %arg8[%dma_wait3A_677, %dma_wait3A_678, %dma_wait3A_680, %dma_wait3A_681] : memref<2x5x128x32xf32, #tpu.memory_space<vmem>> -> memref<1x1x128x32xf32, #tpu.memory_space<vmem>>
        %dma_wait3A_683 = tpu.memref_squeeze %dma_wait3A_682 : memref<1x1x128x32xf32, #tpu.memory_space<vmem>> -> memref<128x32xf32, #tpu.memory_space<vmem>>
        %dma_wait3A_684 = arith.constant 0 : i32
        %dma_wait3A_685 = tpu.memref_slice %arg7[%dma_wait3A_679, %dma_wait3A_684] : memref<80x128xi32, #tpu.memory_space<vmem>> -> memref<1x128xi32, #tpu.memory_space<vmem>>
        %dma_wait3A_686 = tpu.memref_squeeze %dma_wait3A_685 : memref<1x128xi32, #tpu.memory_space<vmem>> -> memref<128xi32, #tpu.memory_space<vmem>>
        %dma_wait3A_687 = arith.constant 0 : i32
        %dma_wait3A_688 = arith.constant 0 : i32
        %dma_wait3A_689 = tpu.memref_slice %arg13[%dma_wait3A_687, %dma_wait3A_688] : memref<10240x32xf32, #tpu.memory_space<vmem_shared>> -> memref<10240x32xf32, #tpu.memory_space<vmem_shared>>
        tpu.wait_indirect_dma semaphore(%arg11 : memref<!tpu.dma_semaphore, #tpu.memory_space<semaphore_mem>>) src(%dma_wait3A_683 : memref<128x32xf32, #tpu.memory_space<vmem>>) dst(%dma_wait3A_689 : memref<10240x32xf32, #tpu.memory_space<vmem_shared>>)
      } else {
      }
      %add3A_537 = arith.constant 1 : i32
      %add3A_538 = arith.addi %add3A_466, %add3A_537 : i32
      %lt3A_539 = arith.constant 16 : i32
      %lt3A_540 = arith.cmpi slt, %add3A_538, %lt3A_539 : i32
      %convert_element_type3A_541 = arith.extui %lt3A_540 : i1 to i32
      %cond3A_542 = arith.constant 0 : i32
      %cond3A_543 = arith.cmpi ne, %convert_element_type3A_541, %cond3A_542 : i32
      scf.if %cond3A_543 {
        %add3A_625 = arith.constant 1 : i32
        %add3A_626 = arith.addi %add3A_466, %add3A_625 : i32
        %mul3A_627 = arith.constant 5 : i32
        %mul3A_628 = arith.muli %add3A_626, %mul3A_627 : i32
        %add3A_629 = arith.constant 0 : i32
        %add3A_630 = arith.addi %mul3A_628, %add3A_629 : i32
        %dma_start3A_631 = arith.constant 0 : i32
        %dma_start3A_632 = arith.constant 0 : i32
        %dma_start3A_633 = arith.constant 0 : i32
        %dma_start3A_634 = arith.constant 0 : i32
        %dma_start3A_635 = tpu.memref_slice %arg8[%dma_start3A_631, %dma_start3A_632, %dma_start3A_633, %dma_start3A_634] : memref<2x5x128x32xf32, #tpu.memory_space<vmem>> -> memref<1x1x128x32xf32, #tpu.memory_space<vmem>>
        %dma_start3A_636 = tpu.memref_squeeze %dma_start3A_635 : memref<1x1x128x32xf32, #tpu.memory_space<vmem>> -> memref<128x32xf32, #tpu.memory_space<vmem>>
        %dma_start3A_637 = arith.constant 0 : i32
        %dma_start3A_638 = tpu.memref_slice %arg6[%add3A_630, %dma_start3A_637] : memref<80x128xi32, #tpu.memory_space<vmem>> -> memref<1x128xi32, #tpu.memory_space<vmem>>
        %dma_start3A_639 = tpu.memref_squeeze %dma_start3A_638 : memref<1x128xi32, #tpu.memory_space<vmem>> -> memref<128xi32, #tpu.memory_space<vmem>>
        %dma_start3A_640 = arith.constant 0 : i32
        %dma_start3A_641 = arith.constant 0 : i32
        %dma_start3A_642 = tpu.memref_slice %arg2[%dma_start3A_640, %dma_start3A_641] : memref<10000x32xf32, #tpu.memory_space<hbm>> -> memref<10000x32xf32, #tpu.memory_space<hbm>>
        tpu.enqueue_indirect_dma source(%dma_start3A_642 : memref<10000x32xf32, #tpu.memory_space<hbm>>) target(%dma_start3A_636 : memref<128x32xf32, #tpu.memory_space<vmem>>) offsets(%dma_start3A_639 : memref<128xi32, #tpu.memory_space<vmem>>) semaphore(%arg10 : memref<!tpu.dma_semaphore, #tpu.memory_space<semaphore_mem>>)
        %add3A_643 = arith.constant 1 : i32
        %add3A_644 = arith.addi %add3A_466, %add3A_643 : i32
        %mul3A_645 = arith.constant 5 : i32
        %mul3A_646 = arith.muli %add3A_644, %mul3A_645 : i32
        %add3A_647 = arith.constant 1 : i32
        %add3A_648 = arith.addi %mul3A_646, %add3A_647 : i32
        %dma_start3A_649 = arith.constant 0 : i32
        %dma_start3A_650 = arith.constant 1 : i32
        %dma_start3A_651 = arith.constant 0 : i32
        %dma_start3A_652 = arith.constant 0 : i32
        %dma_start3A_653 = tpu.memref_slice %arg8[%dma_start3A_649, %dma_start3A_650, %dma_start3A_651, %dma_start3A_652] : memref<2x5x128x32xf32, #tpu.memory_space<vmem>> -> memref<1x1x128x32xf32, #tpu.memory_space<vmem>>
        %dma_start3A_654 = tpu.memref_squeeze %dma_start3A_653 : memref<1x1x128x32xf32, #tpu.memory_space<vmem>> -> memref<128x32xf32, #tpu.memory_space<vmem>>
        %dma_start3A_655 = arith.constant 0 : i32
        %dma_start3A_656 = tpu.memref_slice %arg6[%add3A_648, %dma_start3A_655] : memref<80x128xi32, #tpu.memory_space<vmem>> -> memref<1x128xi32, #tpu.memory_space<vmem>>
        %dma_start3A_657 = tpu.memref_squeeze %dma_start3A_656 : memref<1x128xi32, #tpu.memory_space<vmem>> -> memref<128xi32, #tpu.memory_space<vmem>>
        %dma_start3A_658 = arith.constant 0 : i32
        %dma_start3A_659 = arith.constant 0 : i32
        %dma_start3A_660 = tpu.memref_slice %arg2[%dma_start3A_658, %dma_start3A_659] : memref<10000x32xf32, #tpu.memory_space<hbm>> -> memref<10000x32xf32, #tpu.memory_space<hbm>>
        tpu.enqueue_indirect_dma source(%dma_start3A_660 : memref<10000x32xf32, #tpu.memory_space<hbm>>) target(%dma_start3A_654 : memref<128x32xf32, #tpu.memory_space<vmem>>) offsets(%dma_start3A_657 : memref<128xi32, #tpu.memory_space<vmem>>) semaphore(%arg10 : memref<!tpu.dma_semaphore, #tpu.memory_space<semaphore_mem>>)
        %add3A_661 = arith.constant 1 : i32
        %add3A_662 = arith.addi %add3A_466, %add3A_661 : i32
        %mul3A_663 = arith.constant 5 : i32
        %mul3A_664 = arith.muli %add3A_662, %mul3A_663 : i32
        %add3A_665 = arith.constant 2 : i32
        %add3A_666 = arith.addi %mul3A_664, %add3A_665 : i32
        %dma_start3A_667 = arith.constant 0 : i32
        %dma_start3A_668 = arith.constant 2 : i32
        %dma_start3A_669 = arith.constant 0 : i32
        %dma_start3A_670 = arith.constant 0 : i32
        %dma_start3A_671 = tpu.memref_slice %arg8[%dma_start3A_667, %dma_start3A_668, %dma_start3A_669, %dma_start3A_670] : memref<2x5x128x32xf32, #tpu.memory_space<vmem>> -> memref<1x1x128x32xf32, #tpu.memory_space<vmem>>
        %dma_start3A_672 = tpu.memref_squeeze %dma_start3A_671 : memref<1x1x128x32xf32, #tpu.memory_space<vmem>> -> memref<128x32xf32, #tpu.memory_space<vmem>>
        %dma_start3A_673 = arith.constant 0 : i32
        %dma_start3A_674 = tpu.memref_slice %arg6[%add3A_666, %dma_start3A_673] : memref<80x128xi32, #tpu.memory_space<vmem>> -> memref<1x128xi32, #tpu.memory_space<vmem>>
        %dma_start3A_675 = tpu.memref_squeeze %dma_start3A_674 : memref<1x128xi32, #tpu.memory_space<vmem>> -> memref<128xi32, #tpu.memory_space<vmem>>
        %dma_start3A_676 = arith.constant 0 : i32
        %dma_start3A_677 = arith.constant 0 : i32
        %dma_start3A_678 = tpu.memref_slice %arg2[%dma_start3A_676, %dma_start3A_677] : memref<10000x32xf32, #tpu.memory_space<hbm>> -> memref<10000x32xf32, #tpu.memory_space<hbm>>
        tpu.enqueue_indirect_dma source(%dma_start3A_678 : memref<10000x32xf32, #tpu.memory_space<hbm>>) target(%dma_start3A_672 : memref<128x32xf32, #tpu.memory_space<vmem>>) offsets(%dma_start3A_675 : memref<128xi32, #tpu.memory_space<vmem>>) semaphore(%arg10 : memref<!tpu.dma_semaphore, #tpu.memory_space<semaphore_mem>>)
        %add3A_679 = arith.constant 1 : i32
        %add3A_680 = arith.addi %add3A_466, %add3A_679 : i32
        %mul3A_681 = arith.constant 5 : i32
        %mul3A_682 = arith.muli %add3A_680, %mul3A_681 : i32
        %add3A_683 = arith.constant 3 : i32
        %add3A_684 = arith.addi %mul3A_682, %add3A_683 : i32
        %dma_start3A_685 = arith.constant 0 : i32
        %dma_start3A_686 = arith.constant 3 : i32
        %dma_start3A_687 = arith.constant 0 : i32
        %dma_start3A_688 = arith.constant 0 : i32
        %dma_start3A_689 = tpu.memref_slice %arg8[%dma_start3A_685, %dma_start3A_686, %dma_start3A_687, %dma_start3A_688] : memref<2x5x128x32xf32, #tpu.memory_space<vmem>> -> memref<1x1x128x32xf32, #tpu.memory_space<vmem>>
        %dma_start3A_690 = tpu.memref_squeeze %dma_start3A_689 : memref<1x1x128x32xf32, #tpu.memory_space<vmem>> -> memref<128x32xf32, #tpu.memory_space<vmem>>
        %dma_start3A_691 = arith.constant 0 : i32
        %dma_start3A_692 = tpu.memref_slice %arg6[%add3A_684, %dma_start3A_691] : memref<80x128xi32, #tpu.memory_space<vmem>> -> memref<1x128xi32, #tpu.memory_space<vmem>>
        %dma_start3A_693 = tpu.memref_squeeze %dma_start3A_692 : memref<1x128xi32, #tpu.memory_space<vmem>> -> memref<128xi32, #tpu.memory_space<vmem>>
        %dma_start3A_694 = arith.constant 0 : i32
        %dma_start3A_695 = arith.constant 0 : i32
        %dma_start3A_696 = tpu.memref_slice %arg2[%dma_start3A_694, %dma_start3A_695] : memref<10000x32xf32, #tpu.memory_space<hbm>> -> memref<10000x32xf32, #tpu.memory_space<hbm>>
        tpu.enqueue_indirect_dma source(%dma_start3A_696 : memref<10000x32xf32, #tpu.memory_space<hbm>>) target(%dma_start3A_690 : memref<128x32xf32, #tpu.memory_space<vmem>>) offsets(%dma_start3A_693 : memref<128xi32, #tpu.memory_space<vmem>>) semaphore(%arg10 : memref<!tpu.dma_semaphore, #tpu.memory_space<semaphore_mem>>)
        %add3A_697 = arith.constant 1 : i32
        %add3A_698 = arith.addi %add3A_466, %add3A_697 : i32
        %mul3A_699 = arith.constant 5 : i32
        %mul3A_700 = arith.muli %add3A_698, %mul3A_699 : i32
        %add3A_701 = arith.constant 4 : i32
        %add3A_702 = arith.addi %mul3A_700, %add3A_701 : i32
        %dma_start3A_703 = arith.constant 0 : i32
        %dma_start3A_704 = arith.constant 4 : i32
        %dma_start3A_705 = arith.constant 0 : i32
        %dma_start3A_706 = arith.constant 0 : i32
        %dma_start3A_707 = tpu.memref_slice %arg8[%dma_start3A_703, %dma_start3A_704, %dma_start3A_705, %dma_start3A_706] : memref<2x5x128x32xf32, #tpu.memory_space<vmem>> -> memref<1x1x128x32xf32, #tpu.memory_space<vmem>>
        %dma_start3A_708 = tpu.memref_squeeze %dma_start3A_707 : memref<1x1x128x32xf32, #tpu.memory_space<vmem>> -> memref<128x32xf32, #tpu.memory_space<vmem>>
        %dma_start3A_709 = arith.constant 0 : i32
        %dma_start3A_710 = tpu.memref_slice %arg6[%add3A_702, %dma_start3A_709] : memref<80x128xi32, #tpu.memory_space<vmem>> -> memref<1x128xi32, #tpu.memory_space<vmem>>
        %dma_start3A_711 = tpu.memref_squeeze %dma_start3A_710 : memref<1x128xi32, #tpu.memory_space<vmem>> -> memref<128xi32, #tpu.memory_space<vmem>>
        %dma_start3A_712 = arith.constant 0 : i32
        %dma_start3A_713 = arith.constant 0 : i32
        %dma_start3A_714 = tpu.memref_slice %arg2[%dma_start3A_712, %dma_start3A_713] : memref<10000x32xf32, #tpu.memory_space<hbm>> -> memref<10000x32xf32, #tpu.memory_space<hbm>>
        tpu.enqueue_indirect_dma source(%dma_start3A_714 : memref<10000x32xf32, #tpu.memory_space<hbm>>) target(%dma_start3A_708 : memref<128x32xf32, #tpu.memory_space<vmem>>) offsets(%dma_start3A_711 : memref<128xi32, #tpu.memory_space<vmem>>) semaphore(%arg10 : memref<!tpu.dma_semaphore, #tpu.memory_space<semaphore_mem>>)
      } else {
      }
      %mul3A_544 = arith.constant 5 : i32
      %mul3A_545 = arith.muli %add3A_466, %mul3A_544 : i32
      %add3A_546 = arith.constant 0 : i32
      %add3A_547 = arith.addi %mul3A_545, %add3A_546 : i32
      %dma_start3A_548 = arith.constant 1 : i32
      %dma_start3A_549 = arith.constant 0 : i32
      %dma_start3A_550 = arith.constant 0 : i32
      %dma_start3A_551 = arith.constant 0 : i32
      %dma_start3A_552 = tpu.memref_slice %arg8[%dma_start3A_548, %dma_start3A_549, %dma_start3A_550, %dma_start3A_551] : memref<2x5x128x32xf32, #tpu.memory_space<vmem>> -> memref<1x1x128x32xf32, #tpu.memory_space<vmem>>
      %dma_start3A_553 = tpu.memref_squeeze %dma_start3A_552 : memref<1x1x128x32xf32, #tpu.memory_space<vmem>> -> memref<128x32xf32, #tpu.memory_space<vmem>>
      %dma_start3A_554 = arith.constant 0 : i32
      %dma_start3A_555 = tpu.memref_slice %arg7[%add3A_547, %dma_start3A_554] : memref<80x128xi32, #tpu.memory_space<vmem>> -> memref<1x128xi32, #tpu.memory_space<vmem>>
      %dma_start3A_556 = tpu.memref_squeeze %dma_start3A_555 : memref<1x128xi32, #tpu.memory_space<vmem>> -> memref<128xi32, #tpu.memory_space<vmem>>
      %dma_start3A_557 = arith.constant 0 : i32
      %dma_start3A_558 = arith.constant 0 : i32
      %dma_start3A_559 = tpu.memref_slice %arg13[%dma_start3A_557, %dma_start3A_558] : memref<10240x32xf32, #tpu.memory_space<vmem_shared>> -> memref<10240x32xf32, #tpu.memory_space<vmem_shared>>
      tpu.enqueue_indirect_dma source(%dma_start3A_553 : memref<128x32xf32, #tpu.memory_space<vmem>>) target(%dma_start3A_559 : memref<10240x32xf32, #tpu.memory_space<vmem_shared>>) offsets(%dma_start3A_556 : memref<128xi32, #tpu.memory_space<vmem>>) semaphore(%arg11 : memref<!tpu.dma_semaphore, #tpu.memory_space<semaphore_mem>>) {add = true}
      %mul3A_560 = arith.constant 5 : i32
      %mul3A_561 = arith.muli %add3A_466, %mul3A_560 : i32
      %add3A_562 = arith.constant 1 : i32
      %add3A_563 = arith.addi %mul3A_561, %add3A_562 : i32
      %dma_start3A_564 = arith.constant 1 : i32
      %dma_start3A_565 = arith.constant 1 : i32
      %dma_start3A_566 = arith.constant 0 : i32
      %dma_start3A_567 = arith.constant 0 : i32
      %dma_start3A_568 = tpu.memref_slice %arg8[%dma_start3A_564, %dma_start3A_565, %dma_start3A_566, %dma_start3A_567] : memref<2x5x128x32xf32, #tpu.memory_space<vmem>> -> memref<1x1x128x32xf32, #tpu.memory_space<vmem>>
      %dma_start3A_569 = tpu.memref_squeeze %dma_start3A_568 : memref<1x1x128x32xf32, #tpu.memory_space<vmem>> -> memref<128x32xf32, #tpu.memory_space<vmem>>
      %dma_start3A_570 = arith.constant 0 : i32
      %dma_start3A_571 = tpu.memref_slice %arg7[%add3A_563, %dma_start3A_570] : memref<80x128xi32, #tpu.memory_space<vmem>> -> memref<1x128xi32, #tpu.memory_space<vmem>>
      %dma_start3A_572 = tpu.memref_squeeze %dma_start3A_571 : memref<1x128xi32, #tpu.memory_space<vmem>> -> memref<128xi32, #tpu.memory_space<vmem>>
      %dma_start3A_573 = arith.constant 0 : i32
      %dma_start3A_574 = arith.constant 0 : i32
      %dma_start3A_575 = tpu.memref_slice %arg13[%dma_start3A_573, %dma_start3A_574] : memref<10240x32xf32, #tpu.memory_space<vmem_shared>> -> memref<10240x32xf32, #tpu.memory_space<vmem_shared>>
      tpu.enqueue_indirect_dma source(%dma_start3A_569 : memref<128x32xf32, #tpu.memory_space<vmem>>) target(%dma_start3A_575 : memref<10240x32xf32, #tpu.memory_space<vmem_shared>>) offsets(%dma_start3A_572 : memref<128xi32, #tpu.memory_space<vmem>>) semaphore(%arg11 : memref<!tpu.dma_semaphore, #tpu.memory_space<semaphore_mem>>) {add = true}
      %mul3A_576 = arith.constant 5 : i32
      %mul3A_577 = arith.muli %add3A_466, %mul3A_576 : i32
      %add3A_578 = arith.constant 2 : i32
      %add3A_579 = arith.addi %mul3A_577, %add3A_578 : i32
      %dma_start3A_580 = arith.constant 1 : i32
      %dma_start3A_581 = arith.constant 2 : i32
      %dma_start3A_582 = arith.constant 0 : i32
      %dma_start3A_583 = arith.constant 0 : i32
      %dma_start3A_584 = tpu.memref_slice %arg8[%dma_start3A_580, %dma_start3A_581, %dma_start3A_582, %dma_start3A_583] : memref<2x5x128x32xf32, #tpu.memory_space<vmem>> -> memref<1x1x128x32xf32, #tpu.memory_space<vmem>>
      %dma_start3A_585 = tpu.memref_squeeze %dma_start3A_584 : memref<1x1x128x32xf32, #tpu.memory_space<vmem>> -> memref<128x32xf32, #tpu.memory_space<vmem>>
      %dma_start3A_586 = arith.constant 0 : i32
      %dma_start3A_587 = tpu.memref_slice %arg7[%add3A_579, %dma_start3A_586] : memref<80x128xi32, #tpu.memory_space<vmem>> -> memref<1x128xi32, #tpu.memory_space<vmem>>
      %dma_start3A_588 = tpu.memref_squeeze %dma_start3A_587 : memref<1x128xi32, #tpu.memory_space<vmem>> -> memref<128xi32, #tpu.memory_space<vmem>>
      %dma_start3A_589 = arith.constant 0 : i32
      %dma_start3A_590 = arith.constant 0 : i32
      %dma_start3A_591 = tpu.memref_slice %arg13[%dma_start3A_589, %dma_start3A_590] : memref<10240x32xf32, #tpu.memory_space<vmem_shared>> -> memref<10240x32xf32, #tpu.memory_space<vmem_shared>>
      tpu.enqueue_indirect_dma source(%dma_start3A_585 : memref<128x32xf32, #tpu.memory_space<vmem>>) target(%dma_start3A_591 : memref<10240x32xf32, #tpu.memory_space<vmem_shared>>) offsets(%dma_start3A_588 : memref<128xi32, #tpu.memory_space<vmem>>) semaphore(%arg11 : memref<!tpu.dma_semaphore, #tpu.memory_space<semaphore_mem>>) {add = true}
      %mul3A_592 = arith.constant 5 : i32
      %mul3A_593 = arith.muli %add3A_466, %mul3A_592 : i32
      %add3A_594 = arith.constant 3 : i32
      %add3A_595 = arith.addi %mul3A_593, %add3A_594 : i32
      %dma_start3A_596 = arith.constant 1 : i32
      %dma_start3A_597 = arith.constant 3 : i32
      %dma_start3A_598 = arith.constant 0 : i32
      %dma_start3A_599 = arith.constant 0 : i32
      %dma_start3A_600 = tpu.memref_slice %arg8[%dma_start3A_596, %dma_start3A_597, %dma_start3A_598, %dma_start3A_599] : memref<2x5x128x32xf32, #tpu.memory_space<vmem>> -> memref<1x1x128x32xf32, #tpu.memory_space<vmem>>
      %dma_start3A_601 = tpu.memref_squeeze %dma_start3A_600 : memref<1x1x128x32xf32, #tpu.memory_space<vmem>> -> memref<128x32xf32, #tpu.memory_space<vmem>>
      %dma_start3A_602 = arith.constant 0 : i32
      %dma_start3A_603 = tpu.memref_slice %arg7[%add3A_595, %dma_start3A_602] : memref<80x128xi32, #tpu.memory_space<vmem>> -> memref<1x128xi32, #tpu.memory_space<vmem>>
      %dma_start3A_604 = tpu.memref_squeeze %dma_start3A_603 : memref<1x128xi32, #tpu.memory_space<vmem>> -> memref<128xi32, #tpu.memory_space<vmem>>
      %dma_start3A_605 = arith.constant 0 : i32
      %dma_start3A_606 = arith.constant 0 : i32
      %dma_start3A_607 = tpu.memref_slice %arg13[%dma_start3A_605, %dma_start3A_606] : memref<10240x32xf32, #tpu.memory_space<vmem_shared>> -> memref<10240x32xf32, #tpu.memory_space<vmem_shared>>
      tpu.enqueue_indirect_dma source(%dma_start3A_601 : memref<128x32xf32, #tpu.memory_space<vmem>>) target(%dma_start3A_607 : memref<10240x32xf32, #tpu.memory_space<vmem_shared>>) offsets(%dma_start3A_604 : memref<128xi32, #tpu.memory_space<vmem>>) semaphore(%arg11 : memref<!tpu.dma_semaphore, #tpu.memory_space<semaphore_mem>>) {add = true}
      %mul3A_608 = arith.constant 5 : i32
      %mul3A_609 = arith.muli %add3A_466, %mul3A_608 : i32
      %add3A_610 = arith.constant 4 : i32
      %add3A_611 = arith.addi %mul3A_609, %add3A_610 : i32
      %dma_start3A_612 = arith.constant 1 : i32
      %dma_start3A_613 = arith.constant 4 : i32
      %dma_start3A_614 = arith.constant 0 : i32
      %dma_start3A_615 = arith.constant 0 : i32
      %dma_start3A_616 = tpu.memref_slice %arg8[%dma_start3A_612, %dma_start3A_613, %dma_start3A_614, %dma_start3A_615] : memref<2x5x128x32xf32, #tpu.memory_space<vmem>> -> memref<1x1x128x32xf32, #tpu.memory_space<vmem>>
      %dma_start3A_617 = tpu.memref_squeeze %dma_start3A_616 : memref<1x1x128x32xf32, #tpu.memory_space<vmem>> -> memref<128x32xf32, #tpu.memory_space<vmem>>
      %dma_start3A_618 = arith.constant 0 : i32
      %dma_start3A_619 = tpu.memref_slice %arg7[%add3A_611, %dma_start3A_618] : memref<80x128xi32, #tpu.memory_space<vmem>> -> memref<1x128xi32, #tpu.memory_space<vmem>>
      %dma_start3A_620 = tpu.memref_squeeze %dma_start3A_619 : memref<1x128xi32, #tpu.memory_space<vmem>> -> memref<128xi32, #tpu.memory_space<vmem>>
      %dma_start3A_621 = arith.constant 0 : i32
      %dma_start3A_622 = arith.constant 0 : i32
      %dma_start3A_623 = tpu.memref_slice %arg13[%dma_start3A_621, %dma_start3A_622] : memref<10240x32xf32, #tpu.memory_space<vmem_shared>> -> memref<10240x32xf32, #tpu.memory_space<vmem_shared>>
      tpu.enqueue_indirect_dma source(%dma_start3A_617 : memref<128x32xf32, #tpu.memory_space<vmem>>) target(%dma_start3A_623 : memref<10240x32xf32, #tpu.memory_space<vmem_shared>>) offsets(%dma_start3A_620 : memref<128xi32, #tpu.memory_space<vmem>>) semaphore(%arg11 : memref<!tpu.dma_semaphore, #tpu.memory_space<semaphore_mem>>) {add = true}
      %scan3A_624 = arith.constant 0 : i32
      scf.yield %scan3A_624 : i32
    }
    %scan3A_237 = arith.constant 8 : i32
    %dma_wait3A_238 = arith.constant 0 : i32
    %dma_wait3A_239 = arith.constant 0 : i32
    %dma_wait3A_240 = arith.constant 0 : i32
    %dma_wait3A_241 = arith.constant 0 : i32
    %dma_wait3A_242 = arith.constant 0 : i32
    %dma_wait3A_243 = tpu.memref_slice %arg8[%dma_wait3A_238, %dma_wait3A_239, %dma_wait3A_241, %dma_wait3A_242] : memref<2x5x128x32xf32, #tpu.memory_space<vmem>> -> memref<1x1x128x32xf32, #tpu.memory_space<vmem>>
    %dma_wait3A_244 = tpu.memref_squeeze %dma_wait3A_243 : memref<1x1x128x32xf32, #tpu.memory_space<vmem>> -> memref<128x32xf32, #tpu.memory_space<vmem>>
    %dma_wait3A_245 = arith.constant 0 : i32
    %dma_wait3A_246 = tpu.memref_slice %arg7[%dma_wait3A_240, %dma_wait3A_245] : memref<80x128xi32, #tpu.memory_space<vmem>> -> memref<1x128xi32, #tpu.memory_space<vmem>>
    %dma_wait3A_247 = tpu.memref_squeeze %dma_wait3A_246 : memref<1x128xi32, #tpu.memory_space<vmem>> -> memref<128xi32, #tpu.memory_space<vmem>>
    %dma_wait3A_248 = arith.constant 0 : i32
    %dma_wait3A_249 = arith.constant 0 : i32
    %dma_wait3A_250 = tpu.memref_slice %arg13[%dma_wait3A_248, %dma_wait3A_249] : memref<10240x32xf32, #tpu.memory_space<vmem_shared>> -> memref<10240x32xf32, #tpu.memory_space<vmem_shared>>
    tpu.wait_indirect_dma semaphore(%arg11 : memref<!tpu.dma_semaphore, #tpu.memory_space<semaphore_mem>>) src(%dma_wait3A_244 : memref<128x32xf32, #tpu.memory_space<vmem>>) dst(%dma_wait3A_250 : memref<10240x32xf32, #tpu.memory_space<vmem_shared>>)
    %dma_wait3A_251 = arith.constant 0 : i32
    %dma_wait3A_252 = arith.constant 1 : i32
    %dma_wait3A_253 = arith.constant 0 : i32
    %dma_wait3A_254 = arith.constant 0 : i32
    %dma_wait3A_255 = arith.constant 0 : i32
    %dma_wait3A_256 = tpu.memref_slice %arg8[%dma_wait3A_251, %dma_wait3A_252, %dma_wait3A_254, %dma_wait3A_255] : memref<2x5x128x32xf32, #tpu.memory_space<vmem>> -> memref<1x1x128x32xf32, #tpu.memory_space<vmem>>
    %dma_wait3A_257 = tpu.memref_squeeze %dma_wait3A_256 : memref<1x1x128x32xf32, #tpu.memory_space<vmem>> -> memref<128x32xf32, #tpu.memory_space<vmem>>
    %dma_wait3A_258 = arith.constant 0 : i32
    %dma_wait3A_259 = tpu.memref_slice %arg7[%dma_wait3A_253, %dma_wait3A_258] : memref<80x128xi32, #tpu.memory_space<vmem>> -> memref<1x128xi32, #tpu.memory_space<vmem>>
    %dma_wait3A_260 = tpu.memref_squeeze %dma_wait3A_259 : memref<1x128xi32, #tpu.memory_space<vmem>> -> memref<128xi32, #tpu.memory_space<vmem>>
    %dma_wait3A_261 = arith.constant 0 : i32
    %dma_wait3A_262 = arith.constant 0 : i32
    %dma_wait3A_263 = tpu.memref_slice %arg13[%dma_wait3A_261, %dma_wait3A_262] : memref<10240x32xf32, #tpu.memory_space<vmem_shared>> -> memref<10240x32xf32, #tpu.memory_space<vmem_shared>>
    tpu.wait_indirect_dma semaphore(%arg11 : memref<!tpu.dma_semaphore, #tpu.memory_space<semaphore_mem>>) src(%dma_wait3A_257 : memref<128x32xf32, #tpu.memory_space<vmem>>) dst(%dma_wait3A_263 : memref<10240x32xf32, #tpu.memory_space<vmem_shared>>)
    %dma_wait3A_264 = arith.constant 0 : i32
    %dma_wait3A_265 = arith.constant 2 : i32
    %dma_wait3A_266 = arith.constant 0 : i32
    %dma_wait3A_267 = arith.constant 0 : i32
    %dma_wait3A_268 = arith.constant 0 : i32
    %dma_wait3A_269 = tpu.memref_slice %arg8[%dma_wait3A_264, %dma_wait3A_265, %dma_wait3A_267, %dma_wait3A_268] : memref<2x5x128x32xf32, #tpu.memory_space<vmem>> -> memref<1x1x128x32xf32, #tpu.memory_space<vmem>>
    %dma_wait3A_270 = tpu.memref_squeeze %dma_wait3A_269 : memref<1x1x128x32xf32, #tpu.memory_space<vmem>> -> memref<128x32xf32, #tpu.memory_space<vmem>>
    %dma_wait3A_271 = arith.constant 0 : i32
    %dma_wait3A_272 = tpu.memref_slice %arg7[%dma_wait3A_266, %dma_wait3A_271] : memref<80x128xi32, #tpu.memory_space<vmem>> -> memref<1x128xi32, #tpu.memory_space<vmem>>
    %dma_wait3A_273 = tpu.memref_squeeze %dma_wait3A_272 : memref<1x128xi32, #tpu.memory_space<vmem>> -> memref<128xi32, #tpu.memory_space<vmem>>
    %dma_wait3A_274 = arith.constant 0 : i32
    %dma_wait3A_275 = arith.constant 0 : i32
    %dma_wait3A_276 = tpu.memref_slice %arg13[%dma_wait3A_274, %dma_wait3A_275] : memref<10240x32xf32, #tpu.memory_space<vmem_shared>> -> memref<10240x32xf32, #tpu.memory_space<vmem_shared>>
    tpu.wait_indirect_dma semaphore(%arg11 : memref<!tpu.dma_semaphore, #tpu.memory_space<semaphore_mem>>) src(%dma_wait3A_270 : memref<128x32xf32, #tpu.memory_space<vmem>>) dst(%dma_wait3A_276 : memref<10240x32xf32, #tpu.memory_space<vmem_shared>>)
    %dma_wait3A_277 = arith.constant 0 : i32
    %dma_wait3A_278 = arith.constant 3 : i32
    %dma_wait3A_279 = arith.constant 0 : i32
    %dma_wait3A_280 = arith.constant 0 : i32
    %dma_wait3A_281 = arith.constant 0 : i32
    %dma_wait3A_282 = tpu.memref_slice %arg8[%dma_wait3A_277, %dma_wait3A_278, %dma_wait3A_280, %dma_wait3A_281] : memref<2x5x128x32xf32, #tpu.memory_space<vmem>> -> memref<1x1x128x32xf32, #tpu.memory_space<vmem>>
    %dma_wait3A_283 = tpu.memref_squeeze %dma_wait3A_282 : memref<1x1x128x32xf32, #tpu.memory_space<vmem>> -> memref<128x32xf32, #tpu.memory_space<vmem>>
    %dma_wait3A_284 = arith.constant 0 : i32
    %dma_wait3A_285 = tpu.memref_slice %arg7[%dma_wait3A_279, %dma_wait3A_284] : memref<80x128xi32, #tpu.memory_space<vmem>> -> memref<1x128xi32, #tpu.memory_space<vmem>>
    %dma_wait3A_286 = tpu.memref_squeeze %dma_wait3A_285 : memref<1x128xi32, #tpu.memory_space<vmem>> -> memref<128xi32, #tpu.memory_space<vmem>>
    %dma_wait3A_287 = arith.constant 0 : i32
    %dma_wait3A_288 = arith.constant 0 : i32
    %dma_wait3A_289 = tpu.memref_slice %arg13[%dma_wait3A_287, %dma_wait3A_288] : memref<10240x32xf32, #tpu.memory_space<vmem_shared>> -> memref<10240x32xf32, #tpu.memory_space<vmem_shared>>
    tpu.wait_indirect_dma semaphore(%arg11 : memref<!tpu.dma_semaphore, #tpu.memory_space<semaphore_mem>>) src(%dma_wait3A_283 : memref<128x32xf32, #tpu.memory_space<vmem>>) dst(%dma_wait3A_289 : memref<10240x32xf32, #tpu.memory_space<vmem_shared>>)
    %dma_wait3A_290 = arith.constant 0 : i32
    %dma_wait3A_291 = arith.constant 4 : i32
    %dma_wait3A_292 = arith.constant 0 : i32
    %dma_wait3A_293 = arith.constant 0 : i32
    %dma_wait3A_294 = arith.constant 0 : i32
    %dma_wait3A_295 = tpu.memref_slice %arg8[%dma_wait3A_290, %dma_wait3A_291, %dma_wait3A_293, %dma_wait3A_294] : memref<2x5x128x32xf32, #tpu.memory_space<vmem>> -> memref<1x1x128x32xf32, #tpu.memory_space<vmem>>
    %dma_wait3A_296 = tpu.memref_squeeze %dma_wait3A_295 : memref<1x1x128x32xf32, #tpu.memory_space<vmem>> -> memref<128x32xf32, #tpu.memory_space<vmem>>
    %dma_wait3A_297 = arith.constant 0 : i32
    %dma_wait3A_298 = tpu.memref_slice %arg7[%dma_wait3A_292, %dma_wait3A_297] : memref<80x128xi32, #tpu.memory_space<vmem>> -> memref<1x128xi32, #tpu.memory_space<vmem>>
    %dma_wait3A_299 = tpu.memref_squeeze %dma_wait3A_298 : memref<1x128xi32, #tpu.memory_space<vmem>> -> memref<128xi32, #tpu.memory_space<vmem>>
    %dma_wait3A_300 = arith.constant 0 : i32
    %dma_wait3A_301 = arith.constant 0 : i32
    %dma_wait3A_302 = tpu.memref_slice %arg13[%dma_wait3A_300, %dma_wait3A_301] : memref<10240x32xf32, #tpu.memory_space<vmem_shared>> -> memref<10240x32xf32, #tpu.memory_space<vmem_shared>>
    tpu.wait_indirect_dma semaphore(%arg11 : memref<!tpu.dma_semaphore, #tpu.memory_space<semaphore_mem>>) src(%dma_wait3A_296 : memref<128x32xf32, #tpu.memory_space<vmem>>) dst(%dma_wait3A_302 : memref<10240x32xf32, #tpu.memory_space<vmem_shared>>)
    %barrier3A_303 = arith.constant 0 : index
    tpu.barrier barrier_id(%barrier3A_303)
    %mul3A_304 = arith.constant 640 : i32
    %mul3A_305 = arith.muli %arg1, %mul3A_304 : i32
    "tpu.region"() ({
      %run_scoped3A = tpu.sem_alloc : memref<!tpu.dma_semaphore, #tpu.memory_space<semaphore_mem>>
      %dma_start3A_306 = arith.constant 0 : i32
      %dma_start3A_307 = tpu.memref_slice %arg5[%arg0, %mul3A_305, %dma_start3A_306] : memref<2x10240x32xf32, #tpu.memory_space<hbm>> -> memref<1x640x32xf32, #tpu.memory_space<hbm>>
      %dma_start3A_308 = tpu.memref_squeeze %dma_start3A_307 : memref<1x640x32xf32, #tpu.memory_space<hbm>> -> memref<640x32xf32, #tpu.memory_space<hbm>>
      %dma_start3A_309 = arith.constant 0 : i32
      %dma_start3A_310 = tpu.memref_slice %arg13[%mul3A_305, %dma_start3A_309] : memref<10240x32xf32, #tpu.memory_space<vmem_shared>> -> memref<640x32xf32, #tpu.memory_space<vmem_shared>>
      tpu.enqueue_dma source(%dma_start3A_310 : memref<640x32xf32, #tpu.memory_space<vmem_shared>>) target(%dma_start3A_308 : memref<640x32xf32, #tpu.memory_space<hbm>>) target_semaphore(%run_scoped3A : memref<!tpu.dma_semaphore, #tpu.memory_space<semaphore_mem>>)
      %dma_wait3A_311 = arith.constant 0 : i32
      %dma_wait3A_312 = tpu.memref_slice %arg5[%arg0, %mul3A_305, %dma_wait3A_311] : memref<2x10240x32xf32, #tpu.memory_space<hbm>> -> memref<1x640x32xf32, #tpu.memory_space<hbm>>
      %dma_wait3A_313 = tpu.memref_squeeze %dma_wait3A_312 : memref<1x640x32xf32, #tpu.memory_space<hbm>> -> memref<640x32xf32, #tpu.memory_space<hbm>>
      %dma_wait3A_314 = arith.constant 0 : i32
      %dma_wait3A_315 = tpu.memref_slice %arg13[%mul3A_305, %dma_wait3A_314] : memref<10240x32xf32, #tpu.memory_space<vmem_shared>> -> memref<640x32xf32, #tpu.memory_space<vmem_shared>>
      tpu.wait_dma2 semaphore(%run_scoped3A : memref<!tpu.dma_semaphore, #tpu.memory_space<semaphore_mem>>) src(%dma_wait3A_315 : memref<640x32xf32, #tpu.memory_space<vmem_shared>>) dst(%dma_wait3A_313 : memref<640x32xf32, #tpu.memory_space<hbm>>)
      tpu.yield
    }) : () -> ()
    return
  }
}

module attributes {stable_mosaic.version = 14 : i64} {
  func.func @tc1(%arg0: memref<10000x128xf32, #tpu.memory_space<vmem>>, %arg1: memref<128x64xf32, #tpu.memory_space<vmem>>, %arg2: memref<1x64xf32, #tpu.memory_space<vmem>>, %arg3: memref<10000x64xf32, #tpu.memory_space<vmem>>) attributes {dimension_semantics = [], scalar_prefetch = 0 : i64, scratch_operands = 0 : i64, tpu.core_type = #tpu.core_type<tc>} {
    %get3A = arith.constant 0 : index
    %get3A_0 = arith.constant 0 : index
    %get3A_1 = vector.load %arg0[%get3A, %get3A_0] : memref<10000x128xf32, #tpu.memory_space<vmem>>, vector<10000x128xf32>
    %get3A_2 = arith.constant 0 : index
    %get3A_3 = arith.constant 0 : index
    %get3A_4 = vector.load %arg1[%get3A_2, %get3A_3] : memref<128x64xf32, #tpu.memory_space<vmem>>, vector<128x64xf32>
    %dot_general3A = arith.constant dense<0.000000e+00> : vector<10000x64xf32>
    %dot_general3A_5 = tpu.matmul %get3A_1, %get3A_4, %dot_general3A {dimension_numbers = #tpu.dot_dimension_numbers<[1], [0], [0], [1], [0, 0, 1, 1], [], []>, transpose_lhs_hint = false} : vector<10000x128xf32>, vector<128x64xf32>, vector<10000x64xf32> -> vector<10000x64xf32>
    %get3A_6 = arith.constant 0 : index
    %get3A_7 = arith.constant 0 : index
    %get3A_8 = vector.load %arg2[%get3A_6, %get3A_7] : memref<1x64xf32, #tpu.memory_space<vmem>>, vector<1x64xf32>
    %add3A = vector.broadcast %get3A_8 : vector<1x64xf32> to vector<10000x64xf32>
    %add3A_9 = arith.addf %dot_general3A_5, %add3A : vector<10000x64xf32>
    %max3A = arith.constant 0.000000e+00 : f32
    %max3A_10 = vector.broadcast %max3A : f32 to vector<10000x64xf32>
    %max3A_11 = arith.maximumf %add3A_9, %max3A_10 : vector<10000x64xf32>
    %swap3A = arith.constant 0 : index
    %swap3A_12 = arith.constant 0 : index
    %swap3A_13 = vector.load %arg3[%swap3A, %swap3A_12] : memref<10000x64xf32, #tpu.memory_space<vmem>>, vector<10000x64xf32>
    tpu.vector_store %arg3[%swap3A, %swap3A_12], %max3A_11 {strides = array<i32>} : memref<10000x64xf32, #tpu.memory_space<vmem>>, vector<10000x64xf32>,
    return
  }
}

module attributes {stable_mosaic.version = 14 : i64} {
  func.func @tc2(%arg0: memref<10000x128xf32, #tpu.memory_space<vmem>>, %arg1: memref<2x10240x64xf32, #tpu.memory_space<vmem>>, %arg2: memref<2x10240x16xf32, #tpu.memory_space<vmem>>, %arg3: memref<192x128xf32, #tpu.memory_space<vmem>>, %arg4: memref<1x128xf32, #tpu.memory_space<vmem>>, %arg5: memref<128x32xf32, #tpu.memory_space<vmem>>, %arg6: memref<1x32xf32, #tpu.memory_space<vmem>>, %arg7: memref<10000x128xf32, #tpu.memory_space<vmem>>, %arg8: memref<10000x32xf32, #tpu.memory_space<vmem>>) attributes {dimension_semantics = [], scalar_prefetch = 0 : i64, scratch_operands = 0 : i64, tpu.core_type = #tpu.core_type<tc>} {
    %get3A = arith.constant 0 : index
    %get3A_0 = arith.constant 0 : index
    %get3A_1 = arith.constant 0 : index
    %get3A_2 = vector.load %arg1[%get3A, %get3A_0, %get3A_1] : memref<2x10240x64xf32, #tpu.memory_space<vmem>>, vector<1x10240x64xf32>
    %get3A_3 = vector.shape_cast %get3A_2 : vector<1x10240x64xf32> to vector<10240x64xf32>
    %slice3A = vector.extract_strided_slice %get3A_3 {offsets = [0, 0], sizes = [10000, 64], strides = [1, 1]} : vector<10240x64xf32> to vector<10000x64xf32>
    %get3A_4 = arith.constant 1 : index
    %get3A_5 = arith.constant 0 : index
    %get3A_6 = arith.constant 0 : index
    %get3A_7 = vector.load %arg1[%get3A_4, %get3A_5, %get3A_6] : memref<2x10240x64xf32, #tpu.memory_space<vmem>>, vector<1x10240x64xf32>
    %get3A_8 = vector.shape_cast %get3A_7 : vector<1x10240x64xf32> to vector<10240x64xf32>
    %slice3A_9 = vector.extract_strided_slice %get3A_8 {offsets = [0, 0], sizes = [10000, 64], strides = [1, 1]} : vector<10240x64xf32> to vector<10000x64xf32>
    %add3A = arith.addf %slice3A, %slice3A_9 : vector<10000x64xf32>
    %get3A_10 = arith.constant 0 : index
    %get3A_11 = arith.constant 0 : index
    %get3A_12 = arith.constant 0 : index
    %get3A_13 = vector.load %arg2[%get3A_10, %get3A_11, %get3A_12] : memref<2x10240x16xf32, #tpu.memory_space<vmem>>, vector<1x10240x16xf32>
    %get3A_14 = vector.shape_cast %get3A_13 : vector<1x10240x16xf32> to vector<10240x16xf32>
    %slice3A_15 = vector.extract_strided_slice %get3A_14 {offsets = [0, 0], sizes = [10000, 16], strides = [1, 1]} : vector<10240x16xf32> to vector<10000x16xf32>
    %get3A_16 = arith.constant 1 : index
    %get3A_17 = arith.constant 0 : index
    %get3A_18 = arith.constant 0 : index
    %get3A_19 = vector.load %arg2[%get3A_16, %get3A_17, %get3A_18] : memref<2x10240x16xf32, #tpu.memory_space<vmem>>, vector<1x10240x16xf32>
    %get3A_20 = vector.shape_cast %get3A_19 : vector<1x10240x16xf32> to vector<10240x16xf32>
    %slice3A_21 = vector.extract_strided_slice %get3A_20 {offsets = [0, 0], sizes = [10000, 16], strides = [1, 1]} : vector<10240x16xf32> to vector<10000x16xf32>
    %add3A_22 = arith.addf %slice3A_15, %slice3A_21 : vector<10000x16xf32>
    %reduce_max3A = arith.constant dense<0xFF800000> : vector<10000xf32>
    %reduce_max3A_23 = vector.multi_reduction <maximumf>, %add3A_22, %reduce_max3A [1] : vector<10000x16xf32> to vector<10000xf32>
    %broadcast_in_dim3A = vector.shape_cast %reduce_max3A_23 : vector<10000xf32> to vector<10000x1xf32>
    %max3A = arith.constant 1.000000e+00 : f32
    %max3A_24 = vector.broadcast %max3A : f32 to vector<10000x1xf32>
    %max3A_25 = arith.maximumf %broadcast_in_dim3A, %max3A_24 : vector<10000x1xf32>
    %div3A = vector.broadcast %max3A_25 : vector<10000x1xf32> to vector<10000x64xf32>
    %div3A_26 = arith.divf %add3A, %div3A : vector<10000x64xf32>
    %get3A_27 = arith.constant 0 : index
    %get3A_28 = arith.constant 0 : index
    %get3A_29 = vector.load %arg0[%get3A_27, %get3A_28] : memref<10000x128xf32, #tpu.memory_space<vmem>>, vector<10000x128xf32>
    %get3A_30 = arith.constant 0 : index
    %get3A_31 = arith.constant 0 : index
    %get3A_32 = vector.load %arg3[%get3A_30, %get3A_31] : memref<192x128xf32, #tpu.memory_space<vmem>>, vector<128x128xf32>
    %dot_general3A = arith.constant dense<0.000000e+00> : vector<10000x128xf32>
    %dot_general3A_33 = tpu.matmul %get3A_29, %get3A_32, %dot_general3A {dimension_numbers = #tpu.dot_dimension_numbers<[1], [0], [0], [1], [0, 0, 1, 1], [], []>, transpose_lhs_hint = false} : vector<10000x128xf32>, vector<128x128xf32>, vector<10000x128xf32> -> vector<10000x128xf32>
    %get3A_34 = arith.constant 128 : index
    %get3A_35 = arith.constant 0 : index
    %get3A_36 = vector.load %arg3[%get3A_34, %get3A_35] : memref<192x128xf32, #tpu.memory_space<vmem>>, vector<64x128xf32>
    %dot_general3A_37 = arith.constant dense<0.000000e+00> : vector<10000x128xf32>
    %dot_general3A_38 = tpu.matmul %div3A_26, %get3A_36, %dot_general3A_37 {dimension_numbers = #tpu.dot_dimension_numbers<[1], [0], [0], [1], [0, 0, 1, 1], [], []>, transpose_lhs_hint = false} : vector<10000x64xf32>, vector<64x128xf32>, vector<10000x128xf32> -> vector<10000x128xf32>
    %add3A_39 = arith.addf %dot_general3A_33, %dot_general3A_38 : vector<10000x128xf32>
    %get3A_40 = arith.constant 0 : index
    %get3A_41 = arith.constant 0 : index
    %get3A_42 = vector.load %arg4[%get3A_40, %get3A_41] : memref<1x128xf32, #tpu.memory_space<vmem>>, vector<1x128xf32>
    %add3A_43 = vector.broadcast %get3A_42 : vector<1x128xf32> to vector<10000x128xf32>
    %add3A_44 = arith.addf %add3A_39, %add3A_43 : vector<10000x128xf32>
    %max3A_45 = arith.constant 0.000000e+00 : f32
    %max3A_46 = vector.broadcast %max3A_45 : f32 to vector<10000x128xf32>
    %max3A_47 = arith.maximumf %add3A_44, %max3A_46 : vector<10000x128xf32>
    %swap3A = arith.constant 0 : index
    %swap3A_48 = arith.constant 0 : index
    %swap3A_49 = vector.load %arg7[%swap3A, %swap3A_48] : memref<10000x128xf32, #tpu.memory_space<vmem>>, vector<10000x128xf32>
    tpu.vector_store %arg7[%swap3A, %swap3A_48], %max3A_47 {strides = array<i32>} : memref<10000x128xf32, #tpu.memory_space<vmem>>, vector<10000x128xf32>,
    %get3A_50 = arith.constant 0 : index
    %get3A_51 = arith.constant 0 : index
    %get3A_52 = vector.load %arg5[%get3A_50, %get3A_51] : memref<128x32xf32, #tpu.memory_space<vmem>>, vector<128x32xf32>
    %dot_general3A_53 = arith.constant dense<0.000000e+00> : vector<10000x32xf32>
    %dot_general3A_54 = tpu.matmul %max3A_47, %get3A_52, %dot_general3A_53 {dimension_numbers = #tpu.dot_dimension_numbers<[1], [0], [0], [1], [0, 0, 1, 1], [], []>, transpose_lhs_hint = false} : vector<10000x128xf32>, vector<128x32xf32>, vector<10000x32xf32> -> vector<10000x32xf32>
    %get3A_55 = arith.constant 0 : index
    %get3A_56 = arith.constant 0 : index
    %get3A_57 = vector.load %arg6[%get3A_55, %get3A_56] : memref<1x32xf32, #tpu.memory_space<vmem>>, vector<1x32xf32>
    %add3A_58 = vector.broadcast %get3A_57 : vector<1x32xf32> to vector<10000x32xf32>
    %add3A_59 = arith.addf %dot_general3A_54, %add3A_58 : vector<10000x32xf32>
    %max3A_60 = arith.constant 0.000000e+00 : f32
    %max3A_61 = vector.broadcast %max3A_60 : f32 to vector<10000x32xf32>
    %max3A_62 = arith.maximumf %add3A_59, %max3A_61 : vector<10000x32xf32>
    %swap3A_63 = arith.constant 0 : index
    %swap3A_64 = arith.constant 0 : index
    %swap3A_65 = vector.load %arg8[%swap3A_63, %swap3A_64] : memref<10000x32xf32, #tpu.memory_space<vmem>>, vector<10000x32xf32>
    tpu.vector_store %arg8[%swap3A_63, %swap3A_64], %max3A_62 {strides = array<i32>} : memref<10000x32xf32, #tpu.memory_space<vmem>>, vector<10000x32xf32>,
    return
  }
}

module attributes {stable_mosaic.version = 14 : i64} {
  func.func @tc3(%arg0: memref<10000x128xf32, #tpu.memory_space<vmem>>, %arg1: memref<2x10240x32xf32, #tpu.memory_space<vmem>>, %arg2: memref<2x10240x16xf32, #tpu.memory_space<vmem>>, %arg3: memref<160x64xf32, #tpu.memory_space<vmem>>, %arg4: memref<1x64xf32, #tpu.memory_space<vmem>>, %arg5: memref<64x32xf32, #tpu.memory_space<vmem>>, %arg6: memref<1x32xf32, #tpu.memory_space<vmem>>, %arg7: memref<32x1xf32, #tpu.memory_space<vmem>>, %arg8: memref<1x1xf32, #tpu.memory_space<vmem>>, %arg9: memref<10000x1xf32, #tpu.memory_space<vmem>>) attributes {dimension_semantics = [], scalar_prefetch = 0 : i64, scratch_operands = 0 : i64, tpu.core_type = #tpu.core_type<tc>} {
    %get3A = arith.constant 0 : index
    %get3A_0 = arith.constant 0 : index
    %get3A_1 = arith.constant 0 : index
    %get3A_2 = vector.load %arg1[%get3A, %get3A_0, %get3A_1] : memref<2x10240x32xf32, #tpu.memory_space<vmem>>, vector<1x10240x32xf32>
    %get3A_3 = vector.shape_cast %get3A_2 : vector<1x10240x32xf32> to vector<10240x32xf32>
    %slice3A = vector.extract_strided_slice %get3A_3 {offsets = [0, 0], sizes = [10000, 32], strides = [1, 1]} : vector<10240x32xf32> to vector<10000x32xf32>
    %get3A_4 = arith.constant 1 : index
    %get3A_5 = arith.constant 0 : index
    %get3A_6 = arith.constant 0 : index
    %get3A_7 = vector.load %arg1[%get3A_4, %get3A_5, %get3A_6] : memref<2x10240x32xf32, #tpu.memory_space<vmem>>, vector<1x10240x32xf32>
    %get3A_8 = vector.shape_cast %get3A_7 : vector<1x10240x32xf32> to vector<10240x32xf32>
    %slice3A_9 = vector.extract_strided_slice %get3A_8 {offsets = [0, 0], sizes = [10000, 32], strides = [1, 1]} : vector<10240x32xf32> to vector<10000x32xf32>
    %add3A = arith.addf %slice3A, %slice3A_9 : vector<10000x32xf32>
    %get3A_10 = arith.constant 0 : index
    %get3A_11 = arith.constant 0 : index
    %get3A_12 = arith.constant 0 : index
    %get3A_13 = vector.load %arg2[%get3A_10, %get3A_11, %get3A_12] : memref<2x10240x16xf32, #tpu.memory_space<vmem>>, vector<1x10240x16xf32>
    %get3A_14 = vector.shape_cast %get3A_13 : vector<1x10240x16xf32> to vector<10240x16xf32>
    %slice3A_15 = vector.extract_strided_slice %get3A_14 {offsets = [0, 0], sizes = [10000, 16], strides = [1, 1]} : vector<10240x16xf32> to vector<10000x16xf32>
    %get3A_16 = arith.constant 1 : index
    %get3A_17 = arith.constant 0 : index
    %get3A_18 = arith.constant 0 : index
    %get3A_19 = vector.load %arg2[%get3A_16, %get3A_17, %get3A_18] : memref<2x10240x16xf32, #tpu.memory_space<vmem>>, vector<1x10240x16xf32>
    %get3A_20 = vector.shape_cast %get3A_19 : vector<1x10240x16xf32> to vector<10240x16xf32>
    %slice3A_21 = vector.extract_strided_slice %get3A_20 {offsets = [0, 0], sizes = [10000, 16], strides = [1, 1]} : vector<10240x16xf32> to vector<10000x16xf32>
    %add3A_22 = arith.addf %slice3A_15, %slice3A_21 : vector<10000x16xf32>
    %reduce_max3A = arith.constant dense<0xFF800000> : vector<10000xf32>
    %reduce_max3A_23 = vector.multi_reduction <maximumf>, %add3A_22, %reduce_max3A [1] : vector<10000x16xf32> to vector<10000xf32>
    %broadcast_in_dim3A = vector.shape_cast %reduce_max3A_23 : vector<10000xf32> to vector<10000x1xf32>
    %max3A = arith.constant 1.000000e+00 : f32
    %max3A_24 = vector.broadcast %max3A : f32 to vector<10000x1xf32>
    %max3A_25 = arith.maximumf %broadcast_in_dim3A, %max3A_24 : vector<10000x1xf32>
    %div3A = vector.broadcast %max3A_25 : vector<10000x1xf32> to vector<10000x32xf32>
    %div3A_26 = arith.divf %add3A, %div3A : vector<10000x32xf32>
    %get3A_27 = arith.constant 0 : index
    %get3A_28 = arith.constant 0 : index
    %get3A_29 = vector.load %arg0[%get3A_27, %get3A_28] : memref<10000x128xf32, #tpu.memory_space<vmem>>, vector<10000x128xf32>
    %get3A_30 = arith.constant 0 : index
    %get3A_31 = arith.constant 0 : index
    %get3A_32 = vector.load %arg3[%get3A_30, %get3A_31] : memref<160x64xf32, #tpu.memory_space<vmem>>, vector<128x64xf32>
    %dot_general3A = arith.constant dense<0.000000e+00> : vector<10000x64xf32>
    %dot_general3A_33 = tpu.matmul %get3A_29, %get3A_32, %dot_general3A {dimension_numbers = #tpu.dot_dimension_numbers<[1], [0], [0], [1], [0, 0, 1, 1], [], []>, transpose_lhs_hint = false} : vector<10000x128xf32>, vector<128x64xf32>, vector<10000x64xf32> -> vector<10000x64xf32>
    %get3A_34 = arith.constant 128 : index
    %get3A_35 = arith.constant 0 : index
    %get3A_36 = vector.load %arg3[%get3A_34, %get3A_35] : memref<160x64xf32, #tpu.memory_space<vmem>>, vector<32x64xf32>
    %dot_general3A_37 = arith.constant dense<0.000000e+00> : vector<10000x64xf32>
    %dot_general3A_38 = tpu.matmul %div3A_26, %get3A_36, %dot_general3A_37 {dimension_numbers = #tpu.dot_dimension_numbers<[1], [0], [0], [1], [0, 0, 1, 1], [], []>, transpose_lhs_hint = false} : vector<10000x32xf32>, vector<32x64xf32>, vector<10000x64xf32> -> vector<10000x64xf32>
    %add3A_39 = arith.addf %dot_general3A_33, %dot_general3A_38 : vector<10000x64xf32>
    %get3A_40 = arith.constant 0 : index
    %get3A_41 = arith.constant 0 : index
    %get3A_42 = vector.load %arg4[%get3A_40, %get3A_41] : memref<1x64xf32, #tpu.memory_space<vmem>>, vector<1x64xf32>
    %add3A_43 = vector.broadcast %get3A_42 : vector<1x64xf32> to vector<10000x64xf32>
    %add3A_44 = arith.addf %add3A_39, %add3A_43 : vector<10000x64xf32>
    %max3A_45 = arith.constant 0.000000e+00 : f32
    %max3A_46 = vector.broadcast %max3A_45 : f32 to vector<10000x64xf32>
    %max3A_47 = arith.maximumf %add3A_44, %max3A_46 : vector<10000x64xf32>
    %get3A_48 = arith.constant 0 : index
    %get3A_49 = arith.constant 0 : index
    %get3A_50 = vector.load %arg5[%get3A_48, %get3A_49] : memref<64x32xf32, #tpu.memory_space<vmem>>, vector<64x32xf32>
    %dot_general3A_51 = arith.constant dense<0.000000e+00> : vector<10000x32xf32>
    %dot_general3A_52 = tpu.matmul %max3A_47, %get3A_50, %dot_general3A_51 {dimension_numbers = #tpu.dot_dimension_numbers<[1], [0], [0], [1], [0, 0, 1, 1], [], []>, transpose_lhs_hint = false} : vector<10000x64xf32>, vector<64x32xf32>, vector<10000x32xf32> -> vector<10000x32xf32>
    %get3A_53 = arith.constant 0 : index
    %get3A_54 = arith.constant 0 : index
    %get3A_55 = vector.load %arg6[%get3A_53, %get3A_54] : memref<1x32xf32, #tpu.memory_space<vmem>>, vector<1x32xf32>
    %add3A_56 = vector.broadcast %get3A_55 : vector<1x32xf32> to vector<10000x32xf32>
    %add3A_57 = arith.addf %dot_general3A_52, %add3A_56 : vector<10000x32xf32>
    %max3A_58 = arith.constant 0.000000e+00 : f32
    %max3A_59 = vector.broadcast %max3A_58 : f32 to vector<10000x32xf32>
    %max3A_60 = arith.maximumf %add3A_57, %max3A_59 : vector<10000x32xf32>
    %get3A_61 = arith.constant 0 : index
    %get3A_62 = arith.constant 0 : index
    %get3A_63 = vector.load %arg7[%get3A_61, %get3A_62] : memref<32x1xf32, #tpu.memory_space<vmem>>, vector<32x1xf32>
    %dot_general3A_64 = arith.constant dense<0.000000e+00> : vector<10000x1xf32>
    %dot_general3A_65 = tpu.matmul %max3A_60, %get3A_63, %dot_general3A_64 {dimension_numbers = #tpu.dot_dimension_numbers<[1], [0], [0], [1], [0, 0, 1, 1], [], []>, transpose_lhs_hint = false} : vector<10000x32xf32>, vector<32x1xf32>, vector<10000x1xf32> -> vector<10000x1xf32>
    %get3A_66 = arith.constant 0 : index
    %get3A_67 = arith.constant 0 : index
    %get3A_68 = vector.load %arg8[%get3A_66, %get3A_67] : memref<1x1xf32, #tpu.memory_space<vmem>>, vector<1x1xf32>
    %add3A_69 = vector.broadcast %get3A_68 : vector<1x1xf32> to vector<10000x1xf32>
    %add3A_70 = arith.addf %dot_general3A_65, %add3A_69 : vector<10000x1xf32>
    %swap3A = arith.constant 0 : index
    %swap3A_71 = arith.constant 0 : index
    %swap3A_72 = vector.load %arg9[%swap3A, %swap3A_71] : memref<10000x1xf32, #tpu.memory_space<vmem>>, vector<10000x1xf32>
    tpu.vector_store %arg9[%swap3A, %swap3A_71], %add3A_70 {strides = array<i32>} : memref<10000x1xf32, #tpu.memory_space<vmem>>, vector<10000x1xf32>,
    return
  }
}

</mosaic_0001>

<sc_bundles>
// kernel: kernel.10.cloned.1.call-start
scs
__scs_entry_jumppad:
0x0: {  	(pc) =	sbr.rel $0x88, $3  }
0x1: {  	(tag) =	ssettag $0x0;
	lr =	simm.s32 $0x1  }
0x2: {  	[smem:$0x3F93] =	sst lr;
	_ =	strace $0xD0000000  }
0x3: {  	_ = 	snop  }
0x4: {  	_ = 	snop  }
0x5: {  	_ = 	snop  }
0x6: {  	_ = 	snop  }
0x7: {  	_ = 	snop  }
__scs_overlays_trampoline_lowered:
0x8: {  	[smem:$0x3FA2] =	sst s0  }
0x9: {  	[smem:$0x3FA3] =	sst s1  }
0xa: {  	[smem:$0x3FA4] =	sst s2  }
0xb: {  	[smem:$0x3FA5] =	sst s3  }
0xc: {  	[smem:$0x3FA6] =	sst s4  }
0xd: {  	[smem:$0x3FA7] =	sst s5  }
0xe: {  	[smem:$0x3FA8] =	sst s6  }
0xf: {  	[smem:$0x3FA9] =	sst s7  }
0x10: {  	[smem:$0x3FAA] =	sst s8  }
0x11: {  	[smem:$0x3FAB] =	sst s9;
	s0 =	simm.s32 @!p0 $0x0  }
0x12: {  	s1 =	sld [smem:$0x3F91];
	s0 =	simm.s32 @p0 $0x1  }
0x13: {  	[smem:$0x3FAC] =	sst s0;
	s0 =	simm.s32 @!p1 $0x0  }
0x14: {  	s2 =	sld [smem:$0x3F90];
	s0 =	simm.s32 @p1 $0x1  }
0x15: {  	[smem:$0x3FAD] =	sst s0;
	s0 =	simm.s32 @!p2 $0x0  }
0x16: {  	s3 =	sld [smem:$0x3FDB];
	s0 =	simm.s32 @p2 $0x1  }
0x17: {  	s4 =	simm.s32 $0x1BF5;
	[smem:$0x3FAF] =	sst s0  }
0x18: {  	s0 =	sld [smem:$0x3F92];
	_ =	swait.ge [sflag:s4], $0x0  }
0x19: {  	s7 =	sld [smem:$0x3F93]  }
0x1a: {  	s8 =	sadd.s32 $0xFFFFE003, lr  }
0x1b: {  	s9 =	sadd.s32 $0xFFFFFEF7, lr;
	s5 =	simm.s32 $0xFFFFFFFF;
	p2 =	slt.u32 s8, $0xFFFFF086  }
0x1c: {  	p1 =	slt.u32 s9, $0xF7A;
	s5 =	simm.s32 @!p2 $0x0  }
0x1d: {  	s5 =	simm.s32 @p1 $0x1;
	p0 =	seq.s32 s7, s2  }
0x1e: {  	s7 =	smul.u32 @!p0 $0xF7A, s2;
	p2 =	seq.s32 @!p0 s5, $0x0  }
0x1f: {  	s9 =	smul.u32 $0xF7A, s1;
	s8 =	simm.s32 @!p0 $0x1BF5;
	p2 =	por !p2, p0  }
0x20: {  	[sflag:s8] =	ssyncset.s32 @!p0 $0xFFFFF086;
	s6 =	sadd.s32 @!p0 s3, s7;
	s7 =	simm.s32 @!p0 $0x108  }
0x21: {  	s3 =	sadd.s32 s3, s9;
	s6 =	sadd.s32 @!p0 $0x88, s6;
	s7 =	simm.s32 @p2 $0x1082  }
0x22: {  	[simem:s7], [sflag:s8] =	dma.local @!p0 [hbm:s6], $0xF7A  }
0x23: {  	s9 =	sor.u32 $0xD0000000, s2;
	s6 =	simm.s32 $0x108;
	_ =	swait.ge @!p0 [sflag:s8], $0x0  }
0x24: {  	s3 =	sadd.s32 $0x88, s3;
	s6 =	simm.s32 @!p1 $0x1082;
	[sflag:s4] =	ssyncset.s32 $0xFFFFF086  }
0x25: {  	[simem:s6], [sflag:s4] =	dma.local [hbm:s3], $0xF7A  }
0x26: {  	[smem:$0x3F93] =	sst s1;
	(tag) =	ssettag s2;
	_ =	strace s9  }
0x27: {  	s1 =	sld [smem:$0x3FA3]  }
0x28: {  	s2 =	sld [smem:$0x3FA4]  }
0x29: {  	s4 =	sld [smem:$0x3FA6]  }
0x2a: {  	p0 =	seq.s32 s5, $0x0;
	s5 =	sld [smem:$0x3FA7]  }
0x2b: {  	s6 =	sld [smem:$0x3FA8]  }
0x2c: {  	s7 =	sld [smem:$0x3FA9]  }
0x2d: {  	s3 =	simm.s32 $0x108;
	s8 =	sld [smem:$0x3FAA]  }
0x2e: {  	s3 =	simm.s32 @!p0 $0x1082;
	s9 =	sld [smem:$0x3FAB]  }
0x2f: {  	lr =	sadd.s32 s0, s3;
	s0 =	sld [smem:$0x3FA2]  }
0x30: {  	s3 =	sld [smem:$0x3FA5]  }
0x31: {  	[smem:$0x3FAE] =	sst s10  }
0x32: {  	s10 =	sld [smem:$0x3FAC];
	_ =	sdelay $0x3  }
0x33: {  	p0 =	seq.s32 s10, $0x1;
	s10 =	sld [smem:$0x3FAE];
	_ =	sdelay $0x3  }
0x34: {  	[smem:$0x3FAE] =	sst s10  }
0x35: {  	s10 =	sld [smem:$0x3FAD];
	_ =	sdelay $0x3  }
0x36: {  	p1 =	seq.s32 s10, $0x1;
	s10 =	sld [smem:$0x3FAE];
	_ =	sdelay $0x3  }
0x37: {  	[smem:$0x3FAE] =	sst s10  }
0x38: {  	s10 =	sld [smem:$0x3FAF]  }
0x39: {  	_ = 	snop;
	(pc) =	sbr.ind lr, $3  }
0x3a: {  	_ = 	snop  }
0x3b: {  	_ = 	snop  }
0x3c: {  	p2 =	seq.s32 s10, $0x1;
	s10 =	sld [smem:$0x3FAE]  }
0x3d: {  	_ =	shalt  }
0x3e: {  	_ =	shalt  }
0x3f: {  	_ =	shalt  }
0x40: {  	_ =	shalt  }
0x41: {  	_ =	shalt  }
0x42: {  	_ =	shalt  }
0x43: {  	_ =	shalt  }
0x44: {  	_ =	shalt  }
0x45: {  	_ =	shalt  }
0x46: {  	_ =	shalt  }
0x47: {  	_ =	shalt  }
0x48: {  	_ =	shalt  }
0x49: {  	_ =	shalt  }
0x4a: {  	_ =	shalt  }
0x4b: {  	_ =	shalt  }
0x4c: {  	_ =	shalt  }
0x4d: {  	_ =	shalt  }
0x4e: {  	_ =	shalt  }
0x4f: {  	_ =	shalt  }
0x50: {  	_ =	shalt  }
0x51: {  	_ =	shalt  }
0x52: {  	_ =	shalt  }
0x53: {  	_ =	shalt  }
0x54: {  	_ =	shalt  }
0x55: {  	_ =	shalt  }
0x56: {  	_ =	shalt  }
0x57: {  	_ =	shalt  }
0x58: {  	_ =	shalt  }
0x59: {  	_ =	shalt  }
0x5a: {  	_ =	shalt  }
0x5b: {  	_ =	shalt  }
0x5c: {  	_ =	shalt  }
0x5d: {  	_ =	shalt  }
0x5e: {  	_ =	shalt  }
0x5f: {  	_ =	shalt  }
0x60: {  	_ =	shalt  }
0x61: {  	_ =	shalt  }
0x62: {  	_ =	shalt  }
0x63: {  	_ =	shalt  }
0x64: {  	_ =	shalt  }
0x65: {  	_ =	shalt  }
0x66: {  	_ =	shalt  }
0x67: {  	_ =	shalt  }
0x68: {  	_ =	shalt  }
0x69: {  	_ =	shalt  }
0x6a: {  	_ =	shalt  }
0x6b: {  	_ =	shalt  }
0x6c: {  	_ =	shalt  }
0x6d: {  	_ =	shalt  }
0x6e: {  	_ =	shalt  }
0x6f: {  	_ =	shalt  }
0x70: {  	_ =	shalt  }
0x71: {  	_ =	shalt  }
0x72: {  	_ =	shalt  }
0x73: {  	_ =	shalt  }
0x74: {  	_ =	shalt  }
0x75: {  	_ =	shalt  }
0x76: {  	_ =	shalt  }
0x77: {  	_ =	shalt  }
0x78: {  	_ =	shalt  }
0x79: {  	_ =	shalt  }
0x7a: {  	_ =	shalt  }
0x7b: {  	_ =	shalt  }
0x7c: {  	_ =	shalt  }
0x7d: {  	_ =	shalt  }
0x7e: {  	_ =	shalt  }
0x7f: {  	_ =	shalt  }
0x80: {  	_ =	shalt  }
0x81: {  	_ =	shalt  }
0x82: {  	_ =	shalt  }
0x83: {  	_ =	shalt  }
0x84: {  	_ =	shalt  }
0x85: {  	_ =	shalt  }
0x86: {  	_ =	shalt  }
0x87: {  	_ =	shalt  }
.Lfunc_end0:
.L_simem_size_0:
called_computation.1_lowered:
.L_overlay_start_0:
0x88: {  	s2 =	sld [smem:$0x3FD9]  }
0x89: {  	s3 =	sld [smem:$0x3FFE];
	_ =	sdelay $0x1  }
0x8a: {  	s1 =	srdreg.scid  }
0x8b: {  	s0 =	sand.u32 $0x1, s1  }
0x8c: {  	s16 =	sshll.u32 s0, $0xA;
	s2 =	sadd.s32 s3, s2  }
0x8d: {  	s2 =	sadd.s32 s2, s16  }
0x8e: {  	[smem:$0x3FBA] =	sst s2  }
0x8f: {  	_ = 	snop  }
0x90: {  	(tm) =	ssettm $0x1  }
0x91: {  	s17 =	sld [smem:$0x3FFB];
	_ =	sdelay $0x3  }
0x92: {  	_ =	strace s17  }
0x93: {  	s2 =	sld [smem:$0x3FFC];
	_ =	sdelay $0x3  }
0x94: {  	_ =	strace s2  }
0x95: {  	s2 =	sld [smem:$0x3FFD];
	_ =	sdelay $0x3  }
0x96: {  	_ =	strace s2  }
0x97: {  	_ =	strace $0x8FFFFFFF  }
0x98: {  	s18 =	sld [smem:$0x3FDB];
	_ =	sdelay $0x1  }
0x99: {  	s19 =	simm.s32 $_scs_section_size  }
0x9a: {  	s4 =	simm.s32 $_size__tile_overlayer_lowered;
	s5 =	simm.s32 $_tile_overlayer_lowered  }
0x9b: {  	s22 =	simm.s32 $0x1BFF;
	s21 =	sshll.u32 s5, $0x1;
	s2 =	sadd.s32 s19, s18  }
0x9c: {  	s6 =	simm.s32 $0x0;
	s20 =	sshll.u32 s4, $0x1;
	s4 =	sadd.s32 s21, s2  }
0x9d: {  	[timem:s6], [sflag:s22] =	dma.local [hbm:s4], s20  }
0x9e: {  	_ =	swait.ge [sflag:s22], s20  }
0x9f: {  	s3 =	ssub.s32 $0x0, s20;
	[sflag:s22] =	ssyncset.done $0x0  }
0xa0: {  	[sflag:s22] =	ssyncadd.s32 s3;
	_ =	sdelay $0x1  }
0xa1: {  	s23 =	simm.s32 $0x1B8B  }
0xa2: {  	_ =	swait.ge [sflag:s23], $0x1  }
0xa3: {  	[sflag:s23] =	ssyncset.done $0x0  }
0xa4: {  	s25 =	simm.s32 $0x1B8E;
	s24 =	sld [smem:$0x3FFE];
	[sflag:s23] =	ssyncadd.s32 $0xFFFFFFFF  }
0xa5: {  	s26 =	simm.s32 $execute0_lowered;
	[smem:$0x3FD2] =	sst s25  }
0xa6: {  	s4 =	sshll.u32 s26, $0x1;
	_ =	strace $0x80000049;
	[dreg:$0x1] =	wrdreg $0xFFFFFFFF  }
0xa7: {  	s28 =	simm.s32 $_size_execute0_lowered;
	s2 =	sadd.s32 s2, s4;
	[dreg:$0x0] =	wrdreg $0x0  }
0xa8: {  	s4 =	sshll.u32 s28, $0x1;
	[dreg:$0x2] =	wrdreg s2  }
0xa9: {  	[dreg:$0x3] =	wrdreg s4  }
0xaa: {  	[dreg:$0x4] =	wrdreg $0xC0  }
0xab: {  	_ =	task [dreg:s6], $0x5FFFF  }
0xac: {  	[dreg:$0x1] =	wrdreg $0xFFFFFFFF  }
0xad: {  	[dreg:$0x0] =	wrdreg $0x60  }
0xae: {  	[dreg:$0x2] =	wrdreg s24  }
0xaf: {  	[dreg:$0x3] =	wrdreg $0xF8000  }
0xb0: {  	[dreg:$0x4] =	wrdreg $0x9  }
0xb1: {  	_ =	task.clear_ibuf [dreg:s6], $0x5FFFF;
	_ =	strace $0x90000049  }
0xb2: {  	s29 =	simm.s32 $0x9;
	_ =	strace $0x8000004B  }
0xb3: {  	_ =	swait.ge [sflag:s29], $0x1  }
0xb4: {  	[sflag:s29] =	ssyncadd.s32 $0xFFFFFFFF  }
0xb5: {  	_ =	strace $0x9000004B  }
0xb6: {  	_ =	sfence  }
0xb7: {  	s30 =	sld [smem:$0x0];
	_ =	sdelay $0x2  }
0xb8: {  	s31 =	sshll.u32 s1, $0xD;
	s1 =	sshrl.u32 s1, $0x2  }
0xb9: {  	s3 =	sand.u32 $0x4000, s31;
	s1 =	sadd.s32 s1, s30  }
0xba: {  	s0 =	sor.u32 s3, s0;
	s1 =	sshll.u32 s1, $0x11  }
0xbb: {  	s0 =	sor.u32 s1, s0  }
0xbc: {  	s0 =	sadd.s32 $0x8F2B, s0  }
0xbd: {  	[sflag:s0] =	ssyncadd.remote.s32 $0x1  }
0xbe: {  	_ =	sfence.sel $0xFFFF  }
0xbf: {  	[dreg:$0x0] =	wrdreg $0xFFFFFFFF;
	(pc) =	sbr.abs _section_cstart, $3  }
0xc0: {  	[dreg:$0x1] =	wrdreg $0xFFFFFFFF  }
0xc1: {  	_ =	task.clear_ibuf [dreg:s6], $0x2FFFF;
	_ =	strace $0x9FFFFFFF  }
0xc2: {  	(tm) =	ssettm $0x7FFFFFFF  }
0xc3: {  	_ =	shalt  }
tec
execute0_lowered:
.L_overlay_start_1:
0x0: {  	(tag) =	ssettag $0x1  }
0x1: {  	s0 =	rddreg [dreg:$0x0]  }
0x2: {  	s2 =	rddreg [dreg:$0x1];
	s4 =	simm.s32 $0x0;
	s1 =	srdreg.scid  }
0x3: {  	s7 =	stileid.u32;
	s28 =	simm.s32 $0x7000;
	s30 =	simm.s32 $0x8000  }
0x4: {  	s29 =	simm.s32 $0xB000;
	s31 =	simm.s32 $0xC000;
	s1 =	sand.u32 $0x1, s1  }
0x5: {  	s3 =	sshll.u32 s7, $0x1;
	s5 =	smul.u32 $0x5000, s7;
	[smem:$0x7FF] =	sst s4  }
0x6: {  	s4 =	sadd.s32 $0x1E00, s0;
	s7 =	smul.u32 $0x14000, s7;
	s3 =	sor.u32 s1, s3  }
0x7: {  	s6 =	smul.u32 $0x50000, s1;
	_ =	strace $0x8000004A;
	s1 =	ssub.s32 $0x2, s1  }
0x8: {  	s3 =	smul.u32 $0x500, s3;
	s8 =	sshrl.u32 s1, $0x1;
	s17 =	sshrl.u32 s7, $0x2  }
0x9: {  	s7 =	sadd.s32 s5, s2;
	s6 =	sadd.s32 s5, s6;
	s19 =	sadd.s32 s17, s2  }
0xa: {  	s1 =	ssub.s32 s1, s8;
	s5 =	simm.s32 $0x4;
	s20 =	sadd.s32 $0x800, s19  }
0xb: {  	s3 =	sadd.s32 s3, s0;
	s21 =	sadd.s32 $0x1000, s19;
	[dreg:$0x5] =	wrdreg s20  }
0xc: {  	s6 =	sshrl.u32 s6, $0x3;
	s22 =	sadd.s32 $0x1800, s19;
	[dreg:$0x6] =	wrdreg s21  }
0xd: {  	s23 =	sadd.s32 $0x2000, s19;
	s24 =	sadd.s32 $0x2800, s19;
	[dreg:$0x7] =	wrdreg s22  }
0xe: {  	s25 =	sadd.s32 $0x3000, s19;
	s26 =	sadd.s32 $0x3800, s19;
	[dreg:$0x8] =	wrdreg s23  }
0xf: {  	s15 =	sadd.s32 $0x4000, s19;
	s16 =	sadd.s32 $0x4800, s19;
	[dreg:$0x9] =	wrdreg s24  }
0x10: {  	s19 =	simm.s32 $0x1;
	s0 =	sadd.s32 s6, s0;
	[dreg:$0xa] =	wrdreg s25  }
0x11: {  	s18 =	sadd.s32 $0x1F800, s3;
	s3 =	sadd.s32 $0x15800, s3;
	[dreg:$0xb] =	wrdreg s26  }
0x12: {  	s20 =	simm.s32 $0xF000;
	s21 =	simm.s32 $0x2;
	s22 =	simm.s32 $0x3  }
0x13: {  	s23 =	simm.s32 $0x80;
	s24 =	simm.s32 $0x5000;
	s25 =	simm.s32 $0x6000  }
0x14: {  	s26 =	simm.s32 $0xA000;
	s6 =	simm.s32 $0x0;
	[dreg:$0x3] =	wrdreg s18  }
0x15: {  	[dreg:$0x4] =	wrdreg s3;
	s17 =	sadd.s32 $0x29800, s0;
	s18 =	smax.u32 s1, $0x1  }
0x16: {  	v0 =	vimm.f32 $0.0e+00;
	s0 =	simm.s32 $0x9000;
	s1 =	simm.s32 $0xD000;
	s3 =	simm.s32 $0xE000  }
.LBB2_1:
0x17: {  	s8 =	simm.s32 $0x0;
	s9 =	rddreg [dreg:$0x3]  }
0x18: {  	[tilespmem:s8], [sflag:$0x3] =	stream.linear.gather [hbm4b:s9+s8], $0x2800, $0x38;
	[tilespmem:$0x14800] =	vst v63  }
0x19: {  	s14 =	rddreg [dreg:$0x4];
	s10 =	simm.s32 $0x2800  }
0x1a: {  	[tilespmem:s10], [sflag:$0x3] =	stream.linear.gather [hbm4b:s14+s8], $0x2800, $0x38;
	[tilespmem:$0x14800] =	vst v63  }
0x1b: {  	s9 =	simm.s32 $0x0;
	s8 =	simm.s32 $0x80  }
.LBB2_2:
0x1c: {  	p0 =	sne.s32 s8, $0x1F80;
	[tilespmem:s9+$0xF000] =	vst v0;
	s10 =	smov.u32 s8;
	s8 =	sadd.s32 $0x80, s8  }
.Ltmp0:
0x1d: {  	[tilespmem:s9+$0xF010] =	vst v0;
	(pc) =	sbr.rel @p0 .LBB2_2-.Ltmp0, $2  }
0x1e: {  	_ =	sdelay $0x2  }
0x1f: {  	s9 =	sshra.s32 s10, $0x2  }
0x20: {  	[tilespmem:s9+$0xF000] =	vst v0  }
0x21: {  	[tilespmem:s9+$0xF010] =	vst v0  }
0x22: {  	[spmem:s7] =	stream.linear.scatter [tilespmem:s20], [sflag:$0x2], $0x800, $0x38;
	[tilespmem:$0x14800] =	vst v63  }
0x23: {  	s8 =	rddreg [dreg:$0x5]  }
0x24: {  	[spmem:s8] =	stream.linear.scatter [tilespmem:s20], [sflag:$0x2], $0x800, $0x38;
	[tilespmem:$0x14800] =	vst v63  }
0x25: {  	s9 =	rddreg [dreg:$0x6]  }
0x26: {  	[spmem:s9] =	stream.linear.scatter [tilespmem:s20], [sflag:$0x2], $0x800, $0x38;
	[tilespmem:$0x14800] =	vst v63  }
0x27: {  	s10 =	rddreg [dreg:$0x7]  }
0x28: {  	[spmem:s10] =	stream.linear.scatter [tilespmem:s20], [sflag:$0x2], $0x800, $0x38;
	[tilespmem:$0x14800] =	vst v63  }
0x29: {  	s11 =	rddreg [dreg:$0x8]  }
0x2a: {  	[spmem:s11] =	stream.linear.scatter [tilespmem:s20], [sflag:$0x2], $0x800, $0x38;
	[tilespmem:$0x14800] =	vst v63  }
0x2b: {  	s12 =	rddreg [dreg:$0x9]  }
0x2c: {  	[spmem:s12] =	stream.linear.scatter [tilespmem:s20], [sflag:$0x2], $0x800, $0x38;
	[tilespmem:$0x14800] =	vst v63  }
0x2d: {  	s13 =	rddreg [dreg:$0xa]  }
0x2e: {  	[spmem:s13] =	stream.linear.scatter [tilespmem:s20], [sflag:$0x2], $0x800, $0x38;
	[tilespmem:$0x14800] =	vst v63  }
0x2f: {  	s14 =	rddreg [dreg:$0xb]  }
0x30: {  	[spmem:s14] =	stream.linear.scatter [tilespmem:s20], [sflag:$0x2], $0x800, $0x38;
	[tilespmem:$0x14800] =	vst v63  }
0x31: {  	_ = 	snop  }
0x32: {  	[spmem:s15] =	stream.linear.scatter [tilespmem:s20], [sflag:$0x2], $0x800, $0x38;
	[tilespmem:$0x14800] =	vst v63  }
0x33: {  	_ = 	snop  }
0x34: {  	[spmem:s16] =	stream.linear.scatter [tilespmem:s20], [sflag:$0x2], $0x800, $0x38;
	[tilespmem:$0x14800] =	vst v63  }
0x35: {  	_ =	swait.ge [sflag:s21], $0x800  }
0x36: {  	[sflag:s21] =	ssyncset.done $0x0  }
0x37: {  	[sflag:s21] =	ssyncadd.s32 $0xFFFFF800  }
0x38: {  	_ =	swait.ge [sflag:s21], $0x800  }
0x39: {  	[sflag:s21] =	ssyncset.done $0x0  }
0x3a: {  	[sflag:s21] =	ssyncadd.s32 $0xFFFFF800  }
0x3b: {  	_ =	swait.ge [sflag:s21], $0x800  }
0x3c: {  	[sflag:s21] =	ssyncset.done $0x0  }
0x3d: {  	[sflag:s21] =	ssyncadd.s32 $0xFFFFF800  }
0x3e: {  	_ =	swait.ge [sflag:s21], $0x800  }
0x3f: {  	[sflag:s21] =	ssyncset.done $0x0  }
0x40: {  	[sflag:s21] =	ssyncadd.s32 $0xFFFFF800  }
0x41: {  	_ =	swait.ge [sflag:s21], $0x800  }
0x42: {  	[sflag:s21] =	ssyncset.done $0x0  }
0x43: {  	[sflag:s21] =	ssyncadd.s32 $0xFFFFF800  }
0x44: {  	_ =	swait.ge [sflag:s21], $0x800  }
0x45: {  	[sflag:s21] =	ssyncset.done $0x0  }
0x46: {  	[sflag:s21] =	ssyncadd.s32 $0xFFFFF800  }
0x47: {  	_ =	swait.ge [sflag:s21], $0x800  }
0x48: {  	[sflag:s21] =	ssyncset.done $0x0  }
0x49: {  	[sflag:s21] =	ssyncadd.s32 $0xFFFFF800  }
0x4a: {  	_ =	swait.ge [sflag:s21], $0x800  }
0x4b: {  	[sflag:s21] =	ssyncset.done $0x0  }
0x4c: {  	[sflag:s21] =	ssyncadd.s32 $0xFFFFF800  }
0x4d: {  	_ =	swait.ge [sflag:s21], $0x800  }
0x4e: {  	[sflag:s21] =	ssyncset.done $0x0  }
0x4f: {  	[sflag:s21] =	ssyncadd.s32 $0xFFFFF800  }
0x50: {  	_ =	swait.ge [sflag:s21], $0x800  }
0x51: {  	[sflag:s21] =	ssyncset.done $0x0  }
0x52: {  	[sflag:s21] =	ssyncadd.s32 $0xFFFFF800  }
0x53: {  	_ =	swait.ge [sflag:s22], $0x2800  }
0x54: {  	[sflag:s22] =	ssyncset.done $0x0  }
0x55: {  	[sflag:s22] =	ssyncadd.s32 $0xFFFFD800  }
0x56: {  	_ =	swait.ge [sflag:s22], $0x2800  }
0x57: {  	[sflag:s22] =	ssyncset.done $0x0  }
0x58: {  	[sflag:s22] =	ssyncadd.s32 $0xFFFFD800  }
0x59: {  	s9 =	simm.s32 $0x0;
	[bflag:$0x0] =	sbarrier.arrive $0xFFFF  }
0x5a: {  	[tilespmem:s24], [sflag:$0x1] =	stream.indirect.gather [hbm4b:s4+s23], $0x20, s9, s23, $0xb8;
	[tilespmem:$0x14800] =	vst v63  }
0x5b: {  	_ = 	snop  }
0x5c: {  	[tilespmem:s25], [sflag:$0x1] =	stream.indirect.gather [hbm4b:s4+s23], $0x20, s23, s23, $0xb8;
	[tilespmem:$0x14800] =	vst v63  }
0x5d: {  	s10 =	simm.s32 $0x100  }
0x5e: {  	[tilespmem:s28], [sflag:$0x1] =	stream.indirect.gather [hbm4b:s4+s23], $0x20, s10, s23, $0xb8;
	[tilespmem:$0x14800] =	vst v63  }
0x5f: {  	s11 =	simm.s32 $0x180  }
0x60: {  	[tilespmem:s30], [sflag:$0x1] =	stream.indirect.gather [hbm4b:s4+s23], $0x20, s11, s23, $0xb8;
	[tilespmem:$0x14800] =	vst v63  }
0x61: {  	s12 =	simm.s32 $0x200  }
0x62: {  	[tilespmem:s0], [sflag:$0x1] =	stream.indirect.gather [hbm4b:s4+s23], $0x20, s12, s23, $0xb8;
	[tilespmem:$0x14800] =	vst v63  }
0x63: {  	_ =	swait.ge [sflag:s19], $0x1000  }
0x64: {  	[sflag:s19] =	ssyncset.done $0x0  }
0x65: {  	[sflag:s19] =	ssyncadd.s32 $0xFFFFF000  }
0x66: {  	_ =	swait.ge [sflag:s19], $0x1000  }
0x67: {  	[sflag:s19] =	ssyncset.done $0x0  }
0x68: {  	[sflag:s19] =	ssyncadd.s32 $0xFFFFF000  }
0x69: {  	_ =	swait.ge [sflag:s19], $0x1000  }
0x6a: {  	[sflag:s19] =	ssyncset.done $0x0  }
0x6b: {  	[sflag:s19] =	ssyncadd.s32 $0xFFFFF000  }
0x6c: {  	_ =	swait.ge [sflag:s19], $0x1000  }
0x6d: {  	[sflag:s19] =	ssyncset.done $0x0  }
0x6e: {  	[sflag:s19] =	ssyncadd.s32 $0xFFFFF000  }
0x6f: {  	_ =	swait.ge [sflag:s19], $0x1000  }
0x70: {  	p0 =	por $0x1, $0x1;
	[sflag:s19] =	ssyncset.done $0x0  }
0x71: {  	s8 =	simm.s32 @!p0 $0x2;
	[sflag:s19] =	ssyncadd.s32 $0xFFFFF000  }
0x72: {  	_ =	swait.ge @!p0 [sflag:s8], $0x1000  }
0x73: {  	[sflag:s8] =	ssyncset.done @!p0 $0x0  }
0x74: {  	[sflag:s8] =	ssyncadd.s32 @!p0 $0xFFFFF000  }
0x75: {  	_ =	swait.ge @!p0 [sflag:s8], $0x1000  }
0x76: {  	[sflag:s8] =	ssyncset.done @!p0 $0x0  }
0x77: {  	[sflag:s8] =	ssyncadd.s32 @!p0 $0xFFFFF000  }
0x78: {  	_ =	swait.ge @!p0 [sflag:s8], $0x1000  }
0x79: {  	[sflag:s8] =	ssyncset.done @!p0 $0x0  }
0x7a: {  	[sflag:s8] =	ssyncadd.s32 @!p0 $0xFFFFF000  }
0x7b: {  	_ =	swait.ge @!p0 [sflag:s8], $0x1000  }
0x7c: {  	[sflag:s8] =	ssyncset.done @!p0 $0x0  }
0x7d: {  	[sflag:s8] =	ssyncadd.s32 @!p0 $0xFFFFF000  }
0x7e: {  	_ =	swait.ge @!p0 [sflag:s8], $0x1000  }
0x7f: {  	[sflag:s8] =	ssyncset.done @!p0 $0x0  }
0x80: {  	s13 =	simm.s32 $0x280;
	[sflag:s8] =	ssyncadd.s32 @!p0 $0xFFFFF000  }
0x81: {  	[tilespmem:s26], [sflag:$0x1] =	stream.indirect.gather [hbm4b:s4+s23], $0x20, s13, s23, $0xb8;
	[tilespmem:$0x14800] =	vst v63  }
0x82: {  	s14 =	simm.s32 $0x300  }
0x83: {  	[tilespmem:s29], [sflag:$0x1] =	stream.indirect.gather [hbm4b:s4+s23], $0x20, s14, s23, $0xb8;
	[tilespmem:$0x14800] =	vst v63  }
0x84: {  	s9 =	simm.s32 $0x380  }
0x85: {  	[tilespmem:s31], [sflag:$0x1] =	stream.indirect.gather [hbm4b:s4+s23], $0x20, s9, s23, $0xb8;
	[tilespmem:$0x14800] =	vst v63  }
0x86: {  	s10 =	simm.s32 $0x400  }
0x87: {  	[tilespmem:s1], [sflag:$0x1] =	stream.indirect.gather [hbm4b:s4+s23], $0x20, s10, s23, $0xb8;
	[tilespmem:$0x14800] =	vst v63  }
0x88: {  	s11 =	simm.s32 $0x480  }
0x89: {  	[tilespmem:s3], [sflag:$0x1] =	stream.indirect.gather [hbm4b:s4+s23], $0x20, s11, s23, $0xb8;
	[tilespmem:$0x14800] =	vst v63  }
0x8a: {  	s12 =	simm.s32 $0x2800  }
0x8b: {  	[spmem:s2] =	stream.indirect.scatter.add.f32 [tilespmem:s24], [sflag:$0x2], $0x20, s12, s23, $0xb8;
	[tilespmem:$0x14800] =	vst v63  }
0x8c: {  	s13 =	simm.s32 $0x2880  }
0x8d: {  	[spmem:s2] =	stream.indirect.scatter.add.f32 [tilespmem:s25], [sflag:$0x2], $0x20, s13, s23, $0xb8;
	[tilespmem:$0x14800] =	vst v63  }
0x8e: {  	s14 =	simm.s32 $0x2900  }
0x8f: {  	[spmem:s2] =	stream.indirect.scatter.add.f32 [tilespmem:s28], [sflag:$0x2], $0x20, s14, s23, $0xb8;
	[tilespmem:$0x14800] =	vst v63  }
0x90: {  	s9 =	simm.s32 $0x2980  }
0x91: {  	[spmem:s2] =	stream.indirect.scatter.add.f32 [tilespmem:s30], [sflag:$0x2], $0x20, s9, s23, $0xb8;
	[tilespmem:$0x14800] =	vst v63  }
0x92: {  	s10 =	simm.s32 $0x2A00  }
0x93: {  	[spmem:s2] =	stream.indirect.scatter.add.f32 [tilespmem:s0], [sflag:$0x2], $0x20, s10, s23, $0xb8;
	[tilespmem:$0x14800] =	vst v63  }
0x94: {  	_ =	swait.ge [sflag:s19], $0x1000  }
0x95: {  	[sflag:s19] =	ssyncset.done $0x0  }
0x96: {  	[sflag:s19] =	ssyncadd.s32 $0xFFFFF000  }
0x97: {  	_ =	swait.ge [sflag:s19], $0x1000  }
0x98: {  	[sflag:s19] =	ssyncset.done $0x0  }
0x99: {  	[sflag:s19] =	ssyncadd.s32 $0xFFFFF000  }
0x9a: {  	_ =	swait.ge [sflag:s19], $0x1000  }
0x9b: {  	[sflag:s19] =	ssyncset.done $0x0  }
0x9c: {  	[sflag:s19] =	ssyncadd.s32 $0xFFFFF000  }
0x9d: {  	_ =	swait.ge [sflag:s19], $0x1000  }
0x9e: {  	[sflag:s19] =	ssyncset.done $0x0  }
0x9f: {  	[sflag:s19] =	ssyncadd.s32 $0xFFFFF000  }
0xa0: {  	_ =	swait.ge [sflag:s19], $0x1000  }
0xa1: {  	[sflag:s19] =	ssyncset.done $0x0  }
0xa2: {  	[sflag:s19] =	ssyncadd.s32 $0xFFFFF000  }
0xa3: {  	_ =	swait.ge [sflag:s21], $0x1000  }
0xa4: {  	[sflag:s21] =	ssyncset.done $0x0  }
0xa5: {  	[sflag:s21] =	ssyncadd.s32 $0xFFFFF000  }
0xa6: {  	_ =	swait.ge [sflag:s21], $0x1000  }
0xa7: {  	[sflag:s21] =	ssyncset.done $0x0  }
0xa8: {  	[sflag:s21] =	ssyncadd.s32 $0xFFFFF000  }
0xa9: {  	_ =	swait.ge [sflag:s21], $0x1000  }
0xaa: {  	[sflag:s21] =	ssyncset.done $0x0  }
0xab: {  	[sflag:s21] =	ssyncadd.s32 $0xFFFFF000  }
0xac: {  	_ =	swait.ge [sflag:s21], $0x1000  }
0xad: {  	[sflag:s21] =	ssyncset.done $0x0  }
0xae: {  	[sflag:s21] =	ssyncadd.s32 $0xFFFFF000  }
0xaf: {  	p0 =	por $0x0, $0x0;
	_ =	swait.ge [sflag:s21], $0x1000  }
0xb0: {  	s8 =	simm.s32 @!p0 $0x5000;
	[sflag:s21] =	ssyncset.done $0x0  }
0xb1: {  	s9 =	simm.s32 @!p0 $0x500;
	s10 =	simm.s32 @!p0 $0x80;
	[sflag:s21] =	ssyncadd.s32 $0xFFFFF000  }
0xb2: {  	[tilespmem:s8], [sflag:$0x1] =	stream.indirect.gather @!p0 [hbm4b:s4+s10], $0x20, s9, s10, $0xb8;
	[tilespmem:$0x14800] =	vst v63  }
0xb3: {  	s8 =	simm.s32 @!p0 $0x580;
	s9 =	simm.s32 @!p0 $0x6000  }
0xb4: {  	[tilespmem:s9], [sflag:$0x1] =	stream.indirect.gather @!p0 [hbm4b:s4+s10], $0x20, s8, s10, $0xb8;
	[tilespmem:$0x14800] =	vst v63  }
0xb5: {  	s8 =	simm.s32 @!p0 $0x600;
	s9 =	simm.s32 @!p0 $0x7000  }
0xb6: {  	[tilespmem:s9], [sflag:$0x1] =	stream.indirect.gather @!p0 [hbm4b:s4+s10], $0x20, s8, s10, $0xb8;
	[tilespmem:$0x14800] =	vst v63  }
0xb7: {  	s8 =	simm.s32 @!p0 $0x680;
	s9 =	simm.s32 @!p0 $0x8000  }
0xb8: {  	[tilespmem:s9], [sflag:$0x1] =	stream.indirect.gather @!p0 [hbm4b:s4+s10], $0x20, s8, s10, $0xb8;
	[tilespmem:$0x14800] =	vst v63  }
0xb9: {  	s8 =	simm.s32 @!p0 $0x700;
	s9 =	simm.s32 @!p0 $0x9000  }
0xba: {  	[tilespmem:s9], [sflag:$0x1] =	stream.indirect.gather @!p0 [hbm4b:s4+s10], $0x20, s8, s10, $0xb8;
	[tilespmem:$0x14800] =	vst v63  }
0xbb: {  	s11 =	simm.s32 $0x2A80  }
0xbc: {  	[spmem:s2] =	stream.indirect.scatter.add.f32 [tilespmem:s26], [sflag:$0x2], $0x20, s11, s23, $0xb8;
	[tilespmem:$0x14800] =	vst v63  }
0xbd: {  	s12 =	simm.s32 $0x2B00  }
0xbe: {  	[spmem:s2] =	stream.indirect.scatter.add.f32 [tilespmem:s29], [sflag:$0x2], $0x20, s12, s23, $0xb8;
	[tilespmem:$0x14800] =	vst v63  }
0xbf: {  	s13 =	simm.s32 $0x2B80  }
0xc0: {  	[spmem:s2] =	stream.indirect.scatter.add.f32 [tilespmem:s31], [sflag:$0x2], $0x20, s13, s23, $0xb8;
	[tilespmem:$0x14800] =	vst v63  }
0xc1: {  	s14 =	simm.s32 $0x2C00;
	s8 =	simm.s32 $0x1400;
	s9 =	simm.s32 $0x2C80  }
0xc2: {  	[spmem:s2] =	stream.indirect.scatter.add.f32 [tilespmem:s1], [sflag:$0x2], $0x20, s14, s23, $0xb8;
	[tilespmem:$0x14800] =	vst v63  }
.LBB2_4:
0xc3: {  	[spmem:s2] =	stream.indirect.scatter.add.f32 [tilespmem:s3], [sflag:$0x2], $0x20, s9, s23, $0xb8;
	[tilespmem:$0x14800] =	vst v63  }
0xc4: {  	s9 =	smov.u32 s8;
	s8 =	sadd.s32 $0x1400, s8;
	_ =	swait.ge [sflag:s19], $0x1000  }
0xc5: {  	p0 =	sne.s32 s8, $0xA000;
	[sflag:s19] =	ssyncset.done $0x0  }
0xc6: {  	[sflag:s19] =	ssyncadd.s32 $0xFFFFF000  }
0xc7: {  	_ =	swait.ge [sflag:s19], $0x1000  }
0xc8: {  	[sflag:s19] =	ssyncset.done $0x0  }
0xc9: {  	[sflag:s19] =	ssyncadd.s32 $0xFFFFF000  }
0xca: {  	_ =	swait.ge [sflag:s19], $0x1000  }
0xcb: {  	[sflag:s19] =	ssyncset.done $0x0  }
0xcc: {  	[sflag:s19] =	ssyncadd.s32 $0xFFFFF000  }
0xcd: {  	_ =	swait.ge [sflag:s19], $0x1000  }
0xce: {  	[sflag:s19] =	ssyncset.done $0x0  }
0xcf: {  	[sflag:s19] =	ssyncadd.s32 $0xFFFFF000  }
0xd0: {  	_ =	swait.ge [sflag:s19], $0x1000  }
0xd1: {  	p1 =	seq.s32 s9, $0x0;
	[sflag:s19] =	ssyncset.done $0x0  }
0xd2: {  	s11 =	simm.s32 @!p1 $0x2;
	[sflag:s19] =	ssyncadd.s32 $0xFFFFF000  }
0xd3: {  	_ =	swait.ge @!p1 [sflag:s11], $0x1000  }
0xd4: {  	[sflag:s11] =	ssyncset.done @!p1 $0x0  }
0xd5: {  	[sflag:s11] =	ssyncadd.s32 @!p1 $0xFFFFF000  }
0xd6: {  	_ =	swait.ge @!p1 [sflag:s11], $0x1000  }
0xd7: {  	[sflag:s11] =	ssyncset.done @!p1 $0x0  }
0xd8: {  	[sflag:s11] =	ssyncadd.s32 @!p1 $0xFFFFF000  }
0xd9: {  	_ =	swait.ge @!p1 [sflag:s11], $0x1000  }
0xda: {  	[sflag:s11] =	ssyncset.done @!p1 $0x0  }
0xdb: {  	[sflag:s11] =	ssyncadd.s32 @!p1 $0xFFFFF000  }
0xdc: {  	_ =	swait.ge @!p1 [sflag:s11], $0x1000  }
0xdd: {  	[sflag:s11] =	ssyncset.done @!p1 $0x0  }
0xde: {  	[sflag:s11] =	ssyncadd.s32 @!p1 $0xFFFFF000  }
0xdf: {  	_ =	swait.ge @!p1 [sflag:s11], $0x1000  }
0xe0: {  	s10 =	sshra.s32 s9, $0x2;
	[sflag:s11] =	ssyncset.done @!p1 $0x0  }
0xe1: {  	[sflag:s11] =	ssyncadd.s32 @!p1 $0xFFFFF000;
	s11 =	sadd.s32 $0x280, s10  }
0xe2: {  	[tilespmem:s26], [sflag:$0x1] =	stream.indirect.gather [hbm4b:s4+s23], $0x20, s11, s23, $0xb8;
	[tilespmem:$0x14800] =	vst v63  }
0xe3: {  	s11 =	sadd.s32 $0x300, s10  }
0xe4: {  	[tilespmem:s29], [sflag:$0x1] =	stream.indirect.gather [hbm4b:s4+s23], $0x20, s11, s23, $0xb8;
	[tilespmem:$0x14800] =	vst v63  }
0xe5: {  	s11 =	sadd.s32 $0x380, s10  }
0xe6: {  	[tilespmem:s31], [sflag:$0x1] =	stream.indirect.gather [hbm4b:s4+s23], $0x20, s11, s23, $0xb8;
	[tilespmem:$0x14800] =	vst v63  }
0xe7: {  	s11 =	sadd.s32 $0x400, s10  }
0xe8: {  	[tilespmem:s1], [sflag:$0x1] =	stream.indirect.gather [hbm4b:s4+s23], $0x20, s11, s23, $0xb8;
	[tilespmem:$0x14800] =	vst v63  }
0xe9: {  	s11 =	sadd.s32 $0x480, s10  }
0xea: {  	[tilespmem:s3], [sflag:$0x1] =	stream.indirect.gather [hbm4b:s4+s23], $0x20, s11, s23, $0xb8;
	[tilespmem:$0x14800] =	vst v63  }
0xeb: {  	s11 =	sadd.s32 $0x2800, s10  }
0xec: {  	[spmem:s2] =	stream.indirect.scatter.add.f32 [tilespmem:s24], [sflag:$0x2], $0x20, s11, s23, $0xb8;
	[tilespmem:$0x14800] =	vst v63  }
0xed: {  	s11 =	sadd.s32 $0x2880, s10  }
0xee: {  	[spmem:s2] =	stream.indirect.scatter.add.f32 [tilespmem:s25], [sflag:$0x2], $0x20, s11, s23, $0xb8;
	[tilespmem:$0x14800] =	vst v63  }
0xef: {  	s11 =	sadd.s32 $0x2900, s10  }
0xf0: {  	[spmem:s2] =	stream.indirect.scatter.add.f32 [tilespmem:s28], [sflag:$0x2], $0x20, s11, s23, $0xb8;
	[tilespmem:$0x14800] =	vst v63  }
0xf1: {  	s11 =	sadd.s32 $0x2980, s10  }
0xf2: {  	[spmem:s2] =	stream.indirect.scatter.add.f32 [tilespmem:s30], [sflag:$0x2], $0x20, s11, s23, $0xb8;
	[tilespmem:$0x14800] =	vst v63  }
0xf3: {  	s11 =	sadd.s32 $0x2A00, s10  }
0xf4: {  	[spmem:s2] =	stream.indirect.scatter.add.f32 [tilespmem:s0], [sflag:$0x2], $0x20, s11, s23, $0xb8;
	[tilespmem:$0x14800] =	vst v63  }
0xf5: {  	_ =	swait.ge [sflag:s19], $0x1000  }
0xf6: {  	[sflag:s19] =	ssyncset.done $0x0  }
0xf7: {  	[sflag:s19] =	ssyncadd.s32 $0xFFFFF000  }
0xf8: {  	_ =	swait.ge [sflag:s19], $0x1000  }
0xf9: {  	[sflag:s19] =	ssyncset.done $0x0  }
0xfa: {  	[sflag:s19] =	ssyncadd.s32 $0xFFFFF000  }
0xfb: {  	_ =	swait.ge [sflag:s19], $0x1000  }
0xfc: {  	[sflag:s19] =	ssyncset.done $0x0  }
0xfd: {  	[sflag:s19] =	ssyncadd.s32 $0xFFFFF000  }
0xfe: {  	_ =	swait.ge [sflag:s19], $0x1000  }
0xff: {  	[sflag:s19] =	ssyncset.done $0x0  }
0x100: {  	[sflag:s19] =	ssyncadd.s32 $0xFFFFF000  }
0x101: {  	_ =	swait.ge [sflag:s19], $0x1000  }
0x102: {  	[sflag:s19] =	ssyncset.done $0x0  }
0x103: {  	[sflag:s19] =	ssyncadd.s32 $0xFFFFF000  }
0x104: {  	_ =	swait.ge [sflag:s21], $0x1000  }
0x105: {  	[sflag:s21] =	ssyncset.done $0x0  }
0x106: {  	[sflag:s21] =	ssyncadd.s32 $0xFFFFF000  }
0x107: {  	_ =	swait.ge [sflag:s21], $0x1000  }
0x108: {  	[sflag:s21] =	ssyncset.done $0x0  }
0x109: {  	[sflag:s21] =	ssyncadd.s32 $0xFFFFF000  }
0x10a: {  	_ =	swait.ge [sflag:s21], $0x1000  }
0x10b: {  	[sflag:s21] =	ssyncset.done $0x0  }
0x10c: {  	[sflag:s21] =	ssyncadd.s32 $0xFFFFF000  }
0x10d: {  	_ =	swait.ge [sflag:s21], $0x1000  }
0x10e: {  	[sflag:s21] =	ssyncset.done $0x0  }
0x10f: {  	[sflag:s21] =	ssyncadd.s32 $0xFFFFF000  }
0x110: {  	p1 =	seq.s32 s9, $0x8C00;
	_ =	swait.ge [sflag:s21], $0x1000  }
0x111: {  	s9 =	sshra.s32 @!p1 s9, $0x2;
	s11 =	simm.s32 @!p1 $0x5000;
	[sflag:s21] =	ssyncset.done $0x0  }
0x112: {  	s13 =	simm.s32 @!p1 $0x80;
	s12 =	sadd.s32 @!p1 $0x500, s9;
	[sflag:s21] =	ssyncadd.s32 $0xFFFFF000  }
0x113: {  	[tilespmem:s11], [sflag:$0x1] =	stream.indirect.gather @!p1 [hbm4b:s4+s13], $0x20, s12, s13, $0xb8;
	[tilespmem:$0x14800] =	vst v63  }
0x114: {  	s14 =	sadd.s32 @!p1 $0x600, s9;
	s11 =	sadd.s32 @!p1 $0x580, s9;
	s12 =	simm.s32 @!p1 $0x6000  }
0x115: {  	[tilespmem:s12], [sflag:$0x1] =	stream.indirect.gather @!p1 [hbm4b:s4+s13], $0x20, s11, s13, $0xb8;
	[tilespmem:$0x14800] =	vst v63  }
0x116: {  	s11 =	simm.s32 @!p1 $0x7000;
	s12 =	sadd.s32 @!p1 $0x680, s9;
	s9 =	sadd.s32 @!p1 $0x700, s9  }
0x117: {  	[tilespmem:s11], [sflag:$0x1] =	stream.indirect.gather @!p1 [hbm4b:s4+s13], $0x20, s14, s13, $0xb8;
	[tilespmem:$0x14800] =	vst v63  }
0x118: {  	s11 =	simm.s32 @!p1 $0x8000  }
0x119: {  	[tilespmem:s11], [sflag:$0x1] =	stream.indirect.gather @!p1 [hbm4b:s4+s13], $0x20, s12, s13, $0xb8;
	[tilespmem:$0x14800] =	vst v63  }
0x11a: {  	s11 =	simm.s32 @!p1 $0x9000  }
0x11b: {  	[tilespmem:s11], [sflag:$0x1] =	stream.indirect.gather @!p1 [hbm4b:s4+s13], $0x20, s9, s13, $0xb8;
	[tilespmem:$0x14800] =	vst v63  }
0x11c: {  	s9 =	sadd.s32 $0x2A80, s10  }
0x11d: {  	[spmem:s2] =	stream.indirect.scatter.add.f32 [tilespmem:s26], [sflag:$0x2], $0x20, s9, s23, $0xb8;
	[tilespmem:$0x14800] =	vst v63  }
0x11e: {  	s9 =	sadd.s32 $0x2B00, s10  }
0x11f: {  	[spmem:s2] =	stream.indirect.scatter.add.f32 [tilespmem:s29], [sflag:$0x2], $0x20, s9, s23, $0xb8;
	[tilespmem:$0x14800] =	vst v63  }
.Ltmp1:
0x120: {  	s9 =	sadd.s32 $0x2B80, s10;
	(pc) =	sbr.rel @p0 .LBB2_4-.Ltmp1, $4  }
0x121: {  	[spmem:s2] =	stream.indirect.scatter.add.f32 [tilespmem:s31], [sflag:$0x2], $0x20, s9, s23, $0xb8;
	[tilespmem:$0x14800] =	vst v63  }
0x122: {  	s9 =	sadd.s32 $0x2C00, s10  }
0x123: {  	[spmem:s2] =	stream.indirect.scatter.add.f32 [tilespmem:s1], [sflag:$0x2], $0x20, s9, s23, $0xb8;
	[tilespmem:$0x14800] =	vst v63  }
0x124: {  	s9 =	sadd.s32 $0x2C80, s10  }
0x125: {  	[spmem:s2] =	stream.indirect.scatter.add.f32 [tilespmem:s3], [sflag:$0x2], $0x20, s9, s23, $0xb8;
	[tilespmem:$0x14800] =	vst v63  }
0x126: {  	_ =	swait.ge [sflag:s21], $0x1000  }
0x127: {  	[sflag:s21] =	ssyncset.done $0x0  }
0x128: {  	[sflag:s21] =	ssyncadd.s32 $0xFFFFF000  }
0x129: {  	_ =	swait.ge [sflag:s21], $0x1000  }
0x12a: {  	[sflag:s21] =	ssyncset.done $0x0  }
0x12b: {  	[sflag:s21] =	ssyncadd.s32 $0xFFFFF000  }
0x12c: {  	_ =	swait.ge [sflag:s21], $0x1000  }
0x12d: {  	[sflag:s21] =	ssyncset.done $0x0  }
0x12e: {  	[sflag:s21] =	ssyncadd.s32 $0xFFFFF000  }
0x12f: {  	_ =	swait.ge [sflag:s21], $0x1000  }
0x130: {  	[sflag:s21] =	ssyncset.done $0x0  }
0x131: {  	[sflag:s21] =	ssyncadd.s32 $0xFFFFF000  }
0x132: {  	s8 =	stileid.u32;
	_ =	swait.ge [sflag:s21], $0x1000  }
0x133: {  	s14 =	sshrl.u32 s7, $0x3;
	s6 =	sadd.s32 $0x1, s6;
	[sflag:s21] =	ssyncset.done $0x0  }
0x134: {  	s8 =	sshll.u32 s8, $0x6;
	p0 =	sne.s32 s6, s18;
	[sflag:s21] =	ssyncadd.s32 $0xFFFFF000  }
.Ltmp2:
0x135: {  	s8 =	sor.u32 $0x1C04, s8;
	[bflag:$0x0] =	sbarrier.arrive $0xFFFF;
	(pc) =	sbr.rel @p0 .LBB2_1-.Ltmp2, $4  }
0x136: {  	[hbm:s17], [sflag:s8] =	dma.local [spmem:s14], $0xA00  }
0x137: {  	_ =	swait.ge [sflag:s5], $0xA00  }
0x138: {  	[sflag:s5] =	ssyncset.done $0x0  }
0x139: {  	[sflag:s5] =	ssyncadd.s32 $0xFFFFF600  }
0x13a: {  	_ =	sfence.sel $0x180000  }
0x13b: {  	[bflag:$0x0] =	sbarrier.arrive $0xFFFF  }
0x13c: {  	_ =	strace $0x9000004A  }
0x13d: {  	s0 =	stileid.u32;
	[bflag:$0x2] =	sbarrier.arrive $0xFFFF  }
0x13e: {  	p0 =	sne.s32 s0, $0x0;
	s0 =	rddreg [dreg:$0x2]  }
0x13f: {  	s0 =	sadd.s32 @!p0 $0x100000, s0  }
0x140: {  	[sflag:s0] =	ssyncadd.tile.s32 @!p0 $0x1;
	_ =	shalt  }
.Lfunc_end2:
_tile_overlayer_lowered:
.L_overlay_start_2:
0x141: {  	(tag) =	ssettag $0x2  }
0x142: {  	s0 =	rddreg [dreg:$0x0];
	s2 =	stileid.u32  }
0x143: {  	s1 =	rddreg [dreg:$0x1];
	p0 =	sne.s32 s2, $0x0  }
0x144: {  	s3 =	rddreg [dreg:$0x2];
	[bflag:$0x3] =	sbarrier.arrive $0xFFFF;
	s2 =	simm.s32 @!p0 $0x1C04  }
0x145: {  	[timem:s3], [sflag:s2] =	dma.local @!p0 [hbm:s0], s1  }
0x146: {  	s0 =	simm.s32 @!p0 $0x4  }
0x147: {  	_ =	swait.ge @!p0 [sflag:s0], s1  }
0x148: {  	s1 =	ssub.s32 @!p0 $0x0, s1;
	[sflag:s0] =	ssyncset.done @!p0 $0x0  }
0x149: {  	[sflag:s0] =	ssyncadd.s32 @!p0 s1  }
0x14a: {  	[bflag:$0x3] =	sbarrier.arrive $0xFFFF  }
0x14b: {  	_ =	shalt  }

// kernel: kernel.7.cloned.1.call-start
scs
__scs_entry_jumppad:
0x0: {  	(pc) =	sbr.rel $0x88, $3  }
0x1: {  	(tag) =	ssettag $0x0;
	lr =	simm.s32 $0x1  }
0x2: {  	[smem:$0x3F93] =	sst lr;
	_ =	strace $0xD0000000  }
0x3: {  	_ = 	snop  }
0x4: {  	_ = 	snop  }
0x5: {  	_ = 	snop  }
0x6: {  	_ = 	snop  }
0x7: {  	_ = 	snop  }
__scs_overlays_trampoline_lowered:
0x8: {  	[smem:$0x3FA2] =	sst s0  }
0x9: {  	[smem:$0x3FA3] =	sst s1  }
0xa: {  	[smem:$0x3FA4] =	sst s2  }
0xb: {  	[smem:$0x3FA5] =	sst s3  }
0xc: {  	[smem:$0x3FA6] =	sst s4  }
0xd: {  	[smem:$0x3FA7] =	sst s5  }
0xe: {  	[smem:$0x3FA8] =	sst s6  }
0xf: {  	[smem:$0x3FA9] =	sst s7  }
0x10: {  	[smem:$0x3FAA] =	sst s8  }
0x11: {  	[smem:$0x3FAB] =	sst s9;
	s0 =	simm.s32 @!p0 $0x0  }
0x12: {  	s1 =	sld [smem:$0x3F91];
	s0 =	simm.s32 @p0 $0x1  }
0x13: {  	[smem:$0x3FAC] =	sst s0;
	s0 =	simm.s32 @!p1 $0x0  }
0x14: {  	s2 =	sld [smem:$0x3F90];
	s0 =	simm.s32 @p1 $0x1  }
0x15: {  	[smem:$0x3FAD] =	sst s0;
	s0 =	simm.s32 @!p2 $0x0  }
0x16: {  	s3 =	sld [smem:$0x3FDB];
	s0 =	simm.s32 @p2 $0x1  }
0x17: {  	s4 =	simm.s32 $0x1BF5;
	[smem:$0x3FAF] =	sst s0  }
0x18: {  	s0 =	sld [smem:$0x3F92];
	_ =	swait.ge [sflag:s4], $0x0  }
0x19: {  	s7 =	sld [smem:$0x3F93]  }
0x1a: {  	s8 =	sadd.s32 $0xFFFFE003, lr  }
0x1b: {  	s9 =	sadd.s32 $0xFFFFFEF7, lr;
	s5 =	simm.s32 $0xFFFFFFFF;
	p2 =	slt.u32 s8, $0xFFFFF086  }
0x1c: {  	p1 =	slt.u32 s9, $0xF7A;
	s5 =	simm.s32 @!p2 $0x0  }
0x1d: {  	s5 =	simm.s32 @p1 $0x1;
	p0 =	seq.s32 s7, s2  }
0x1e: {  	s7 =	smul.u32 @!p0 $0xF7A, s2;
	p2 =	seq.s32 @!p0 s5, $0x0  }
0x1f: {  	s9 =	smul.u32 $0xF7A, s1;
	s8 =	simm.s32 @!p0 $0x1BF5;
	p2 =	por !p2, p0  }
0x20: {  	[sflag:s8] =	ssyncset.s32 @!p0 $0xFFFFF086;
	s6 =	sadd.s32 @!p0 s3, s7;
	s7 =	simm.s32 @!p0 $0x108  }
0x21: {  	s3 =	sadd.s32 s3, s9;
	s6 =	sadd.s32 @!p0 $0x88, s6;
	s7 =	simm.s32 @p2 $0x1082  }
0x22: {  	[simem:s7], [sflag:s8] =	dma.local @!p0 [hbm:s6], $0xF7A  }
0x23: {  	s9 =	sor.u32 $0xD0000000, s2;
	s6 =	simm.s32 $0x108;
	_ =	swait.ge @!p0 [sflag:s8], $0x0  }
0x24: {  	s3 =	sadd.s32 $0x88, s3;
	s6 =	simm.s32 @!p1 $0x1082;
	[sflag:s4] =	ssyncset.s32 $0xFFFFF086  }
0x25: {  	[simem:s6], [sflag:s4] =	dma.local [hbm:s3], $0xF7A  }
0x26: {  	[smem:$0x3F93] =	sst s1;
	(tag) =	ssettag s2;
	_ =	strace s9  }
0x27: {  	s1 =	sld [smem:$0x3FA3]  }
0x28: {  	s2 =	sld [smem:$0x3FA4]  }
0x29: {  	s4 =	sld [smem:$0x3FA6]  }
0x2a: {  	p0 =	seq.s32 s5, $0x0;
	s5 =	sld [smem:$0x3FA7]  }
0x2b: {  	s6 =	sld [smem:$0x3FA8]  }
0x2c: {  	s7 =	sld [smem:$0x3FA9]  }
0x2d: {  	s3 =	simm.s32 $0x108;
	s8 =	sld [smem:$0x3FAA]  }
0x2e: {  	s3 =	simm.s32 @!p0 $0x1082;
	s9 =	sld [smem:$0x3FAB]  }
0x2f: {  	lr =	sadd.s32 s0, s3;
	s0 =	sld [smem:$0x3FA2]  }
0x30: {  	s3 =	sld [smem:$0x3FA5]  }
0x31: {  	[smem:$0x3FAE] =	sst s10  }
0x32: {  	s10 =	sld [smem:$0x3FAC];
	_ =	sdelay $0x3  }
0x33: {  	p0 =	seq.s32 s10, $0x1;
	s10 =	sld [smem:$0x3FAE];
	_ =	sdelay $0x3  }
0x34: {  	[smem:$0x3FAE] =	sst s10  }
0x35: {  	s10 =	sld [smem:$0x3FAD];
	_ =	sdelay $0x3  }
0x36: {  	p1 =	seq.s32 s10, $0x1;
	s10 =	sld [smem:$0x3FAE];
	_ =	sdelay $0x3  }
0x37: {  	[smem:$0x3FAE] =	sst s10  }
0x38: {  	s10 =	sld [smem:$0x3FAF]  }
0x39: {  	_ = 	snop;
	(pc) =	sbr.ind lr, $3  }
0x3a: {  	_ = 	snop  }
0x3b: {  	_ = 	snop  }
0x3c: {  	p2 =	seq.s32 s10, $0x1;
	s10 =	sld [smem:$0x3FAE]  }
0x3d: {  	_ =	shalt  }
0x3e: {  	_ =	shalt  }
0x3f: {  	_ =	shalt  }
0x40: {  	_ =	shalt  }
0x41: {  	_ =	shalt  }
0x42: {  	_ =	shalt  }
0x43: {  	_ =	shalt  }
0x44: {  	_ =	shalt  }
0x45: {  	_ =	shalt  }
0x46: {  	_ =	shalt  }
0x47: {  	_ =	shalt  }
0x48: {  	_ =	shalt  }
0x49: {  	_ =	shalt  }
0x4a: {  	_ =	shalt  }
0x4b: {  	_ =	shalt  }
0x4c: {  	_ =	shalt  }
0x4d: {  	_ =	shalt  }
0x4e: {  	_ =	shalt  }
0x4f: {  	_ =	shalt  }
0x50: {  	_ =	shalt  }
0x51: {  	_ =	shalt  }
0x52: {  	_ =	shalt  }
0x53: {  	_ =	shalt  }
0x54: {  	_ =	shalt  }
0x55: {  	_ =	shalt  }
0x56: {  	_ =	shalt  }
0x57: {  	_ =	shalt  }
0x58: {  	_ =	shalt  }
0x59: {  	_ =	shalt  }
0x5a: {  	_ =	shalt  }
0x5b: {  	_ =	shalt  }
0x5c: {  	_ =	shalt  }
0x5d: {  	_ =	shalt  }
0x5e: {  	_ =	shalt  }
0x5f: {  	_ =	shalt  }
0x60: {  	_ =	shalt  }
0x61: {  	_ =	shalt  }
0x62: {  	_ =	shalt  }
0x63: {  	_ =	shalt  }
0x64: {  	_ =	shalt  }
0x65: {  	_ =	shalt  }
0x66: {  	_ =	shalt  }
0x67: {  	_ =	shalt  }
0x68: {  	_ =	shalt  }
0x69: {  	_ =	shalt  }
0x6a: {  	_ =	shalt  }
0x6b: {  	_ =	shalt  }
0x6c: {  	_ =	shalt  }
0x6d: {  	_ =	shalt  }
0x6e: {  	_ =	shalt  }
0x6f: {  	_ =	shalt  }
0x70: {  	_ =	shalt  }
0x71: {  	_ =	shalt  }
0x72: {  	_ =	shalt  }
0x73: {  	_ =	shalt  }
0x74: {  	_ =	shalt  }
0x75: {  	_ =	shalt  }
0x76: {  	_ =	shalt  }
0x77: {  	_ =	shalt  }
0x78: {  	_ =	shalt  }
0x79: {  	_ =	shalt  }
0x7a: {  	_ =	shalt  }
0x7b: {  	_ =	shalt  }
0x7c: {  	_ =	shalt  }
0x7d: {  	_ =	shalt  }
0x7e: {  	_ =	shalt  }
0x7f: {  	_ =	shalt  }
0x80: {  	_ =	shalt  }
0x81: {  	_ =	shalt  }
0x82: {  	_ =	shalt  }
0x83: {  	_ =	shalt  }
0x84: {  	_ =	shalt  }
0x85: {  	_ =	shalt  }
0x86: {  	_ =	shalt  }
0x87: {  	_ =	shalt  }
.Lfunc_end0:
.L_simem_size_0:
called_computation_lowered:
.L_overlay_start_0:
0x88: {  	s2 =	sld [smem:$0x3FD9]  }
0x89: {  	s3 =	sld [smem:$0x3FFE];
	_ =	sdelay $0x1  }
0x8a: {  	s1 =	srdreg.scid  }
0x8b: {  	s0 =	sand.u32 $0x1, s1  }
0x8c: {  	s16 =	sshll.u32 s0, $0xA;
	s2 =	sadd.s32 s3, s2  }
0x8d: {  	s2 =	sadd.s32 s2, s16  }
0x8e: {  	[smem:$0x3FBA] =	sst s2  }
0x8f: {  	_ = 	snop  }
0x90: {  	(tm) =	ssettm $0x1  }
0x91: {  	s17 =	sld [smem:$0x3FFB];
	_ =	sdelay $0x3  }
0x92: {  	_ =	strace s17  }
0x93: {  	s2 =	sld [smem:$0x3FFC];
	_ =	sdelay $0x3  }
0x94: {  	_ =	strace s2  }
0x95: {  	s2 =	sld [smem:$0x3FFD];
	_ =	sdelay $0x3  }
0x96: {  	_ =	strace s2  }
0x97: {  	_ =	strace $0x8FFFFFFF  }
0x98: {  	s18 =	sld [smem:$0x3FDB];
	_ =	sdelay $0x1  }
0x99: {  	s19 =	simm.s32 $_scs_section_size  }
0x9a: {  	s4 =	simm.s32 $_size__tile_overlayer_lowered;
	s5 =	simm.s32 $_tile_overlayer_lowered  }
0x9b: {  	s22 =	simm.s32 $0x1BFF;
	s21 =	sshll.u32 s5, $0x1;
	s2 =	sadd.s32 s19, s18  }
0x9c: {  	s6 =	simm.s32 $0x0;
	s20 =	sshll.u32 s4, $0x1;
	s4 =	sadd.s32 s21, s2  }
0x9d: {  	[timem:s6], [sflag:s22] =	dma.local [hbm:s4], s20  }
0x9e: {  	_ =	swait.ge [sflag:s22], s20  }
0x9f: {  	s3 =	ssub.s32 $0x0, s20;
	[sflag:s22] =	ssyncset.done $0x0  }
0xa0: {  	[sflag:s22] =	ssyncadd.s32 s3;
	_ =	sdelay $0x1  }
0xa1: {  	s23 =	simm.s32 $0x1B8B  }
0xa2: {  	_ =	swait.ge [sflag:s23], $0x1  }
0xa3: {  	[sflag:s23] =	ssyncset.done $0x0  }
0xa4: {  	s25 =	simm.s32 $0x1B8E;
	s24 =	sld [smem:$0x3FFE];
	[sflag:s23] =	ssyncadd.s32 $0xFFFFFFFF  }
0xa5: {  	s26 =	simm.s32 $execute0_lowered;
	[smem:$0x3FD2] =	sst s25  }
0xa6: {  	s4 =	sshll.u32 s26, $0x1;
	_ =	strace $0x80000046;
	[dreg:$0x1] =	wrdreg $0xFFFFFFFF  }
0xa7: {  	s28 =	simm.s32 $_size_execute0_lowered;
	s2 =	sadd.s32 s2, s4;
	[dreg:$0x0] =	wrdreg $0x0  }
0xa8: {  	s4 =	sshll.u32 s28, $0x1;
	[dreg:$0x2] =	wrdreg s2  }
0xa9: {  	[dreg:$0x3] =	wrdreg s4  }
0xaa: {  	[dreg:$0x4] =	wrdreg $0xC0  }
0xab: {  	_ =	task [dreg:s6], $0x5FFFF  }
0xac: {  	[dreg:$0x1] =	wrdreg $0xFFFFFFFF  }
0xad: {  	[dreg:$0x0] =	wrdreg $0x60  }
0xae: {  	[dreg:$0x2] =	wrdreg s24  }
0xaf: {  	[dreg:$0x3] =	wrdreg $0xE0000  }
0xb0: {  	[dreg:$0x4] =	wrdreg $0x18C000  }
0xb1: {  	[dreg:$0x5] =	wrdreg $0x9  }
0xb2: {  	_ =	task.clear_ibuf [dreg:s6], $0x6FFFF;
	_ =	strace $0x90000046  }
0xb3: {  	s29 =	simm.s32 $0x9;
	_ =	strace $0x80000048  }
0xb4: {  	_ =	swait.ge [sflag:s29], $0x1  }
0xb5: {  	[sflag:s29] =	ssyncadd.s32 $0xFFFFFFFF  }
0xb6: {  	_ =	strace $0x90000048  }
0xb7: {  	_ =	sfence  }
0xb8: {  	s30 =	sld [smem:$0x0];
	_ =	sdelay $0x2  }
0xb9: {  	s31 =	sshll.u32 s1, $0xD;
	s1 =	sshrl.u32 s1, $0x2  }
0xba: {  	s3 =	sand.u32 $0x4000, s31;
	s1 =	sadd.s32 s1, s30  }
0xbb: {  	s0 =	sor.u32 s3, s0;
	s1 =	sshll.u32 s1, $0x11  }
0xbc: {  	s0 =	sor.u32 s1, s0  }
0xbd: {  	s0 =	sadd.s32 $0x8F2B, s0  }
0xbe: {  	[sflag:s0] =	ssyncadd.remote.s32 $0x1  }
0xbf: {  	_ =	sfence.sel $0xFFFF  }
0xc0: {  	[dreg:$0x0] =	wrdreg $0xFFFFFFFF;
	(pc) =	sbr.abs _section_cstart, $3  }
0xc1: {  	[dreg:$0x1] =	wrdreg $0xFFFFFFFF  }
0xc2: {  	_ =	task.clear_ibuf [dreg:s6], $0x2FFFF;
	_ =	strace $0x9FFFFFFF  }
0xc3: {  	(tm) =	ssettm $0x7FFFFFFF  }
tec
execute0_lowered:
.L_overlay_start_1:
0x0: {  	(tag) =	ssettag $0x1  }
0x1: {  	s0 =	srdreg.scid  }
0x2: {  	s10 =	stileid.u32;
	s4 =	rddreg [dreg:$0x0]  }
0x3: {  	s2 =	rddreg [dreg:$0x1];
	s6 =	smul.u32 $0xA000, s10  }
0x4: {  	s3 =	rddreg [dreg:$0x2];
	s5 =	simm.s32 $0x0;
	s9 =	smul.u32 $0x2800, s10  }
0x5: {  	s0 =	sand.u32 $0x1, s0;
	s1 =	sshll.u32 s10, $0x1;
	s10 =	smul.u32 $0x280, s10  }
0x6: {  	[smem:$0x7FF] =	sst s5;
	s7 =	smul.u32 $0xA0000, s0  }
0x7: {  	s5 =	sadd.s32 $0x1E00, s4;
	s1 =	sor.u32 s0, s1;
	s8 =	smul.u32 $0x28000, s0  }
0x8: {  	_ =	strace $0x80000047;
	s0 =	ssub.s32 $0x2, s0;
	s1 =	smul.u32 $0x500, s1  }
0x9: {  	s22 =	sshrl.u32 s0, $0x1;
	s24 =	sor.u32 $0x40, s10;
	s11 =	sadd.s32 $0x80, s10  }
0xa: {  	s29 =	sadd.s32 $0xC0, s10;
	s12 =	sadd.s32 $0x100, s10;
	s14 =	sadd.s32 $0x140, s10  }
0xb: {  	s17 =	sadd.s32 $0x180, s10;
	s20 =	sadd.s32 $0x1C0, s10;
	s7 =	sadd.s32 s6, s7  }
0xc: {  	s8 =	sadd.s32 s9, s8;
	s0 =	ssub.s32 s0, s22;
	s9 =	sadd.s32 s9, s3  }
0xd: {  	s25 =	sshll.u32 s24, $0x6;
	s26 =	sshll.u32 s11, $0x6;
	s28 =	sshll.u32 s11, $0x4  }
0xe: {  	s30 =	sshll.u32 s29, $0x6;
	s13 =	sshll.u32 s12, $0x6;
	s15 =	sshll.u32 s14, $0x6  }
0xf: {  	s16 =	sshll.u32 s14, $0x4;
	s18 =	sshll.u32 s17, $0x6;
	s21 =	sshll.u32 s20, $0x6  }
0x10: {  	s22 =	sadd.s32 $0x200, s10;
	s14 =	simm.s32 $0x1;
	s1 =	sadd.s32 s1, s4  }
0x11: {  	s7 =	sshrl.u32 s7, $0x3;
	s8 =	sshrl.u32 s8, $0x3;
	s31 =	smax.u32 s0, $0x1  }
0x12: {  	s0 =	simm.s32 $0xD000;
	s7 =	sadd.s32 s7, s4;
	s4 =	sadd.s32 s8, s4  }
0x13: {  	s23 =	sadd.s32 $0x1F800, s1;
	s1 =	sadd.s32 $0x15800, s1;
	s8 =	sadd.s32 s6, s2  }
0x14: {  	s6 =	sadd.s32 s25, s2;
	s25 =	sadd.s32 $0x240, s10;
	[dreg:$0x4] =	wrdreg s23  }
0x15: {  	s10 =	simm.s32 $0x3;
	[dreg:$0x5] =	wrdreg s1;
	s1 =	sshll.u32 s24, $0x4  }
0x16: {  	[dreg:$0x6] =	wrdreg s6;
	s6 =	sshll.u32 s29, $0x4;
	s23 =	sshll.u32 s22, $0x6  }
0x17: {  	s24 =	sshll.u32 s22, $0x4;
	s29 =	sadd.s32 $0x33800, s7;
	s7 =	simm.s32 $0x4  }
0x18: {  	s22 =	simm.s32 $0x4E80;
	s1 =	sadd.s32 s1, s3;
	[dreg:$0x18] =	wrdreg s29  }
0x19: {  	s11 =	sadd.s32 s6, s3;
	s6 =	sadd.s32 s13, s2;
	[dreg:$0x7] =	wrdreg s1  }
0x1a: {  	s13 =	simm.s32 $0x7000;
	s1 =	sadd.s32 s26, s2;
	[dreg:$0xb] =	wrdreg s11  }
0x1b: {  	[dreg:$0xc] =	wrdreg s6;
	s6 =	sshll.u32 s17, $0x4;
	s26 =	sshll.u32 s25, $0x6  }
0x1c: {  	s11 =	simm.s32 $0x80;
	[dreg:$0x8] =	wrdreg s1;
	s1 =	sadd.s32 s28, s3  }
0x1d: {  	s17 =	simm.s32 $0x18000;
	s19 =	sadd.s32 s6, s3;
	[dreg:$0x9] =	wrdreg s1  }
0x1e: {  	s6 =	sadd.s32 s21, s2;
	s21 =	simm.s32 $0x4E00;
	[dreg:$0x11] =	wrdreg s19  }
0x1f: {  	s1 =	sadd.s32 s30, s2;
	[dreg:$0x12] =	wrdreg s6;
	s6 =	sshll.u32 s25, $0x4  }
0x20: {  	s30 =	sadd.s32 $0x29800, s4;
	s4 =	simm.s32 $0x18800;
	[dreg:$0xa] =	wrdreg s1  }
0x21: {  	s1 =	sshll.u32 s12, $0x4;
	s28 =	sadd.s32 s6, s3;
	[dreg:$0x19] =	wrdreg s30  }
0x22: {  	s19 =	simm.s32 $0x2900;
	s1 =	sadd.s32 s1, s3;
	[dreg:$0x17] =	wrdreg s28  }
0x23: {  	s25 =	simm.s32 $0x5;
	[dreg:$0xd] =	wrdreg s1;
	s1 =	sadd.s32 s15, s2  }
0x24: {  	s6 =	simm.s32 $0x2;
	[dreg:$0xe] =	wrdreg s1;
	s1 =	sadd.s32 s16, s3  }
0x25: {  	s12 =	simm.s32 $0x5000;
	[dreg:$0xf] =	wrdreg s1;
	s1 =	sadd.s32 s18, s2  }
0x26: {  	s15 =	simm.s32 $0x9000;
	[dreg:$0x10] =	wrdreg s1;
	s1 =	sshll.u32 s20, $0x4  }
0x27: {  	s16 =	simm.s32 $0xB000;
	s18 =	simm.s32 $0x2880;
	s1 =	sadd.s32 s1, s3  }
0x28: {  	s20 =	simm.s32 $0x2980;
	[dreg:$0x13] =	wrdreg s1;
	s1 =	sadd.s32 s23, s2  }
0x29: {  	s23 =	simm.s32 $0x4F00;
	[dreg:$0x14] =	wrdreg s1;
	s1 =	sadd.s32 s24, s3  }
0x2a: {  	s24 =	simm.s32 $0x4F80;
	[dreg:$0x15] =	wrdreg s1;
	s1 =	sadd.s32 s26, s2  }
0x2b: {  	v0 =	vimm.f32 $0.0e+00;
	v1 =	vimm.f32 $1.000000000e+00;
	s26 =	simm.s32 $0x0;
	[dreg:$0x16] =	wrdreg s1;
	s1 =	simm.s32 $0x2800  }
.LBB2_1:
0x2c: {  	s28 =	simm.s32 $0x0;
	s29 =	rddreg [dreg:$0x4]  }
0x2d: {  	[tilespmem:s28], [sflag:$0x3] =	stream.linear.gather [hbm4b:s29+s28], $0x2800, $0x38;
	[tilespmem:$0x1B400] =	vst v63  }
0x2e: {  	s29 =	rddreg [dreg:$0x5]  }
0x2f: {  	[tilespmem:s1], [sflag:$0x3] =	stream.linear.gather [hbm4b:s29+s28], $0x2800, $0x38;
	[tilespmem:$0x1B400] =	vst v63  }
0x30: {  	s28 =	simm.s32 $0xD020;
	s29 =	simm.s32 $0x0  }
.LBB2_2:
0x31: {  	p0 =	sne.s32 s29, $0xFC0  }
.Ltmp0:
0x32: {  	[tilespmem:s28+$0xFFFFFFE0] =	vst v0;
	(pc) =	sbr.rel @p0 .LBB2_2-.Ltmp0, $4  }
0x33: {  	[tilespmem:s28+$0xFFFFFFF0] =	vst v0  }
0x34: {  	[tilespmem:s28+$0x0] =	vst v0  }
0x35: {  	[tilespmem:s28+$0x10] =	vst v0;
	s30 =	sshra.s32 s29, $0x2  }
0x36: {  	s28 =	sadd.s32 $0x40, s28;
	s29 =	sadd.s32 $0x40, s29;
	[tilespmem:s30+$0x18800] =	vst v0  }
0x37: {  	s28 =	simm.s32 $0x40;
	s29 =	simm.s32 $0x0  }
.LBB2_4:
0x38: {  	p0 =	sne.s32 s28, $0x1FC0;
	[tilespmem:s29+$0x18000] =	vst v1;
	s29 =	smov.u32 s28;
	s28 =	sadd.s32 $0x40, s28  }
.Ltmp1:
0x39: {  	(pc) =	sbr.rel @p0 .LBB2_4-.Ltmp1, $2  }
0x3a: {  	_ =	sdelay $0x2  }
0x3b: {  	s29 =	sshra.s32 s29, $0x2  }
0x3c: {  	[tilespmem:s29+$0x18000] =	vst v1  }
0x3d: {  	[spmem:s8] =	stream.linear.scatter [tilespmem:s0], [sflag:$0x2], $0x1000, $0x38;
	[tilespmem:$0x1B400] =	vst v63  }
0x3e: {  	_ = 	snop  }
0x3f: {  	[spmem:s9] =	stream.linear.scatter [tilespmem:s4], [sflag:$0x4], $0x400, $0x38;
	[tilespmem:$0x1B400] =	vst v63  }
0x40: {  	s28 =	rddreg [dreg:$0x6]  }
0x41: {  	[spmem:s28] =	stream.linear.scatter [tilespmem:s0], [sflag:$0x2], $0x1000, $0x38;
	[tilespmem:$0x1B400] =	vst v63  }
0x42: {  	s28 =	rddreg [dreg:$0x7]  }
0x43: {  	[spmem:s28] =	stream.linear.scatter [tilespmem:s4], [sflag:$0x4], $0x400, $0x38;
	[tilespmem:$0x1B400] =	vst v63  }
0x44: {  	s28 =	rddreg [dreg:$0x8]  }
0x45: {  	[spmem:s28] =	stream.linear.scatter [tilespmem:s0], [sflag:$0x2], $0x1000, $0x38;
	[tilespmem:$0x1B400] =	vst v63  }
0x46: {  	s28 =	rddreg [dreg:$0x9]  }
0x47: {  	[spmem:s28] =	stream.linear.scatter [tilespmem:s4], [sflag:$0x4], $0x400, $0x38;
	[tilespmem:$0x1B400] =	vst v63  }
0x48: {  	s28 =	rddreg [dreg:$0xa]  }
0x49: {  	[spmem:s28] =	stream.linear.scatter [tilespmem:s0], [sflag:$0x2], $0x1000, $0x38;
	[tilespmem:$0x1B400] =	vst v63  }
0x4a: {  	s28 =	rddreg [dreg:$0xb]  }
0x4b: {  	[spmem:s28] =	stream.linear.scatter [tilespmem:s4], [sflag:$0x4], $0x400, $0x38;
	[tilespmem:$0x1B400] =	vst v63  }
0x4c: {  	s28 =	rddreg [dreg:$0xc]  }
0x4d: {  	[spmem:s28] =	stream.linear.scatter [tilespmem:s0], [sflag:$0x2], $0x1000, $0x38;
	[tilespmem:$0x1B400] =	vst v63  }
0x4e: {  	s28 =	rddreg [dreg:$0xd]  }
0x4f: {  	[spmem:s28] =	stream.linear.scatter [tilespmem:s4], [sflag:$0x4], $0x400, $0x38;
	[tilespmem:$0x1B400] =	vst v63  }
0x50: {  	s28 =	rddreg [dreg:$0xe]  }
0x51: {  	[spmem:s28] =	stream.linear.scatter [tilespmem:s0], [sflag:$0x2], $0x1000, $0x38;
	[tilespmem:$0x1B400] =	vst v63  }
0x52: {  	s28 =	rddreg [dreg:$0xf]  }
0x53: {  	[spmem:s28] =	stream.linear.scatter [tilespmem:s4], [sflag:$0x4], $0x400, $0x38;
	[tilespmem:$0x1B400] =	vst v63  }
0x54: {  	s28 =	rddreg [dreg:$0x10]  }
0x55: {  	[spmem:s28] =	stream.linear.scatter [tilespmem:s0], [sflag:$0x2], $0x1000, $0x38;
	[tilespmem:$0x1B400] =	vst v63  }
0x56: {  	s28 =	rddreg [dreg:$0x11]  }
0x57: {  	[spmem:s28] =	stream.linear.scatter [tilespmem:s4], [sflag:$0x4], $0x400, $0x38;
	[tilespmem:$0x1B400] =	vst v63  }
0x58: {  	s28 =	rddreg [dreg:$0x12]  }
0x59: {  	[spmem:s28] =	stream.linear.scatter [tilespmem:s0], [sflag:$0x2], $0x1000, $0x38;
	[tilespmem:$0x1B400] =	vst v63  }
0x5a: {  	s28 =	rddreg [dreg:$0x13]  }
0x5b: {  	[spmem:s28] =	stream.linear.scatter [tilespmem:s4], [sflag:$0x4], $0x400, $0x38;
	[tilespmem:$0x1B400] =	vst v63  }
0x5c: {  	s28 =	rddreg [dreg:$0x14]  }
0x5d: {  	[spmem:s28] =	stream.linear.scatter [tilespmem:s0], [sflag:$0x2], $0x1000, $0x38;
	[tilespmem:$0x1B400] =	vst v63  }
0x5e: {  	s28 =	rddreg [dreg:$0x15]  }
0x5f: {  	[spmem:s28] =	stream.linear.scatter [tilespmem:s4], [sflag:$0x4], $0x400, $0x38;
	[tilespmem:$0x1B400] =	vst v63  }
0x60: {  	s28 =	rddreg [dreg:$0x16]  }
0x61: {  	[spmem:s28] =	stream.linear.scatter [tilespmem:s0], [sflag:$0x2], $0x1000, $0x38;
	[tilespmem:$0x1B400] =	vst v63  }
0x62: {  	s28 =	rddreg [dreg:$0x17]  }
0x63: {  	[spmem:s28] =	stream.linear.scatter [tilespmem:s4], [sflag:$0x4], $0x400, $0x38;
	[tilespmem:$0x1B400] =	vst v63  }
0x64: {  	_ =	swait.ge [sflag:s6], $0x1000  }
0x65: {  	[sflag:s6] =	ssyncset.done $0x0  }
0x66: {  	[sflag:s6] =	ssyncadd.s32 $0xFFFFF000  }
0x67: {  	_ =	swait.ge [sflag:s7], $0x400  }
0x68: {  	[sflag:s7] =	ssyncset.done $0x0  }
0x69: {  	[sflag:s7] =	ssyncadd.s32 $0xFFFFFC00  }
0x6a: {  	_ =	swait.ge [sflag:s6], $0x1000  }
0x6b: {  	[sflag:s6] =	ssyncset.done $0x0  }
0x6c: {  	[sflag:s6] =	ssyncadd.s32 $0xFFFFF000  }
0x6d: {  	_ =	swait.ge [sflag:s7], $0x400  }
0x6e: {  	[sflag:s7] =	ssyncset.done $0x0  }
0x6f: {  	[sflag:s7] =	ssyncadd.s32 $0xFFFFFC00  }
0x70: {  	_ =	swait.ge [sflag:s6], $0x1000  }
0x71: {  	[sflag:s6] =	ssyncset.done $0x0  }
0x72: {  	[sflag:s6] =	ssyncadd.s32 $0xFFFFF000  }
0x73: {  	_ =	swait.ge [sflag:s7], $0x400  }
0x74: {  	[sflag:s7] =	ssyncset.done $0x0  }
0x75: {  	[sflag:s7] =	ssyncadd.s32 $0xFFFFFC00  }
0x76: {  	_ =	swait.ge [sflag:s6], $0x1000  }
0x77: {  	[sflag:s6] =	ssyncset.done $0x0  }
0x78: {  	[sflag:s6] =	ssyncadd.s32 $0xFFFFF000  }
0x79: {  	_ =	swait.ge [sflag:s7], $0x400  }
0x7a: {  	[sflag:s7] =	ssyncset.done $0x0  }
0x7b: {  	[sflag:s7] =	ssyncadd.s32 $0xFFFFFC00  }
0x7c: {  	_ =	swait.ge [sflag:s6], $0x1000  }
0x7d: {  	[sflag:s6] =	ssyncset.done $0x0  }
0x7e: {  	[sflag:s6] =	ssyncadd.s32 $0xFFFFF000  }
0x7f: {  	_ =	swait.ge [sflag:s7], $0x400  }
0x80: {  	[sflag:s7] =	ssyncset.done $0x0  }
0x81: {  	[sflag:s7] =	ssyncadd.s32 $0xFFFFFC00  }
0x82: {  	_ =	swait.ge [sflag:s6], $0x1000  }
0x83: {  	[sflag:s6] =	ssyncset.done $0x0  }
0x84: {  	[sflag:s6] =	ssyncadd.s32 $0xFFFFF000  }
0x85: {  	_ =	swait.ge [sflag:s7], $0x400  }
0x86: {  	[sflag:s7] =	ssyncset.done $0x0  }
0x87: {  	[sflag:s7] =	ssyncadd.s32 $0xFFFFFC00  }
0x88: {  	_ =	swait.ge [sflag:s6], $0x1000  }
0x89: {  	[sflag:s6] =	ssyncset.done $0x0  }
0x8a: {  	[sflag:s6] =	ssyncadd.s32 $0xFFFFF000  }
0x8b: {  	_ =	swait.ge [sflag:s7], $0x400  }
0x8c: {  	[sflag:s7] =	ssyncset.done $0x0  }
0x8d: {  	[sflag:s7] =	ssyncadd.s32 $0xFFFFFC00  }
0x8e: {  	_ =	swait.ge [sflag:s6], $0x1000  }
0x8f: {  	[sflag:s6] =	ssyncset.done $0x0  }
0x90: {  	[sflag:s6] =	ssyncadd.s32 $0xFFFFF000  }
0x91: {  	_ =	swait.ge [sflag:s7], $0x400  }
0x92: {  	[sflag:s7] =	ssyncset.done $0x0  }
0x93: {  	[sflag:s7] =	ssyncadd.s32 $0xFFFFFC00  }
0x94: {  	_ =	swait.ge [sflag:s6], $0x1000  }
0x95: {  	[sflag:s6] =	ssyncset.done $0x0  }
0x96: {  	[sflag:s6] =	ssyncadd.s32 $0xFFFFF000  }
0x97: {  	_ =	swait.ge [sflag:s7], $0x400  }
0x98: {  	[sflag:s7] =	ssyncset.done $0x0  }
0x99: {  	[sflag:s7] =	ssyncadd.s32 $0xFFFFFC00  }
0x9a: {  	_ =	swait.ge [sflag:s6], $0x1000  }
0x9b: {  	[sflag:s6] =	ssyncset.done $0x0  }
0x9c: {  	[sflag:s6] =	ssyncadd.s32 $0xFFFFF000  }
0x9d: {  	_ =	swait.ge [sflag:s7], $0x400  }
0x9e: {  	[sflag:s7] =	ssyncset.done $0x0  }
0x9f: {  	[sflag:s7] =	ssyncadd.s32 $0xFFFFFC00  }
0xa0: {  	_ =	swait.ge [sflag:s10], $0x2800  }
0xa1: {  	[sflag:s10] =	ssyncset.done $0x0  }
0xa2: {  	[sflag:s10] =	ssyncadd.s32 $0xFFFFD800  }
0xa3: {  	_ =	swait.ge [sflag:s10], $0x2800  }
0xa4: {  	[sflag:s10] =	ssyncset.done $0x0  }
0xa5: {  	[sflag:s10] =	ssyncadd.s32 $0xFFFFD800  }
0xa6: {  	s28 =	simm.s32 $0x0;
	[bflag:$0x0] =	sbarrier.arrive $0xFFFF  }
0xa7: {  	[tilespmem:s12], [sflag:$0x1] =	stream.indirect.gather [hbm4b:s5+s11], $0x40, s28, s11, $0xb8;
	[tilespmem:$0x1B400] =	vst v63  }
0xa8: {  	_ = 	snop  }
0xa9: {  	[tilespmem:s13], [sflag:$0x1] =	stream.indirect.gather [hbm4b:s5+s11], $0x40, s11, s11, $0xb8;
	[tilespmem:$0x1B400] =	vst v63  }
0xaa: {  	_ =	swait.ge [sflag:s14], $0x2000  }
0xab: {  	[sflag:s14] =	ssyncset.done $0x0  }
0xac: {  	[sflag:s14] =	ssyncadd.s32 $0xFFFFE000  }
0xad: {  	_ =	swait.ge [sflag:s14], $0x2000  }
0xae: {  	[sflag:s14] =	ssyncset.done $0x0  }
0xaf: {  	s28 =	simm.s32 $0x100;
	[sflag:s14] =	ssyncadd.s32 $0xFFFFE000  }
0xb0: {  	[tilespmem:s15], [sflag:$0x1] =	stream.indirect.gather [hbm4b:s5+s11], $0x40, s28, s11, $0xb8;
	[tilespmem:$0x1B400] =	vst v63  }
0xb1: {  	s28 =	simm.s32 $0x180  }
0xb2: {  	[tilespmem:s16], [sflag:$0x1] =	stream.indirect.gather [hbm4b:s5+s11], $0x40, s28, s11, $0xb8;
	[tilespmem:$0x1B400] =	vst v63  }
0xb3: {  	_ = 	snop  }
0xb4: {  	[spmem:s2] =	stream.indirect.scatter.add.f32 [tilespmem:s12], [sflag:$0x2], $0x40, s1, s11, $0xb8;
	[tilespmem:$0x1B400] =	vst v63  }
0xb5: {  	_ = 	snop  }
0xb6: {  	[spmem:s3] =	stream.indirect.scatter.add.f32 [tilespmem:s17], [sflag:$0x4], $0x10, s1, s11, $0xb8;
	[tilespmem:$0x1B400] =	vst v63  }
0xb7: {  	_ = 	snop  }
0xb8: {  	[spmem:s2] =	stream.indirect.scatter.add.f32 [tilespmem:s13], [sflag:$0x2], $0x40, s18, s11, $0xb8;
	[tilespmem:$0x1B400] =	vst v63  }
0xb9: {  	_ = 	snop  }
0xba: {  	[spmem:s3] =	stream.indirect.scatter.add.f32 [tilespmem:s17], [sflag:$0x4], $0x10, s18, s11, $0xb8;
	[tilespmem:$0x1B400] =	vst v63  }
0xbb: {  	_ =	swait.ge [sflag:s14], $0x2000  }
0xbc: {  	[sflag:s14] =	ssyncset.done $0x0  }
0xbd: {  	[sflag:s14] =	ssyncadd.s32 $0xFFFFE000  }
0xbe: {  	_ =	swait.ge [sflag:s14], $0x2000  }
0xbf: {  	[sflag:s14] =	ssyncset.done $0x0  }
0xc0: {  	[sflag:s14] =	ssyncadd.s32 $0xFFFFE000  }
0xc1: {  	_ =	swait.ge [sflag:s6], $0x2000  }
0xc2: {  	[sflag:s6] =	ssyncset.done $0x0  }
0xc3: {  	[sflag:s6] =	ssyncadd.s32 $0xFFFFE000  }
0xc4: {  	_ =	swait.ge [sflag:s7], $0x800  }
0xc5: {  	[sflag:s7] =	ssyncset.done $0x0  }
0xc6: {  	[sflag:s7] =	ssyncadd.s32 $0xFFFFF800  }
0xc7: {  	_ =	swait.ge [sflag:s6], $0x2000  }
0xc8: {  	[sflag:s6] =	ssyncset.done $0x0  }
0xc9: {  	[sflag:s6] =	ssyncadd.s32 $0xFFFFE000  }
0xca: {  	_ =	swait.ge [sflag:s7], $0x800  }
0xcb: {  	[sflag:s7] =	ssyncset.done $0x0  }
0xcc: {  	s28 =	simm.s32 $0x200;
	[sflag:s7] =	ssyncadd.s32 $0xFFFFF800  }
0xcd: {  	[tilespmem:s12], [sflag:$0x1] =	stream.indirect.gather [hbm4b:s5+s11], $0x40, s28, s11, $0xb8;
	[tilespmem:$0x1B400] =	vst v63  }
0xce: {  	s28 =	simm.s32 $0x280  }
0xcf: {  	[tilespmem:s13], [sflag:$0x1] =	stream.indirect.gather [hbm4b:s5+s11], $0x40, s28, s11, $0xb8;
	[tilespmem:$0x1B400] =	vst v63  }
0xd0: {  	_ = 	snop  }
0xd1: {  	[spmem:s2] =	stream.indirect.scatter.add.f32 [tilespmem:s15], [sflag:$0x2], $0x40, s19, s11, $0xb8;
	[tilespmem:$0x1B400] =	vst v63  }
0xd2: {  	_ = 	snop  }
0xd3: {  	[spmem:s3] =	stream.indirect.scatter.add.f32 [tilespmem:s17], [sflag:$0x4], $0x10, s19, s11, $0xb8;
	[tilespmem:$0x1B400] =	vst v63  }
0xd4: {  	_ = 	snop  }
0xd5: {  	[spmem:s2] =	stream.indirect.scatter.add.f32 [tilespmem:s16], [sflag:$0x2], $0x40, s20, s11, $0xb8;
	[tilespmem:$0x1B400] =	vst v63  }
0xd6: {  	_ = 	snop  }
0xd7: {  	[spmem:s3] =	stream.indirect.scatter.add.f32 [tilespmem:s17], [sflag:$0x4], $0x10, s20, s11, $0xb8;
	[tilespmem:$0x1B400] =	vst v63  }
0xd8: {  	_ =	swait.ge [sflag:s14], $0x2000  }
0xd9: {  	[sflag:s14] =	ssyncset.done $0x0  }
0xda: {  	[sflag:s14] =	ssyncadd.s32 $0xFFFFE000  }
0xdb: {  	_ =	swait.ge [sflag:s14], $0x2000  }
0xdc: {  	[sflag:s14] =	ssyncset.done $0x0  }
0xdd: {  	[sflag:s14] =	ssyncadd.s32 $0xFFFFE000  }
0xde: {  	_ =	swait.ge [sflag:s6], $0x2000  }
0xdf: {  	[sflag:s6] =	ssyncset.done $0x0  }
0xe0: {  	[sflag:s6] =	ssyncadd.s32 $0xFFFFE000  }
0xe1: {  	_ =	swait.ge [sflag:s7], $0x800  }
0xe2: {  	[sflag:s7] =	ssyncset.done $0x0  }
0xe3: {  	[sflag:s7] =	ssyncadd.s32 $0xFFFFF800  }
0xe4: {  	_ =	swait.ge [sflag:s6], $0x2000  }
0xe5: {  	[sflag:s6] =	ssyncset.done $0x0  }
0xe6: {  	[sflag:s6] =	ssyncadd.s32 $0xFFFFE000  }
0xe7: {  	_ =	swait.ge [sflag:s7], $0x800  }
0xe8: {  	[sflag:s7] =	ssyncset.done $0x0  }
0xe9: {  	s28 =	simm.s32 $0x300;
	[sflag:s7] =	ssyncadd.s32 $0xFFFFF800  }
0xea: {  	[tilespmem:s15], [sflag:$0x1] =	stream.indirect.gather [hbm4b:s5+s11], $0x40, s28, s11, $0xb8;
	[tilespmem:$0x1B400] =	vst v63  }
0xeb: {  	s28 =	simm.s32 $0x380  }
0xec: {  	[tilespmem:s16], [sflag:$0x1] =	stream.indirect.gather [hbm4b:s5+s11], $0x40, s28, s11, $0xb8;
	[tilespmem:$0x1B400] =	vst v63  }
0xed: {  	s28 =	simm.s32 $0x2A00  }
0xee: {  	[spmem:s2] =	stream.indirect.scatter.add.f32 [tilespmem:s12], [sflag:$0x2], $0x40, s28, s11, $0xb8;
	[tilespmem:$0x1B400] =	vst v63  }
0xef: {  	_ = 	snop  }
0xf0: {  	[spmem:s3] =	stream.indirect.scatter.add.f32 [tilespmem:s17], [sflag:$0x4], $0x10, s28, s11, $0xb8;
	[tilespmem:$0x1B400] =	vst v63  }
0xf1: {  	s28 =	simm.s32 $0x2A80  }
0xf2: {  	[spmem:s2] =	stream.indirect.scatter.add.f32 [tilespmem:s13], [sflag:$0x2], $0x40, s28, s11, $0xb8;
	[tilespmem:$0x1B400] =	vst v63  }
0xf3: {  	_ = 	snop  }
0xf4: {  	[spmem:s3] =	stream.indirect.scatter.add.f32 [tilespmem:s17], [sflag:$0x4], $0x10, s28, s11, $0xb8;
	[tilespmem:$0x1B400] =	vst v63  }
0xf5: {  	_ =	swait.ge [sflag:s14], $0x2000  }
0xf6: {  	[sflag:s14] =	ssyncset.done $0x0  }
0xf7: {  	[sflag:s14] =	ssyncadd.s32 $0xFFFFE000  }
0xf8: {  	_ =	swait.ge [sflag:s14], $0x2000  }
0xf9: {  	[sflag:s14] =	ssyncset.done $0x0  }
0xfa: {  	[sflag:s14] =	ssyncadd.s32 $0xFFFFE000  }
0xfb: {  	_ =	swait.ge [sflag:s6], $0x2000  }
0xfc: {  	[sflag:s6] =	ssyncset.done $0x0  }
0xfd: {  	[sflag:s6] =	ssyncadd.s32 $0xFFFFE000  }
0xfe: {  	_ =	swait.ge [sflag:s7], $0x800  }
0xff: {  	[sflag:s7] =	ssyncset.done $0x0  }
0x100: {  	[sflag:s7] =	ssyncadd.s32 $0xFFFFF800  }
0x101: {  	_ =	swait.ge [sflag:s6], $0x2000  }
0x102: {  	[sflag:s6] =	ssyncset.done $0x0  }
0x103: {  	[sflag:s6] =	ssyncadd.s32 $0xFFFFE000  }
0x104: {  	_ =	swait.ge [sflag:s7], $0x800  }
0x105: {  	[sflag:s7] =	ssyncset.done $0x0  }
0x106: {  	s28 =	simm.s32 $0x400;
	[sflag:s7] =	ssyncadd.s32 $0xFFFFF800  }
0x107: {  	[tilespmem:s12], [sflag:$0x1] =	stream.indirect.gather [hbm4b:s5+s11], $0x40, s28, s11, $0xb8;
	[tilespmem:$0x1B400] =	vst v63  }
0x108: {  	s28 =	simm.s32 $0x480  }
0x109: {  	[tilespmem:s13], [sflag:$0x1] =	stream.indirect.gather [hbm4b:s5+s11], $0x40, s28, s11, $0xb8;
	[tilespmem:$0x1B400] =	vst v63  }
0x10a: {  	s28 =	simm.s32 $0x2B00  }
0x10b: {  	[spmem:s2] =	stream.indirect.scatter.add.f32 [tilespmem:s15], [sflag:$0x2], $0x40, s28, s11, $0xb8;
	[tilespmem:$0x1B400] =	vst v63  }
0x10c: {  	_ = 	snop  }
0x10d: {  	[spmem:s3] =	stream.indirect.scatter.add.f32 [tilespmem:s17], [sflag:$0x4], $0x10, s28, s11, $0xb8;
	[tilespmem:$0x1B400] =	vst v63  }
0x10e: {  	s29 =	simm.s32 $0x2B80;
	s28 =	simm.s32 $0x800  }
0x10f: {  	[spmem:s2] =	stream.indirect.scatter.add.f32 [tilespmem:s16], [sflag:$0x2], $0x40, s29, s11, $0xb8;
	[tilespmem:$0x1B400] =	vst v63  }
.LBB2_6:
0x110: {  	[spmem:s3] =	stream.indirect.scatter.add.f32 [tilespmem:s17], [sflag:$0x4], $0x10, s29, s11, $0xb8;
	[tilespmem:$0x1B400] =	vst v63  }
0x111: {  	s29 =	smov.u32 s28  }
0x112: {  	p0 =	sne.s32 s28, $0x8800;
	s28 =	sadd.s32 $0x800, s28;
	_ =	swait.ge [sflag:s14], $0x2000  }
0x113: {  	[sflag:s14] =	ssyncset.done $0x0  }
0x114: {  	[sflag:s14] =	ssyncadd.s32 $0xFFFFE000  }
0x115: {  	_ =	swait.ge [sflag:s14], $0x2000  }
0x116: {  	[sflag:s14] =	ssyncset.done $0x0  }
0x117: {  	[sflag:s14] =	ssyncadd.s32 $0xFFFFE000  }
0x118: {  	_ =	swait.ge [sflag:s6], $0x2000  }
0x119: {  	[sflag:s6] =	ssyncset.done $0x0  }
0x11a: {  	[sflag:s6] =	ssyncadd.s32 $0xFFFFE000  }
0x11b: {  	_ =	swait.ge [sflag:s7], $0x800  }
0x11c: {  	[sflag:s7] =	ssyncset.done $0x0  }
0x11d: {  	[sflag:s7] =	ssyncadd.s32 $0xFFFFF800  }
0x11e: {  	_ =	swait.ge [sflag:s6], $0x2000  }
0x11f: {  	[sflag:s6] =	ssyncset.done $0x0  }
0x120: {  	[sflag:s6] =	ssyncadd.s32 $0xFFFFE000  }
0x121: {  	_ =	swait.ge [sflag:s7], $0x800  }
0x122: {  	s29 =	sshra.s32 s29, $0x2;
	[sflag:s7] =	ssyncset.done $0x0  }
0x123: {  	s30 =	sadd.s32 $0x300, s29;
	[sflag:s7] =	ssyncadd.s32 $0xFFFFF800  }
0x124: {  	[tilespmem:s15], [sflag:$0x1] =	stream.indirect.gather [hbm4b:s5+s11], $0x40, s30, s11, $0xb8;
	[tilespmem:$0x1B400] =	vst v63  }
0x125: {  	s30 =	sadd.s32 $0x380, s29  }
0x126: {  	[tilespmem:s16], [sflag:$0x1] =	stream.indirect.gather [hbm4b:s5+s11], $0x40, s30, s11, $0xb8;
	[tilespmem:$0x1B400] =	vst v63  }
0x127: {  	s30 =	sadd.s32 $0x2A00, s29  }
0x128: {  	[spmem:s2] =	stream.indirect.scatter.add.f32 [tilespmem:s12], [sflag:$0x2], $0x40, s30, s11, $0xb8;
	[tilespmem:$0x1B400] =	vst v63  }
0x129: {  	_ = 	snop  }
0x12a: {  	[spmem:s3] =	stream.indirect.scatter.add.f32 [tilespmem:s17], [sflag:$0x4], $0x10, s30, s11, $0xb8;
	[tilespmem:$0x1B400] =	vst v63  }
0x12b: {  	s30 =	sadd.s32 $0x2A80, s29  }
0x12c: {  	[spmem:s2] =	stream.indirect.scatter.add.f32 [tilespmem:s13], [sflag:$0x2], $0x40, s30, s11, $0xb8;
	[tilespmem:$0x1B400] =	vst v63  }
0x12d: {  	_ = 	snop  }
0x12e: {  	[spmem:s3] =	stream.indirect.scatter.add.f32 [tilespmem:s17], [sflag:$0x4], $0x10, s30, s11, $0xb8;
	[tilespmem:$0x1B400] =	vst v63  }
0x12f: {  	_ =	swait.ge [sflag:s14], $0x2000  }
0x130: {  	[sflag:s14] =	ssyncset.done $0x0  }
0x131: {  	[sflag:s14] =	ssyncadd.s32 $0xFFFFE000  }
0x132: {  	_ =	swait.ge [sflag:s14], $0x2000  }
0x133: {  	[sflag:s14] =	ssyncset.done $0x0  }
0x134: {  	[sflag:s14] =	ssyncadd.s32 $0xFFFFE000  }
0x135: {  	_ =	swait.ge [sflag:s6], $0x2000  }
0x136: {  	[sflag:s6] =	ssyncset.done $0x0  }
0x137: {  	[sflag:s6] =	ssyncadd.s32 $0xFFFFE000  }
0x138: {  	_ =	swait.ge [sflag:s7], $0x800  }
0x139: {  	[sflag:s7] =	ssyncset.done $0x0  }
0x13a: {  	[sflag:s7] =	ssyncadd.s32 $0xFFFFF800  }
0x13b: {  	_ =	swait.ge [sflag:s6], $0x2000  }
0x13c: {  	[sflag:s6] =	ssyncset.done $0x0  }
0x13d: {  	[sflag:s6] =	ssyncadd.s32 $0xFFFFE000  }
0x13e: {  	_ =	swait.ge [sflag:s7], $0x800  }
0x13f: {  	[sflag:s7] =	ssyncset.done $0x0  }
0x140: {  	s30 =	sadd.s32 $0x400, s29;
	[sflag:s7] =	ssyncadd.s32 $0xFFFFF800  }
0x141: {  	[tilespmem:s12], [sflag:$0x1] =	stream.indirect.gather [hbm4b:s5+s11], $0x40, s30, s11, $0xb8;
	[tilespmem:$0x1B400] =	vst v63  }
0x142: {  	s30 =	sadd.s32 $0x480, s29  }
0x143: {  	[tilespmem:s13], [sflag:$0x1] =	stream.indirect.gather [hbm4b:s5+s11], $0x40, s30, s11, $0xb8;
	[tilespmem:$0x1B400] =	vst v63  }
0x144: {  	s30 =	sadd.s32 $0x2B00, s29  }
0x145: {  	[spmem:s2] =	stream.indirect.scatter.add.f32 [tilespmem:s15], [sflag:$0x2], $0x40, s30, s11, $0xb8;
	[tilespmem:$0x1B400] =	vst v63  }
.Ltmp2:
0x146: {  	_ = 	snop;
	(pc) =	sbr.rel @p0 .LBB2_6-.Ltmp2, $4  }
0x147: {  	_ = 	snop  }
0x148: {  	[spmem:s3] =	stream.indirect.scatter.add.f32 [tilespmem:s17], [sflag:$0x4], $0x10, s30, s11, $0xb8;
	[tilespmem:$0x1B400] =	vst v63  }
0x149: {  	s29 =	sadd.s32 $0x2B80, s29  }
0x14a: {  	[spmem:s2] =	stream.indirect.scatter.add.f32 [tilespmem:s16], [sflag:$0x2], $0x40, s29, s11, $0xb8;
	[tilespmem:$0x1B400] =	vst v63  }
0x14b: {  	[spmem:s3] =	stream.indirect.scatter.add.f32 [tilespmem:s17], [sflag:$0x4], $0x10, s29, s11, $0xb8;
	[tilespmem:$0x1B400] =	vst v63  }
0x14c: {  	_ =	swait.ge [sflag:s14], $0x2000  }
0x14d: {  	[sflag:s14] =	ssyncset.done $0x0  }
0x14e: {  	[sflag:s14] =	ssyncadd.s32 $0xFFFFE000  }
0x14f: {  	_ =	swait.ge [sflag:s14], $0x2000  }
0x150: {  	[sflag:s14] =	ssyncset.done $0x0  }
0x151: {  	[sflag:s14] =	ssyncadd.s32 $0xFFFFE000  }
0x152: {  	_ =	swait.ge [sflag:s6], $0x2000  }
0x153: {  	[sflag:s6] =	ssyncset.done $0x0  }
0x154: {  	[sflag:s6] =	ssyncadd.s32 $0xFFFFE000  }
0x155: {  	_ =	swait.ge [sflag:s7], $0x800  }
0x156: {  	[sflag:s7] =	ssyncset.done $0x0  }
0x157: {  	[sflag:s7] =	ssyncadd.s32 $0xFFFFF800  }
0x158: {  	_ =	swait.ge [sflag:s6], $0x2000  }
0x159: {  	[sflag:s6] =	ssyncset.done $0x0  }
0x15a: {  	[sflag:s6] =	ssyncadd.s32 $0xFFFFE000  }
0x15b: {  	_ =	swait.ge [sflag:s7], $0x800  }
0x15c: {  	[sflag:s7] =	ssyncset.done $0x0  }
0x15d: {  	s28 =	simm.s32 $0x2700;
	[sflag:s7] =	ssyncadd.s32 $0xFFFFF800  }
0x15e: {  	[tilespmem:s15], [sflag:$0x1] =	stream.indirect.gather [hbm4b:s5+s11], $0x40, s28, s11, $0xb8;
	[tilespmem:$0x1B400] =	vst v63  }
0x15f: {  	s29 =	simm.s32 $0x2780  }
0x160: {  	[tilespmem:s16], [sflag:$0x1] =	stream.indirect.gather [hbm4b:s5+s11], $0x40, s29, s11, $0xb8;
	[tilespmem:$0x1B400] =	vst v63  }
0x161: {  	_ = 	snop  }
0x162: {  	[spmem:s2] =	stream.indirect.scatter.add.f32 [tilespmem:s12], [sflag:$0x2], $0x40, s21, s11, $0xb8;
	[tilespmem:$0x1B400] =	vst v63  }
0x163: {  	_ = 	snop  }
0x164: {  	[spmem:s3] =	stream.indirect.scatter.add.f32 [tilespmem:s17], [sflag:$0x4], $0x10, s21, s11, $0xb8;
	[tilespmem:$0x1B400] =	vst v63  }
0x165: {  	_ = 	snop  }
0x166: {  	[spmem:s2] =	stream.indirect.scatter.add.f32 [tilespmem:s13], [sflag:$0x2], $0x40, s22, s11, $0xb8;
	[tilespmem:$0x1B400] =	vst v63  }
0x167: {  	_ = 	snop  }
0x168: {  	[spmem:s3] =	stream.indirect.scatter.add.f32 [tilespmem:s17], [sflag:$0x4], $0x10, s22, s11, $0xb8;
	[tilespmem:$0x1B400] =	vst v63  }
0x169: {  	_ =	swait.ge [sflag:s14], $0x2000  }
0x16a: {  	[sflag:s14] =	ssyncset.done $0x0  }
0x16b: {  	[sflag:s14] =	ssyncadd.s32 $0xFFFFE000  }
0x16c: {  	_ =	swait.ge [sflag:s14], $0x2000  }
0x16d: {  	[sflag:s14] =	ssyncset.done $0x0  }
0x16e: {  	[sflag:s14] =	ssyncadd.s32 $0xFFFFE000  }
0x16f: {  	_ =	swait.ge [sflag:s6], $0x2000  }
0x170: {  	[sflag:s6] =	ssyncset.done $0x0  }
0x171: {  	[sflag:s6] =	ssyncadd.s32 $0xFFFFE000  }
0x172: {  	_ =	swait.ge [sflag:s7], $0x800  }
0x173: {  	[sflag:s7] =	ssyncset.done $0x0  }
0x174: {  	[sflag:s7] =	ssyncadd.s32 $0xFFFFF800  }
0x175: {  	_ =	swait.ge [sflag:s6], $0x2000  }
0x176: {  	[sflag:s6] =	ssyncset.done $0x0  }
0x177: {  	[sflag:s6] =	ssyncadd.s32 $0xFFFFE000  }
0x178: {  	_ =	swait.ge [sflag:s7], $0x800  }
0x179: {  	[sflag:s7] =	ssyncset.done $0x0  }
0x17a: {  	[sflag:s7] =	ssyncadd.s32 $0xFFFFF800  }
0x17b: {  	[spmem:s2] =	stream.indirect.scatter.add.f32 [tilespmem:s15], [sflag:$0x2], $0x40, s23, s11, $0xb8;
	[tilespmem:$0x1B400] =	vst v63  }
0x17c: {  	_ = 	snop  }
0x17d: {  	[spmem:s3] =	stream.indirect.scatter.add.f32 [tilespmem:s17], [sflag:$0x4], $0x10, s23, s11, $0xb8;
	[tilespmem:$0x1B400] =	vst v63  }
0x17e: {  	_ = 	snop  }
0x17f: {  	[spmem:s2] =	stream.indirect.scatter.add.f32 [tilespmem:s16], [sflag:$0x2], $0x40, s24, s11, $0xb8;
	[tilespmem:$0x1B400] =	vst v63  }
0x180: {  	_ = 	snop  }
0x181: {  	[spmem:s3] =	stream.indirect.scatter.add.f32 [tilespmem:s17], [sflag:$0x4], $0x10, s24, s11, $0xb8;
	[tilespmem:$0x1B400] =	vst v63  }
0x182: {  	_ =	swait.ge [sflag:s6], $0x2000  }
0x183: {  	[sflag:s6] =	ssyncset.done $0x0  }
0x184: {  	[sflag:s6] =	ssyncadd.s32 $0xFFFFE000  }
0x185: {  	_ =	swait.ge [sflag:s7], $0x800  }
0x186: {  	[sflag:s7] =	ssyncset.done $0x0  }
0x187: {  	[sflag:s7] =	ssyncadd.s32 $0xFFFFF800  }
0x188: {  	_ =	swait.ge [sflag:s6], $0x2000  }
0x189: {  	[sflag:s6] =	ssyncset.done $0x0  }
0x18a: {  	[sflag:s6] =	ssyncadd.s32 $0xFFFFE000  }
0x18b: {  	_ =	swait.ge [sflag:s7], $0x800  }
0x18c: {  	[sflag:s7] =	ssyncset.done $0x0  }
0x18d: {  	s30 =	stileid.u32;
	[sflag:s7] =	ssyncadd.s32 $0xFFFFF800  }
0x18e: {  	s28 =	sshll.u32 s30, $0x6;
	[bflag:$0x0] =	sbarrier.arrive $0xFFFF  }
0x18f: {  	s28 =	sor.u32 $0x1C05, s28;
	s29 =	sshrl.u32 s8, $0x3;
	s30 =	rddreg [dreg:$0x18]  }
0x190: {  	[hbm:s30], [sflag:s28] =	dma.local [spmem:s29], $0x1400  }
0x191: {  	s26 =	sadd.s32 $0x1, s26;
	_ =	swait.ge [sflag:s25], $0x1400  }
0x192: {  	p0 =	sne.s32 s26, s31;
	s29 =	sshrl.u32 s9, $0x3;
	[sflag:s25] =	ssyncset.done $0x0  }
.Ltmp3:
0x193: {  	s30 =	rddreg [dreg:$0x19];
	[sflag:s25] =	ssyncadd.s32 $0xFFFFEC00;
	(pc) =	sbr.rel @p0 .LBB2_1-.Ltmp3, $4  }
0x194: {  	[hbm:s30], [sflag:s28] =	dma.local [spmem:s29], $0x500  }
0x195: {  	_ =	swait.ge [sflag:s25], $0x500  }
0x196: {  	[sflag:s25] =	ssyncset.done $0x0  }
0x197: {  	[sflag:s25] =	ssyncadd.s32 $0xFFFFFB00  }
0x198: {  	_ =	sfence.sel $0x180000  }
0x199: {  	[bflag:$0x0] =	sbarrier.arrive $0xFFFF  }
0x19a: {  	_ =	strace $0x90000047  }
0x19b: {  	s0 =	stileid.u32;
	[bflag:$0x2] =	sbarrier.arrive $0xFFFF  }
0x19c: {  	p0 =	sne.s32 s0, $0x0;
	s0 =	rddreg [dreg:$0x3]  }
0x19d: {  	s0 =	sadd.s32 @!p0 $0x100000, s0  }
0x19e: {  	[sflag:s0] =	ssyncadd.tile.s32 @!p0 $0x1;
	_ =	shalt  }
.Lfunc_end2:
_tile_overlayer_lowered:
.L_overlay_start_2:
0x19f: {  	(tag) =	ssettag $0x2  }
0x1a0: {  	s0 =	rddreg [dreg:$0x0];
	s2 =	stileid.u32  }
0x1a1: {  	s1 =	rddreg [dreg:$0x1];
	p0 =	sne.s32 s2, $0x0  }
0x1a2: {  	s3 =	rddreg [dreg:$0x2];
	[bflag:$0x3] =	sbarrier.arrive $0xFFFF;
	s2 =	simm.s32 @!p0 $0x1C05  }
0x1a3: {  	[timem:s3], [sflag:s2] =	dma.local @!p0 [hbm:s0], s1  }
0x1a4: {  	s0 =	simm.s32 @!p0 $0x5  }
0x1a5: {  	_ =	swait.ge @!p0 [sflag:s0], s1  }
0x1a6: {  	s1 =	ssub.s32 @!p0 $0x0, s1;
	[sflag:s0] =	ssyncset.done @!p0 $0x0  }
0x1a7: {  	[sflag:s0] =	ssyncadd.s32 @!p0 s1  }
0x1a8: {  	[bflag:$0x3] =	sbarrier.arrive $0xFFFF  }
0x1a9: {  	_ =	shalt  }

</sc_bundles>
